<compile_context>
chip_gen: v7x
topology: tpu7x:2x2x1
jax: 0.10.2.dev20260603
libtpu: 0.0.44.dev20260713+nightly
codegen_flags: <defaults>
</compile_context>

<pallas_src>
import jax
import jax.numpy as jnp
from jax import lax
from jax.experimental import pallas as pl
from jax.experimental.pallas import tpu as pltpu
from jax.experimental.pallas import tpu_sc as plsc

N_NODES = 10000
N_EDGES = 160000
D_FEAT = 256
HIDDEN = 16
N_CLASSES = 2

NC = 2
NS = 16
NW = NC * NS
CH = 128
NCH = 40
EPW = CH * NCH
RE = N_EDGES // NW
EP = NW * EPW
NPAD = 10240
ZRD = NPAD // NS
ZRM = NPAD // NS
PF = 6
SD = 6

_SC_PARAMS = pltpu.CompilerParams(use_tc_tiling_on_sc=False)


def _zero_tail(ref, zvec):
    for k in range((EPW - RE) // 16):
        ref[pl.ds(RE + 16 * k, 16)] = zvec
    ref[pl.ds(EPW - 16, 16)] = zvec


def _msg_pass():
    mesh = plsc.VectorSubcoreMesh(core_axis_name="c", subcore_axis_name="s")
    scratch = [
        pltpu.VMEM((NCH, CH), jnp.int32),
        pltpu.VMEM((NCH, CH), jnp.int32),
        pltpu.VMEM((NCH, CH), jnp.float32),
        pltpu.VMEM((EPW, HIDDEN), jnp.float32),
        pltpu.VMEM((ZRM, HIDDEN), jnp.float32),
        pltpu.VMEM_SHARED((NPAD, HIDDEN), jnp.float32),
        pltpu.VMEM_SHARED((NPAD, HIDDEN), jnp.float32),
        pltpu.SemaphoreType.DMA,
        pltpu.SemaphoreType.DMA,
    ]

    def body(row_hbm, col_hbm, ew_hbm, table_hbm, out_hbm,
             row_v, col_v, ew_v, msg_v, zbuf, accum, tbl, gsem, ssem):
        c = lax.axis_index("c")
        s = lax.axis_index("s")
        wid = c * NS + s

        def zb(i, _):
            zbuf[i] = jnp.zeros((HIDDEN,), jnp.float32)
            return 0
        lax.fori_loop(0, ZRM, zb, 0)
        pltpu.sync_copy(zbuf, accum.at[pl.ds(s * ZRM, ZRM)])

        pltpu.sync_copy(table_hbm.at[pl.ds(s * ZRM, ZRM)], zbuf)
        pltpu.sync_copy(zbuf, tbl.at[pl.ds(s * ZRM, ZRM)])

        pltpu.sync_copy(row_hbm.at[pl.ds(wid * NCH, NCH)], row_v)
        pltpu.sync_copy(ew_hbm.at[pl.ds(wid * NCH, NCH)], ew_v)
        pltpu.sync_copy(col_hbm.at[pl.ds(wid * NCH, NCH)], col_v)

        plsc.subcore_barrier()

        def fire_gather(j):
            pltpu.async_copy(tbl.at[row_v.at[j]],
                             msg_v.at[pl.ds(j * CH, CH)], gsem)

        def drain_gather(j):
            pltpu.make_async_copy(tbl.at[row_v.at[j]],
                                  msg_v.at[pl.ds(j * CH, CH)], gsem).wait()

        def fire_scatter(j):
            pltpu.async_copy(msg_v.at[pl.ds(j * CH, CH)],
                             accum.at[col_v.at[j]], ssem, add=True)

        def drain_scatter(j):
            pltpu.make_async_copy(msg_v.at[pl.ds(j * CH, CH)],
                                  accum.at[col_v.at[j]], ssem).wait()

        for j in range(PF):
            fire_gather(j)

        def step(j, _):
            @pl.when(j + PF < NCH)
            def _():
                fire_gather(j + PF)
            drain_gather(j)
            def sc_mid(k16, _):
                w = ew_v[j, pl.ds(k16 * 16, 16)]
                for l in range(16):
                    k = j * CH + k16 * 16 + l
                    msg_v[k] = msg_v[k] * w[l]
                return 0
            lax.fori_loop(0, CH // 16, sc_mid, 0)
            fire_scatter(j)
            @pl.when(j >= SD)
            def _():
                drain_scatter(j - SD)
            return 0
        lax.fori_loop(0, NCH, step, 0)

        def tail(j, _):
            drain_scatter(j)
            return 0
        lax.fori_loop(NCH - SD, NCH, tail, 0)

        plsc.subcore_barrier()

        pltpu.sync_copy(accum.at[pl.ds(s * ZRM, ZRM)],
                        out_hbm.at[c, pl.ds(s * ZRM, ZRM)])

    return pl.kernel(
        body,
        out_type=jax.ShapeDtypeStruct((NC, NPAD, HIDDEN), jnp.float32),
        mesh=mesh,
        scratch_types=scratch,
        compiler_params=_SC_PARAMS,
    )


RCH = 128
NRCH = ZRM // RCH
NRING = 16


def _msg_pass2():
    mesh = plsc.VectorSubcoreMesh(core_axis_name="c", subcore_axis_name="s")
    scratch = [
        pltpu.VMEM((NCH, CH), jnp.int32),
        pltpu.VMEM((NCH, CH), jnp.int32),
        pltpu.VMEM((NCH, CH), jnp.float32),
        pltpu.VMEM((NRING * CH, HIDDEN), jnp.float32),
        pltpu.VMEM((ZRM, HIDDEN), jnp.float32),
        pltpu.VMEM((RCH, HIDDEN), jnp.float32),
        pltpu.VMEM((RCH, HIDDEN), jnp.float32),
        pltpu.VMEM((RCH, HIDDEN), jnp.float32),
        pltpu.VMEM((RCH, HIDDEN), jnp.float32),
        pltpu.VMEM((RCH, HIDDEN), jnp.float32),
        pltpu.VMEM((HIDDEN,), jnp.float32),
        pltpu.VMEM_SHARED((NPAD, HIDDEN), jnp.float32),
        pltpu.VMEM_SHARED((NPAD, HIDDEN), jnp.float32),
        pltpu.SemaphoreType.DMA,
        pltpu.SemaphoreType.DMA,
    ]

    def body(row_hbm, col_hbm, ew_hbm, p1_hbm, vs1_hbm, dis_hbm, b1_hbm,
             out_hbm, vs2_hbm,
             row_v, col_v, ew_v, msg_v, zbuf, pa, pb, vv, dd, oo, bv,
             accum, tbl, gsem, ssem):
        c = lax.axis_index("c")
        s = lax.axis_index("s")
        wid = c * NS + s

        def zb(i, _):
            zbuf[i] = jnp.zeros((HIDDEN,), jnp.float32)
            return 0
        lax.fori_loop(0, ZRM, zb, 0)
        pltpu.sync_copy(zbuf, accum.at[pl.ds(s * ZRM, ZRM)])

        pltpu.sync_copy(b1_hbm, bv)

        def chunk(k, _):
            r0 = s * ZRM + k * RCH
            pltpu.sync_copy(p1_hbm.at[0, pl.ds(r0, RCH)], pa)
            pltpu.sync_copy(p1_hbm.at[1, pl.ds(r0, RCH)], pb)
            pltpu.sync_copy(vs1_hbm.at[pl.ds(r0, RCH)], vv)
            pltpu.sync_copy(dis_hbm.at[pl.ds(r0, RCH)], dd)
            bvec = bv[...]

            def rowf(i, _):
                d = dd[i]
                agg = d * (pa[i] + pb[i] + vv[i]) + bvec
                oo[i] = d * jnp.maximum(agg, 0.0)
                return 0
            lax.fori_loop(0, RCH, rowf, 0)
            pltpu.sync_copy(oo, tbl.at[pl.ds(r0, RCH)])

            @pl.when(c == 0)
            def _():
                pltpu.sync_copy(oo, vs2_hbm.at[pl.ds(r0, RCH)])
            return 0
        lax.fori_loop(0, NRCH, chunk, 0)

        pltpu.sync_copy(row_hbm.at[pl.ds(wid * NCH, NCH)], row_v)
        pltpu.sync_copy(ew_hbm.at[pl.ds(wid * NCH, NCH)], ew_v)
        pltpu.sync_copy(col_hbm.at[pl.ds(wid * NCH, NCH)], col_v)

        plsc.subcore_barrier()

        def slot(j):
            return (j % NRING) * CH

        def fire_gather(j):
            pltpu.async_copy(tbl.at[row_v.at[j]],
                             msg_v.at[pl.ds(slot(j), CH)], gsem)

        def drain_gather(j):
            pltpu.make_async_copy(tbl.at[row_v.at[j]],
                                  msg_v.at[pl.ds(slot(j), CH)], gsem).wait()

        def fire_scatter(j):
            pltpu.async_copy(msg_v.at[pl.ds(slot(j), CH)],
                             accum.at[col_v.at[j]], ssem, add=True)

        def drain_scatter(j):
            pltpu.make_async_copy(msg_v.at[pl.ds(slot(j), CH)],
                                  accum.at[col_v.at[j]], ssem).wait()

        for j in range(PF):
            fire_gather(j)

        def step(j, _):
            @pl.when(j + PF < NCH)
            def _():
                fire_gather(j + PF)
            drain_gather(j)
            def sc_mid(k16, _):
                w = ew_v[j, pl.ds(k16 * 16, 16)]
                for l in range(16):
                    k = slot(j) + k16 * 16 + l
                    msg_v[k] = msg_v[k] * w[l]
                return 0
            lax.fori_loop(0, CH // 16, sc_mid, 0)
            fire_scatter(j)
            @pl.when(j >= SD)
            def _():
                drain_scatter(j - SD)
            return 0
        lax.fori_loop(0, NCH, step, 0)

        def tail(j, _):
            drain_scatter(j)
            return 0
        lax.fori_loop(NCH - SD, NCH, tail, 0)

        plsc.subcore_barrier()

        pltpu.sync_copy(accum.at[pl.ds(s * ZRM, ZRM)],
                        out_hbm.at[c, pl.ds(s * ZRM, ZRM)])

    return pl.kernel(
        body,
        out_type=[jax.ShapeDtypeStruct((NC, NPAD, HIDDEN), jnp.float32),
                  jax.ShapeDtypeStruct((NPAD, HIDDEN), jnp.float32)],
        mesh=mesh,
        scratch_types=scratch,
        compiler_params=_SC_PARAMS,
    )


def _deg_pass():
    mesh = plsc.VectorSubcoreMesh(core_axis_name="c", subcore_axis_name="s")
    scratch = [
        pltpu.VMEM((NCH, CH), jnp.int32),
        pltpu.VMEM((NCH, CH), jnp.float32),
        pltpu.VMEM((ZRD,), jnp.float32),
        pltpu.VMEM((ZRD, HIDDEN), jnp.float32),
        pltpu.VMEM_SHARED((NPAD,), jnp.float32),
        pltpu.SemaphoreType.DMA,
    ]

    def body(col_hbm, ew_hbm, out_hbm, col_v, ew_v, dbuf, obuf, accum, sem):
        c = lax.axis_index("c")
        s = lax.axis_index("s")
        wid = c * NS + s

        def zb(i, _):
            dbuf[pl.ds(i * 16, 16)] = jnp.zeros((16,), jnp.float32)
            return 0
        lax.fori_loop(0, ZRD // 16, zb, 0)
        pltpu.sync_copy(dbuf, accum.at[pl.ds(s * ZRD, ZRD)])

        pltpu.sync_copy(col_hbm.at[pl.ds(wid * NCH, NCH)], col_v)
        pltpu.sync_copy(ew_hbm.at[pl.ds(wid * NCH, NCH)], ew_v)

        plsc.subcore_barrier()

        def fire(j):
            pltpu.async_copy(ew_v.at[j], accum.at[col_v.at[j]], sem,
                             add=True)

        def drain(j):
            pltpu.make_async_copy(ew_v.at[j], accum.at[col_v.at[j]],
                                  sem).wait()

        for j in range(SD):
            fire(j)

        def step(j, _):
            @pl.when(j + SD < NCH)
            def _():
                fire(j + SD)
            drain(j)
            return 0
        lax.fori_loop(0, NCH, step, 0)

        plsc.subcore_barrier()

        pltpu.sync_copy(accum.at[pl.ds(s * ZRD, ZRD)], dbuf)

        def bc(i, _):
            v = dbuf[pl.ds(i * 16, 16)]
            for l in range(16):
                obuf[i * 16 + l] = jnp.ones((HIDDEN,), jnp.float32) * v[l]
            return 0
        lax.fori_loop(0, ZRD // 16, bc, 0)
        pltpu.sync_copy(obuf, out_hbm.at[c, pl.ds(s * ZRD, ZRD)])

    return pl.kernel(
        body,
        out_type=jax.ShapeDtypeStruct((NC, NPAD, HIDDEN), jnp.float32),
        mesh=mesh,
        scratch_types=scratch,
        compiler_params=_SC_PARAMS,
    )


def _tc_mm_body(x_ref, w1_ref, xw_ref):
    xw_ref[...] = jnp.dot(x_ref[...], w1_ref[...],
                          preferred_element_type=jnp.float32)


def _tc1_body(xw_ref, degp_ref, vs1_ref, dis_ref):
    deg = degp_ref[0] + degp_ref[1] + 1.0
    dis = 1.0 / jnp.sqrt(deg)
    vs1_ref[pl.ds(0, N_NODES), :] = dis[:N_NODES] * xw_ref[...]
    vs1_ref[pl.ds(N_NODES, NPAD - N_NODES), :] = jnp.zeros(
        (NPAD - N_NODES, HIDDEN), jnp.float32)
    dis_ref[...] = dis


def _tc3_body(p2_ref, vs2_ref, dis_ref, w2_ref, b2_ref, out_ref):
    u2 = (p2_ref[0, pl.ds(0, N_NODES), :]
          + p2_ref[1, pl.ds(0, N_NODES), :])
    t = dis_ref[pl.ds(0, N_NODES), :] * (u2 + vs2_ref[pl.ds(0, N_NODES), :])
    logits = jnp.dot(t, w2_ref[...],
                     preferred_element_type=jnp.float32) + b2_ref[...]
    m = jnp.max(logits, axis=1, keepdims=True)
    lse = m + jnp.log(jnp.sum(jnp.exp(logits - m), axis=1, keepdims=True))
    out_ref[...] = logits - lse


def kernel(x, edge_index, edge_attr, W1, b1, W2, b2):
    ei32 = edge_index.astype(jnp.int32)
    ei2d = jnp.pad(ei32, ((0, 0), (0, EP - N_EDGES))).reshape(
        2, NW * NCH, CH)
    row2d = ei2d[0]
    col2d = ei2d[1]
    ew2d = jnp.pad(edge_attr, (0, EP - N_EDGES)).reshape(NW * NCH, CH)
    b2r = b2.reshape(1, N_CLASSES)

    degp = _deg_pass()(col2d, ew2d)
    xw = pl.pallas_call(
        _tc_mm_body,
        out_shape=jax.ShapeDtypeStruct((N_NODES, HIDDEN), jnp.float32),
    )(x, W1)

    vs1, dis_b = pl.pallas_call(
        _tc1_body,
        out_shape=[jax.ShapeDtypeStruct((NPAD, HIDDEN), jnp.float32),
                   jax.ShapeDtypeStruct((NPAD, HIDDEN), jnp.float32)],
    )(xw, degp)

    p1 = _msg_pass()(row2d, col2d, ew2d, vs1)

    p2, vs2 = _msg_pass2()(row2d, col2d, ew2d, p1, vs1, dis_b, b1)

    out = pl.pallas_call(
        _tc3_body,
        out_shape=jax.ShapeDtypeStruct((N_NODES, N_CLASSES), jnp.float32),
    )(p2, vs2, dis_b, W2, b2r)

    return out

# --- scband reference (transcript-rebuilt; emitter-appended) ---
"""Pipeline reference for scband-gcnnet-bitcoin-3375844295346 (READ-ONLY COPY).

The authoritative reference and input builder live on the scoring server;
editing this copy changes nothing except your own understanding.
"""

import jax, jax.numpy as jnp
import numpy as np

N_NODES = 10000
N_EDGES = 160000
D_FEAT = 256
HIDDEN = 16
N_CLASSES = 2


def setup_inputs(seed: int = 0) -> dict:
    key = jax.random.key(seed)
    k1, k2, k3, k4, k5, k6, k7, k8 = jax.random.split(key, 8)
    x = jax.random.normal(k1, (N_NODES, D_FEAT), dtype=jnp.float32)
    edge_index = jax.random.randint(k2, (2, N_EDGES), 0, N_NODES, dtype=jnp.int64)
    edge_attr = jax.random.uniform(k3, (N_EDGES,), dtype=jnp.float32)
    # GCNConv weights (glorot-like init)
    W1 = jax.random.normal(k4, (D_FEAT, HIDDEN), dtype=jnp.float32) * (1.0 / np.sqrt(D_FEAT))
    b1 = jnp.zeros((HIDDEN,), dtype=jnp.float32)
    W2 = jax.random.normal(k5, (HIDDEN, N_CLASSES), dtype=jnp.float32) * (1.0 / np.sqrt(HIDDEN))
    b2 = jnp.zeros((N_CLASSES,), dtype=jnp.float32)
    return {"x": x, "edge_index": edge_index, "edge_attr": edge_attr, "W1": W1, "b1": b1, "W2": W2, "b2": b2}


def _gcn_conv(x, edge_index, edge_weight, W, b, num_nodes):
    # linear transform first (PyG GCNConv)
    x = x @ W
    row = edge_index[0]
    col = edge_index[1]
    # add self loops with weight 1.0
    loop = jnp.arange(num_nodes, dtype=row.dtype)
    row = jnp.concatenate([row, loop])
    col = jnp.concatenate([col, loop])
    ew = jnp.concatenate([edge_weight, jnp.ones((num_nodes,), dtype=edge_weight.dtype)])
    # symmetric normalization D^{-1/2} A D^{-1/2}
    deg = jnp.zeros((num_nodes,), dtype=x.dtype).at[col].add(ew)
    deg_inv_sqrt = jnp.where(deg > 0, 1.0 / jnp.sqrt(deg), 0.0)
    norm = deg_inv_sqrt[row] * ew * deg_inv_sqrt[col]
    # gather messages from src, scale, scatter-add into dst
    msg = jnp.take(x, row, axis=0) * norm[:, None]
    out = jnp.zeros((num_nodes, x.shape[1]), dtype=x.dtype).at[col].add(msg)
    return out + b


def reference(x, edge_index, edge_attr, W1, b1, W2, b2):
    n = x.shape[0]
    h = _gcn_conv(x, edge_index, edge_attr, W1, b1, n)
    h = jax.nn.relu(h)
    # F.dropout(training=self.training) -> identity in eval mode
    h = _gcn_conv(h, edge_index, edge_attr, W2, b2, n)
    return jax.nn.log_softmax(h, axis=1)

if __name__ == "__main__":
    import jax
    _d = setup_inputs()
    print(jax.jit(kernel)(*tuple(_d.values())))

</pallas_src>

<mosaic_0001>
#map = affine_map<(d0, d1) -> (0, 0)>
#map1 = affine_map<(d0, d1) -> (0, 0, 0)>
module attributes {stable_mosaic.version = 14 : i64} {
  func.func @body(%arg0: i32, %arg1: i32, %arg2: memref<1280x128xi32, #tpu.memory_space<hbm>>, %arg3: memref<1280x128xf32, #tpu.memory_space<hbm>>, %arg4: memref<2x10240x16xf32, #tpu.memory_space<hbm>>, %arg5: memref<40x128xi32, #tpu.memory_space<vmem>>, %arg6: memref<40x128xf32, #tpu.memory_space<vmem>>, %arg7: memref<640xf32, #tpu.memory_space<vmem>>, %arg8: memref<640x16xf32, #tpu.memory_space<vmem>>, %arg9: memref<10240xf32, #tpu.memory_space<vmem_shared>>, %arg10: memref<!tpu.dma_semaphore, #tpu.memory_space<semaphore_mem>>) attributes {dimension_semantics = [#tpu.dimension_semantics<core_parallel>, #tpu.dimension_semantics<subcore_parallel>], iteration_bounds = array<i64: 2, 16>, scalar_prefetch = 0 : i64, scratch_operands = 6 : i64, tpu.core_type = #tpu.core_type<sc_vector_subcore>, window_params = [{transform_indices = #map}, {transform_indices = #map}, {transform_indices = #map1}]} {
    %mul3A = arith.constant 16 : i32
    %mul3A_0 = arith.muli %arg0, %mul3A : i32
    %add3A = arith.addi %mul3A_0, %arg1 : i32
    %scan3A = arith.constant 0 : i32
    %scan3A_1 = arith.constant 0 : i32
    %scan3A_2 = arith.constant 40 : i32
    %scan3A_3 = arith.addi %scan3A_1, %scan3A_2 : i32
    %scan3A_4 = arith.constant 1 : i32
    %scan3A_5 = scf.for %scan3A_91 = %scan3A_1 to %scan3A_3 step %scan3A_4 iter_args(%scan3A_92 = %scan3A) -> (i32)  : i32 {
      %broadcast_in_dim3A = arith.constant 0.000000e+00 : f32
      %broadcast_in_dim3A_93 = vector.broadcast %broadcast_in_dim3A : f32 to vector<16xf32>
      %mul3A_94 = arith.constant 16 : i32
      %mul3A_95 = arith.muli %scan3A_91, %mul3A_94 : i32
      %swap3A = arith.index_cast %mul3A_95 : i32 to index
      %swap3A_96 = tpu.vector_load %arg7[%swap3A] {strides = array<i32>} : memref<640xf32, #tpu.memory_space<vmem>>, vector<16xf32>,
      %swap3A_97 = vector.shape_cast %swap3A_96 : vector<16xf32> to vector<16xf32>
      %swap3A_98 = vector.shape_cast %broadcast_in_dim3A_93 : vector<16xf32> to vector<16xf32>
      tpu.vector_store %arg7[%swap3A], %swap3A_98 {strides = array<i32>} : memref<640xf32, #tpu.memory_space<vmem>>, vector<16xf32>,
      %scan3A_99 = arith.constant 0 : i32
      scf.yield %scan3A_99 : i32
    }
    %scan3A_6 = arith.constant 40 : i32
    %mul3A_7 = arith.constant 640 : i32
    %mul3A_8 = arith.muli %arg1, %mul3A_7 : i32
    "tpu.region"() ({
      %run_scoped3A = tpu.sem_alloc : memref<!tpu.dma_semaphore, #tpu.memory_space<semaphore_mem>>
      %dma_start3A_91 = tpu.memref_slice %arg9[%mul3A_8] : memref<10240xf32, #tpu.memory_space<vmem_shared>> -> memref<640xf32, #tpu.memory_space<vmem_shared>>
      %dma_start3A_92 = tpu.memref_slice %arg9[%mul3A_8] : memref<10240xf32, #tpu.memory_space<vmem_shared>> -> memref<640xf32, #tpu.memory_space<vmem_shared>>
      tpu.enqueue_dma source(%arg7 : memref<640xf32, #tpu.memory_space<vmem>>) target(%dma_start3A_92 : memref<640xf32, #tpu.memory_space<vmem_shared>>) target_semaphore(%run_scoped3A : memref<!tpu.dma_semaphore, #tpu.memory_space<semaphore_mem>>)
      %dma_wait3A = tpu.memref_slice %arg9[%mul3A_8] : memref<10240xf32, #tpu.memory_space<vmem_shared>> -> memref<640xf32, #tpu.memory_space<vmem_shared>>
      %dma_wait3A_93 = tpu.memref_slice %arg9[%mul3A_8] : memref<10240xf32, #tpu.memory_space<vmem_shared>> -> memref<640xf32, #tpu.memory_space<vmem_shared>>
      tpu.wait_dma2 semaphore(%run_scoped3A : memref<!tpu.dma_semaphore, #tpu.memory_space<semaphore_mem>>) src(%arg7 : memref<640xf32, #tpu.memory_space<vmem>>) dst(%dma_wait3A_93 : memref<640xf32, #tpu.memory_space<vmem_shared>>)
      tpu.yield
    }) : () -> ()
    %mul3A_9 = arith.constant 40 : i32
    %mul3A_10 = arith.muli %add3A, %mul3A_9 : i32
    "tpu.region"() ({
      %run_scoped3A = tpu.sem_alloc : memref<!tpu.dma_semaphore, #tpu.memory_space<semaphore_mem>>
      %dma_start3A_91 = arith.constant 0 : i32
      %dma_start3A_92 = tpu.memref_slice %arg2[%mul3A_10, %dma_start3A_91] : memref<1280x128xi32, #tpu.memory_space<hbm>> -> memref<40x128xi32, #tpu.memory_space<hbm>>
      %dma_start3A_93 = arith.constant 0 : i32
      %dma_start3A_94 = tpu.memref_slice %arg2[%mul3A_10, %dma_start3A_93] : memref<1280x128xi32, #tpu.memory_space<hbm>> -> memref<40x128xi32, #tpu.memory_space<hbm>>
      tpu.enqueue_dma source(%dma_start3A_94 : memref<40x128xi32, #tpu.memory_space<hbm>>) target(%arg5 : memref<40x128xi32, #tpu.memory_space<vmem>>) target_semaphore(%run_scoped3A : memref<!tpu.dma_semaphore, #tpu.memory_space<semaphore_mem>>)
      %dma_wait3A = arith.constant 0 : i32
      %dma_wait3A_95 = tpu.memref_slice %arg2[%mul3A_10, %dma_wait3A] : memref<1280x128xi32, #tpu.memory_space<hbm>> -> memref<40x128xi32, #tpu.memory_space<hbm>>
      %dma_wait3A_96 = arith.constant 0 : i32
      %dma_wait3A_97 = tpu.memref_slice %arg2[%mul3A_10, %dma_wait3A_96] : memref<1280x128xi32, #tpu.memory_space<hbm>> -> memref<40x128xi32, #tpu.memory_space<hbm>>
      tpu.wait_dma2 semaphore(%run_scoped3A : memref<!tpu.dma_semaphore, #tpu.memory_space<semaphore_mem>>) src(%dma_wait3A_97 : memref<40x128xi32, #tpu.memory_space<hbm>>) dst(%arg5 : memref<40x128xi32, #tpu.memory_space<vmem>>)
      tpu.yield
    }) : () -> ()
    %mul3A_11 = arith.constant 40 : i32
    %mul3A_12 = arith.muli %add3A, %mul3A_11 : i32
    "tpu.region"() ({
      %run_scoped3A = tpu.sem_alloc : memref<!tpu.dma_semaphore, #tpu.memory_space<semaphore_mem>>
      %dma_start3A_91 = arith.constant 0 : i32
      %dma_start3A_92 = tpu.memref_slice %arg3[%mul3A_12, %dma_start3A_91] : memref<1280x128xf32, #tpu.memory_space<hbm>> -> memref<40x128xf32, #tpu.memory_space<hbm>>
      %dma_start3A_93 = arith.constant 0 : i32
      %dma_start3A_94 = tpu.memref_slice %arg3[%mul3A_12, %dma_start3A_93] : memref<1280x128xf32, #tpu.memory_space<hbm>> -> memref<40x128xf32, #tpu.memory_space<hbm>>
      tpu.enqueue_dma source(%dma_start3A_94 : memref<40x128xf32, #tpu.memory_space<hbm>>) target(%arg6 : memref<40x128xf32, #tpu.memory_space<vmem>>) target_semaphore(%run_scoped3A : memref<!tpu.dma_semaphore, #tpu.memory_space<semaphore_mem>>)
      %dma_wait3A = arith.constant 0 : i32
      %dma_wait3A_95 = tpu.memref_slice %arg3[%mul3A_12, %dma_wait3A] : memref<1280x128xf32, #tpu.memory_space<hbm>> -> memref<40x128xf32, #tpu.memory_space<hbm>>
      %dma_wait3A_96 = arith.constant 0 : i32
      %dma_wait3A_97 = tpu.memref_slice %arg3[%mul3A_12, %dma_wait3A_96] : memref<1280x128xf32, #tpu.memory_space<hbm>> -> memref<40x128xf32, #tpu.memory_space<hbm>>
      tpu.wait_dma2 semaphore(%run_scoped3A : memref<!tpu.dma_semaphore, #tpu.memory_space<semaphore_mem>>) src(%dma_wait3A_97 : memref<40x128xf32, #tpu.memory_space<hbm>>) dst(%arg6 : memref<40x128xf32, #tpu.memory_space<vmem>>)
      tpu.yield
    }) : () -> ()
    %barrier3A = arith.constant 0 : index
    tpu.barrier barrier_id(%barrier3A)
    %dma_start3A = arith.constant 0 : i32
    %dma_start3A_13 = arith.constant 0 : i32
    %dma_start3A_14 = arith.constant 0 : i32
    %dma_start3A_15 = tpu.memref_slice %arg6[%dma_start3A, %dma_start3A_14] : memref<40x128xf32, #tpu.memory_space<vmem>> -> memref<1x128xf32, #tpu.memory_space<vmem>>
    %dma_start3A_16 = tpu.memref_squeeze %dma_start3A_15 : memref<1x128xf32, #tpu.memory_space<vmem>> -> memref<128xf32, #tpu.memory_space<vmem>>
    %dma_start3A_17 = arith.constant 0 : i32
    %dma_start3A_18 = tpu.memref_slice %arg5[%dma_start3A_13, %dma_start3A_17] : memref<40x128xi32, #tpu.memory_space<vmem>> -> memref<1x128xi32, #tpu.memory_space<vmem>>
    %dma_start3A_19 = tpu.memref_squeeze %dma_start3A_18 : memref<1x128xi32, #tpu.memory_space<vmem>> -> memref<128xi32, #tpu.memory_space<vmem>>
    %dma_start3A_20 = arith.constant 0 : i32
    %dma_start3A_21 = tpu.memref_slice %arg9[%dma_start3A_20] : memref<10240xf32, #tpu.memory_space<vmem_shared>> -> memref<10240xf32, #tpu.memory_space<vmem_shared>>
    tpu.enqueue_indirect_dma source(%dma_start3A_16 : memref<128xf32, #tpu.memory_space<vmem>>) target(%dma_start3A_21 : memref<10240xf32, #tpu.memory_space<vmem_shared>>) offsets(%dma_start3A_19 : memref<128xi32, #tpu.memory_space<vmem>>) semaphore(%arg10 : memref<!tpu.dma_semaphore, #tpu.memory_space<semaphore_mem>>) {add = true}
    %dma_start3A_22 = arith.constant 1 : i32
    %dma_start3A_23 = arith.constant 1 : i32
    %dma_start3A_24 = arith.constant 0 : i32
    %dma_start3A_25 = tpu.memref_slice %arg6[%dma_start3A_22, %dma_start3A_24] : memref<40x128xf32, #tpu.memory_space<vmem>> -> memref<1x128xf32, #tpu.memory_space<vmem>>
    %dma_start3A_26 = tpu.memref_squeeze %dma_start3A_25 : memref<1x128xf32, #tpu.memory_space<vmem>> -> memref<128xf32, #tpu.memory_space<vmem>>
    %dma_start3A_27 = arith.constant 0 : i32
    %dma_start3A_28 = tpu.memref_slice %arg5[%dma_start3A_23, %dma_start3A_27] : memref<40x128xi32, #tpu.memory_space<vmem>> -> memref<1x128xi32, #tpu.memory_space<vmem>>
    %dma_start3A_29 = tpu.memref_squeeze %dma_start3A_28 : memref<1x128xi32, #tpu.memory_space<vmem>> -> memref<128xi32, #tpu.memory_space<vmem>>
    %dma_start3A_30 = arith.constant 0 : i32
    %dma_start3A_31 = tpu.memref_slice %arg9[%dma_start3A_30] : memref<10240xf32, #tpu.memory_space<vmem_shared>> -> memref<10240xf32, #tpu.memory_space<vmem_shared>>
    tpu.enqueue_indirect_dma source(%dma_start3A_26 : memref<128xf32, #tpu.memory_space<vmem>>) target(%dma_start3A_31 : memref<10240xf32, #tpu.memory_space<vmem_shared>>) offsets(%dma_start3A_29 : memref<128xi32, #tpu.memory_space<vmem>>) semaphore(%arg10 : memref<!tpu.dma_semaphore, #tpu.memory_space<semaphore_mem>>) {add = true}
    %dma_start3A_32 = arith.constant 2 : i32
    %dma_start3A_33 = arith.constant 2 : i32
    %dma_start3A_34 = arith.constant 0 : i32
    %dma_start3A_35 = tpu.memref_slice %arg6[%dma_start3A_32, %dma_start3A_34] : memref<40x128xf32, #tpu.memory_space<vmem>> -> memref<1x128xf32, #tpu.memory_space<vmem>>
    %dma_start3A_36 = tpu.memref_squeeze %dma_start3A_35 : memref<1x128xf32, #tpu.memory_space<vmem>> -> memref<128xf32, #tpu.memory_space<vmem>>
    %dma_start3A_37 = arith.constant 0 : i32
    %dma_start3A_38 = tpu.memref_slice %arg5[%dma_start3A_33, %dma_start3A_37] : memref<40x128xi32, #tpu.memory_space<vmem>> -> memref<1x128xi32, #tpu.memory_space<vmem>>
    %dma_start3A_39 = tpu.memref_squeeze %dma_start3A_38 : memref<1x128xi32, #tpu.memory_space<vmem>> -> memref<128xi32, #tpu.memory_space<vmem>>
    %dma_start3A_40 = arith.constant 0 : i32
    %dma_start3A_41 = tpu.memref_slice %arg9[%dma_start3A_40] : memref<10240xf32, #tpu.memory_space<vmem_shared>> -> memref<10240xf32, #tpu.memory_space<vmem_shared>>
    tpu.enqueue_indirect_dma source(%dma_start3A_36 : memref<128xf32, #tpu.memory_space<vmem>>) target(%dma_start3A_41 : memref<10240xf32, #tpu.memory_space<vmem_shared>>) offsets(%dma_start3A_39 : memref<128xi32, #tpu.memory_space<vmem>>) semaphore(%arg10 : memref<!tpu.dma_semaphore, #tpu.memory_space<semaphore_mem>>) {add = true}
    %dma_start3A_42 = arith.constant 3 : i32
    %dma_start3A_43 = arith.constant 3 : i32
    %dma_start3A_44 = arith.constant 0 : i32
    %dma_start3A_45 = tpu.memref_slice %arg6[%dma_start3A_42, %dma_start3A_44] : memref<40x128xf32, #tpu.memory_space<vmem>> -> memref<1x128xf32, #tpu.memory_space<vmem>>
    %dma_start3A_46 = tpu.memref_squeeze %dma_start3A_45 : memref<1x128xf32, #tpu.memory_space<vmem>> -> memref<128xf32, #tpu.memory_space<vmem>>
    %dma_start3A_47 = arith.constant 0 : i32
    %dma_start3A_48 = tpu.memref_slice %arg5[%dma_start3A_43, %dma_start3A_47] : memref<40x128xi32, #tpu.memory_space<vmem>> -> memref<1x128xi32, #tpu.memory_space<vmem>>
    %dma_start3A_49 = tpu.memref_squeeze %dma_start3A_48 : memref<1x128xi32, #tpu.memory_space<vmem>> -> memref<128xi32, #tpu.memory_space<vmem>>
    %dma_start3A_50 = arith.constant 0 : i32
    %dma_start3A_51 = tpu.memref_slice %arg9[%dma_start3A_50] : memref<10240xf32, #tpu.memory_space<vmem_shared>> -> memref<10240xf32, #tpu.memory_space<vmem_shared>>
    tpu.enqueue_indirect_dma source(%dma_start3A_46 : memref<128xf32, #tpu.memory_space<vmem>>) target(%dma_start3A_51 : memref<10240xf32, #tpu.memory_space<vmem_shared>>) offsets(%dma_start3A_49 : memref<128xi32, #tpu.memory_space<vmem>>) semaphore(%arg10 : memref<!tpu.dma_semaphore, #tpu.memory_space<semaphore_mem>>) {add = true}
    %dma_start3A_52 = arith.constant 4 : i32
    %dma_start3A_53 = arith.constant 4 : i32
    %dma_start3A_54 = arith.constant 0 : i32
    %dma_start3A_55 = tpu.memref_slice %arg6[%dma_start3A_52, %dma_start3A_54] : memref<40x128xf32, #tpu.memory_space<vmem>> -> memref<1x128xf32, #tpu.memory_space<vmem>>
    %dma_start3A_56 = tpu.memref_squeeze %dma_start3A_55 : memref<1x128xf32, #tpu.memory_space<vmem>> -> memref<128xf32, #tpu.memory_space<vmem>>
    %dma_start3A_57 = arith.constant 0 : i32
    %dma_start3A_58 = tpu.memref_slice %arg5[%dma_start3A_53, %dma_start3A_57] : memref<40x128xi32, #tpu.memory_space<vmem>> -> memref<1x128xi32, #tpu.memory_space<vmem>>
    %dma_start3A_59 = tpu.memref_squeeze %dma_start3A_58 : memref<1x128xi32, #tpu.memory_space<vmem>> -> memref<128xi32, #tpu.memory_space<vmem>>
    %dma_start3A_60 = arith.constant 0 : i32
    %dma_start3A_61 = tpu.memref_slice %arg9[%dma_start3A_60] : memref<10240xf32, #tpu.memory_space<vmem_shared>> -> memref<10240xf32, #tpu.memory_space<vmem_shared>>
    tpu.enqueue_indirect_dma source(%dma_start3A_56 : memref<128xf32, #tpu.memory_space<vmem>>) target(%dma_start3A_61 : memref<10240xf32, #tpu.memory_space<vmem_shared>>) offsets(%dma_start3A_59 : memref<128xi32, #tpu.memory_space<vmem>>) semaphore(%arg10 : memref<!tpu.dma_semaphore, #tpu.memory_space<semaphore_mem>>) {add = true}
    %dma_start3A_62 = arith.constant 5 : i32
    %dma_start3A_63 = arith.constant 5 : i32
    %dma_start3A_64 = arith.constant 0 : i32
    %dma_start3A_65 = tpu.memref_slice %arg6[%dma_start3A_62, %dma_start3A_64] : memref<40x128xf32, #tpu.memory_space<vmem>> -> memref<1x128xf32, #tpu.memory_space<vmem>>
    %dma_start3A_66 = tpu.memref_squeeze %dma_start3A_65 : memref<1x128xf32, #tpu.memory_space<vmem>> -> memref<128xf32, #tpu.memory_space<vmem>>
    %dma_start3A_67 = arith.constant 0 : i32
    %dma_start3A_68 = tpu.memref_slice %arg5[%dma_start3A_63, %dma_start3A_67] : memref<40x128xi32, #tpu.memory_space<vmem>> -> memref<1x128xi32, #tpu.memory_space<vmem>>
    %dma_start3A_69 = tpu.memref_squeeze %dma_start3A_68 : memref<1x128xi32, #tpu.memory_space<vmem>> -> memref<128xi32, #tpu.memory_space<vmem>>
    %dma_start3A_70 = arith.constant 0 : i32
    %dma_start3A_71 = tpu.memref_slice %arg9[%dma_start3A_70] : memref<10240xf32, #tpu.memory_space<vmem_shared>> -> memref<10240xf32, #tpu.memory_space<vmem_shared>>
    tpu.enqueue_indirect_dma source(%dma_start3A_66 : memref<128xf32, #tpu.memory_space<vmem>>) target(%dma_start3A_71 : memref<10240xf32, #tpu.memory_space<vmem_shared>>) offsets(%dma_start3A_69 : memref<128xi32, #tpu.memory_space<vmem>>) semaphore(%arg10 : memref<!tpu.dma_semaphore, #tpu.memory_space<semaphore_mem>>) {add = true}
    %scan3A_72 = arith.constant 0 : i32
    %scan3A_73 = arith.constant 0 : i32
    %scan3A_74 = arith.constant 40 : i32
    %scan3A_75 = arith.addi %scan3A_73, %scan3A_74 : i32
    %scan3A_76 = arith.constant 1 : i32
    %scan3A_77 = scf.for %scan3A_91 = %scan3A_73 to %scan3A_75 step %scan3A_76 iter_args(%scan3A_92 = %scan3A_72) -> (i32)  : i32 {
      %add3A_93 = arith.constant 6 : i32
      %add3A_94 = arith.addi %scan3A_91, %add3A_93 : i32
      %lt3A = arith.constant 40 : i32
      %lt3A_95 = arith.cmpi slt, %add3A_94, %lt3A : i32
      %convert_element_type3A = arith.extui %lt3A_95 : i1 to i32
      %cond3A = arith.constant 0 : i32
      %cond3A_96 = arith.cmpi ne, %convert_element_type3A, %cond3A : i32
      scf.if %cond3A_96 {
        %add3A_105 = arith.constant 6 : i32
        %add3A_106 = arith.addi %scan3A_91, %add3A_105 : i32
        %dma_start3A_107 = arith.constant 0 : i32
        %dma_start3A_108 = tpu.memref_slice %arg6[%add3A_106, %dma_start3A_107] : memref<40x128xf32, #tpu.memory_space<vmem>> -> memref<1x128xf32, #tpu.memory_space<vmem>>
        %dma_start3A_109 = tpu.memref_squeeze %dma_start3A_108 : memref<1x128xf32, #tpu.memory_space<vmem>> -> memref<128xf32, #tpu.memory_space<vmem>>
        %dma_start3A_110 = arith.constant 0 : i32
        %dma_start3A_111 = tpu.memref_slice %arg5[%add3A_106, %dma_start3A_110] : memref<40x128xi32, #tpu.memory_space<vmem>> -> memref<1x128xi32, #tpu.memory_space<vmem>>
        %dma_start3A_112 = tpu.memref_squeeze %dma_start3A_111 : memref<1x128xi32, #tpu.memory_space<vmem>> -> memref<128xi32, #tpu.memory_space<vmem>>
        %dma_start3A_113 = arith.constant 0 : i32
        %dma_start3A_114 = tpu.memref_slice %arg9[%dma_start3A_113] : memref<10240xf32, #tpu.memory_space<vmem_shared>> -> memref<10240xf32, #tpu.memory_space<vmem_shared>>
        tpu.enqueue_indirect_dma source(%dma_start3A_109 : memref<128xf32, #tpu.memory_space<vmem>>) target(%dma_start3A_114 : memref<10240xf32, #tpu.memory_space<vmem_shared>>) offsets(%dma_start3A_112 : memref<128xi32, #tpu.memory_space<vmem>>) semaphore(%arg10 : memref<!tpu.dma_semaphore, #tpu.memory_space<semaphore_mem>>) {add = true}
      } else {
      }
      %dma_wait3A = arith.constant 0 : i32
      %dma_wait3A_97 = tpu.memref_slice %arg6[%scan3A_91, %dma_wait3A] : memref<40x128xf32, #tpu.memory_space<vmem>> -> memref<1x128xf32, #tpu.memory_space<vmem>>
      %dma_wait3A_98 = tpu.memref_squeeze %dma_wait3A_97 : memref<1x128xf32, #tpu.memory_space<vmem>> -> memref<128xf32, #tpu.memory_space<vmem>>
      %dma_wait3A_99 = arith.constant 0 : i32
      %dma_wait3A_100 = tpu.memref_slice %arg5[%scan3A_91, %dma_wait3A_99] : memref<40x128xi32, #tpu.memory_space<vmem>> -> memref<1x128xi32, #tpu.memory_space<vmem>>
      %dma_wait3A_101 = tpu.memref_squeeze %dma_wait3A_100 : memref<1x128xi32, #tpu.memory_space<vmem>> -> memref<128xi32, #tpu.memory_space<vmem>>
      %dma_wait3A_102 = arith.constant 0 : i32
      %dma_wait3A_103 = tpu.memref_slice %arg9[%dma_wait3A_102] : memref<10240xf32, #tpu.memory_space<vmem_shared>> -> memref<10240xf32, #tpu.memory_space<vmem_shared>>
      tpu.wait_indirect_dma semaphore(%arg10 : memref<!tpu.dma_semaphore, #tpu.memory_space<semaphore_mem>>) src(%dma_wait3A_98 : memref<128xf32, #tpu.memory_space<vmem>>) dst(%dma_wait3A_103 : memref<10240xf32, #tpu.memory_space<vmem_shared>>)
      %scan3A_104 = arith.constant 0 : i32
      scf.yield %scan3A_104 : i32
    }
    %scan3A_78 = arith.constant 40 : i32
    %barrier3A_79 = arith.constant 0 : index
    tpu.barrier barrier_id(%barrier3A_79)
    %mul3A_80 = arith.constant 640 : i32
    %mul3A_81 = arith.muli %arg1, %mul3A_80 : i32
    "tpu.region"() ({
      %run_scoped3A = tpu.sem_alloc : memref<!tpu.dma_semaphore, #tpu.memory_space<semaphore_mem>>
      %dma_start3A_91 = tpu.memref_slice %arg9[%mul3A_81] : memref<10240xf32, #tpu.memory_space<vmem_shared>> -> memref<640xf32, #tpu.memory_space<vmem_shared>>
      %dma_start3A_92 = tpu.memref_slice %arg9[%mul3A_81] : memref<10240xf32, #tpu.memory_space<vmem_shared>> -> memref<640xf32, #tpu.memory_space<vmem_shared>>
      tpu.enqueue_dma source(%dma_start3A_92 : memref<640xf32, #tpu.memory_space<vmem_shared>>) target(%arg7 : memref<640xf32, #tpu.memory_space<vmem>>) target_semaphore(%run_scoped3A : memref<!tpu.dma_semaphore, #tpu.memory_space<semaphore_mem>>)
      %dma_wait3A = tpu.memref_slice %arg9[%mul3A_81] : memref<10240xf32, #tpu.memory_space<vmem_shared>> -> memref<640xf32, #tpu.memory_space<vmem_shared>>
      %dma_wait3A_93 = tpu.memref_slice %arg9[%mul3A_81] : memref<10240xf32, #tpu.memory_space<vmem_shared>> -> memref<640xf32, #tpu.memory_space<vmem_shared>>
      tpu.wait_dma2 semaphore(%run_scoped3A : memref<!tpu.dma_semaphore, #tpu.memory_space<semaphore_mem>>) src(%dma_wait3A_93 : memref<640xf32, #tpu.memory_space<vmem_shared>>) dst(%arg7 : memref<640xf32, #tpu.memory_space<vmem>>)
      tpu.yield
    }) : () -> ()
    %scan3A_82 = arith.constant 0 : i32
    %scan3A_83 = arith.constant 0 : i32
    %scan3A_84 = arith.constant 40 : i32
    %scan3A_85 = arith.addi %scan3A_83, %scan3A_84 : i32
    %scan3A_86 = arith.constant 1 : i32
    %scan3A_87 = scf.for %scan3A_91 = %scan3A_83 to %scan3A_85 step %scan3A_86 iter_args(%scan3A_92 = %scan3A_82) -> (i32)  : i32 {
      %mul3A_93 = arith.constant 16 : i32
      %mul3A_94 = arith.muli %scan3A_91, %mul3A_93 : i32
      %get3A = arith.index_cast %mul3A_94 : i32 to index
      %get3A_95 = tpu.vector_load %arg7[%get3A] {strides = array<i32>} : memref<640xf32, #tpu.memory_space<vmem>>, vector<16xf32>,
      %get3A_96 = vector.shape_cast %get3A_95 : vector<16xf32> to vector<16xf32>
      %broadcast_in_dim3A = arith.constant 1.000000e+00 : f32
      %broadcast_in_dim3A_97 = vector.broadcast %broadcast_in_dim3A : f32 to vector<16xf32>
      %slice3A = vector.extract_strided_slice %get3A_96 {offsets = [0], sizes = [1], strides = [1]} : vector<16xf32> to vector<1xf32>
      %squeeze3A = vector.extract %slice3A[0] : f32 from vector<1xf32>
      %mul3A_98 = vector.broadcast %squeeze3A : f32 to vector<16xf32>
      %mul3A_99 = arith.mulf %broadcast_in_dim3A_97, %mul3A_98 : vector<16xf32>
      %mul3A_100 = arith.constant 16 : i32
      %mul3A_101 = arith.muli %scan3A_91, %mul3A_100 : i32
      %add3A_102 = arith.constant 0 : i32
      %add3A_103 = arith.addi %mul3A_101, %add3A_102 : i32
      %swap3A = arith.index_cast %add3A_103 : i32 to index
      %swap3A_104 = arith.constant 0 : index
      %swap3A_105 = tpu.vector_load %arg8[%swap3A, %swap3A_104] {strides = array<i32>} : memref<640x16xf32, #tpu.memory_space<vmem>>, vector<1x16xf32>,
      %swap3A_106 = vector.shape_cast %swap3A_105 : vector<1x16xf32> to vector<16xf32>
      %swap3A_107 = vector.shape_cast %mul3A_99 : vector<16xf32> to vector<1x16xf32>
      tpu.vector_store %arg8[%swap3A, %swap3A_104], %swap3A_107 {strides = array<i32>} : memref<640x16xf32, #tpu.memory_space<vmem>>, vector<1x16xf32>,
      %broadcast_in_dim3A_108 = arith.constant 1.000000e+00 : f32
      %broadcast_in_dim3A_109 = vector.broadcast %broadcast_in_dim3A_108 : f32 to vector<16xf32>
      %slice3A_110 = vector.extract_strided_slice %get3A_96 {offsets = [1], sizes = [1], strides = [1]} : vector<16xf32> to vector<1xf32>
      %squeeze3A_111 = vector.extract %slice3A_110[0] : f32 from vector<1xf32>
      %mul3A_112 = vector.broadcast %squeeze3A_111 : f32 to vector<16xf32>
      %mul3A_113 = arith.mulf %broadcast_in_dim3A_109, %mul3A_112 : vector<16xf32>
      %mul3A_114 = arith.constant 16 : i32
      %mul3A_115 = arith.muli %scan3A_91, %mul3A_114 : i32
      %add3A_116 = arith.constant 1 : i32
      %add3A_117 = arith.addi %mul3A_115, %add3A_116 : i32
      %swap3A_118 = arith.index_cast %add3A_117 : i32 to index
      %swap3A_119 = arith.constant 0 : index
      %swap3A_120 = tpu.vector_load %arg8[%swap3A_118, %swap3A_119] {strides = array<i32>} : memref<640x16xf32, #tpu.memory_space<vmem>>, vector<1x16xf32>,
      %swap3A_121 = vector.shape_cast %swap3A_120 : vector<1x16xf32> to vector<16xf32>
      %swap3A_122 = vector.shape_cast %mul3A_113 : vector<16xf32> to vector<1x16xf32>
      tpu.vector_store %arg8[%swap3A_118, %swap3A_119], %swap3A_122 {strides = array<i32>} : memref<640x16xf32, #tpu.memory_space<vmem>>, vector<1x16xf32>,
      %broadcast_in_dim3A_123 = arith.constant 1.000000e+00 : f32
      %broadcast_in_dim3A_124 = vector.broadcast %broadcast_in_dim3A_123 : f32 to vector<16xf32>
      %slice3A_125 = vector.extract_strided_slice %get3A_96 {offsets = [2], sizes = [1], strides = [1]} : vector<16xf32> to vector<1xf32>
      %squeeze3A_126 = vector.extract %slice3A_125[0] : f32 from vector<1xf32>
      %mul3A_127 = vector.broadcast %squeeze3A_126 : f32 to vector<16xf32>
      %mul3A_128 = arith.mulf %broadcast_in_dim3A_124, %mul3A_127 : vector<16xf32>
      %mul3A_129 = arith.constant 16 : i32
      %mul3A_130 = arith.muli %scan3A_91, %mul3A_129 : i32
      %add3A_131 = arith.constant 2 : i32
      %add3A_132 = arith.addi %mul3A_130, %add3A_131 : i32
      %swap3A_133 = arith.index_cast %add3A_132 : i32 to index
      %swap3A_134 = arith.constant 0 : index
      %swap3A_135 = tpu.vector_load %arg8[%swap3A_133, %swap3A_134] {strides = array<i32>} : memref<640x16xf32, #tpu.memory_space<vmem>>, vector<1x16xf32>,
      %swap3A_136 = vector.shape_cast %swap3A_135 : vector<1x16xf32> to vector<16xf32>
      %swap3A_137 = vector.shape_cast %mul3A_128 : vector<16xf32> to vector<1x16xf32>
      tpu.vector_store %arg8[%swap3A_133, %swap3A_134], %swap3A_137 {strides = array<i32>} : memref<640x16xf32, #tpu.memory_space<vmem>>, vector<1x16xf32>,
      %broadcast_in_dim3A_138 = arith.constant 1.000000e+00 : f32
      %broadcast_in_dim3A_139 = vector.broadcast %broadcast_in_dim3A_138 : f32 to vector<16xf32>
      %slice3A_140 = vector.extract_strided_slice %get3A_96 {offsets = [3], sizes = [1], strides = [1]} : vector<16xf32> to vector<1xf32>
      %squeeze3A_141 = vector.extract %slice3A_140[0] : f32 from vector<1xf32>
      %mul3A_142 = vector.broadcast %squeeze3A_141 : f32 to vector<16xf32>
      %mul3A_143 = arith.mulf %broadcast_in_dim3A_139, %mul3A_142 : vector<16xf32>
      %mul3A_144 = arith.constant 16 : i32
      %mul3A_145 = arith.muli %scan3A_91, %mul3A_144 : i32
      %add3A_146 = arith.constant 3 : i32
      %add3A_147 = arith.addi %mul3A_145, %add3A_146 : i32
      %swap3A_148 = arith.index_cast %add3A_147 : i32 to index
      %swap3A_149 = arith.constant 0 : index
      %swap3A_150 = tpu.vector_load %arg8[%swap3A_148, %swap3A_149] {strides = array<i32>} : memref<640x16xf32, #tpu.memory_space<vmem>>, vector<1x16xf32>,
      %swap3A_151 = vector.shape_cast %swap3A_150 : vector<1x16xf32> to vector<16xf32>
      %swap3A_152 = vector.shape_cast %mul3A_143 : vector<16xf32> to vector<1x16xf32>
      tpu.vector_store %arg8[%swap3A_148, %swap3A_149], %swap3A_152 {strides = array<i32>} : memref<640x16xf32, #tpu.memory_space<vmem>>, vector<1x16xf32>,
      %broadcast_in_dim3A_153 = arith.constant 1.000000e+00 : f32
      %broadcast_in_dim3A_154 = vector.broadcast %broadcast_in_dim3A_153 : f32 to vector<16xf32>
      %slice3A_155 = vector.extract_strided_slice %get3A_96 {offsets = [4], sizes = [1], strides = [1]} : vector<16xf32> to vector<1xf32>
      %squeeze3A_156 = vector.extract %slice3A_155[0] : f32 from vector<1xf32>
      %mul3A_157 = vector.broadcast %squeeze3A_156 : f32 to vector<16xf32>
      %mul3A_158 = arith.mulf %broadcast_in_dim3A_154, %mul3A_157 : vector<16xf32>
      %mul3A_159 = arith.constant 16 : i32
      %mul3A_160 = arith.muli %scan3A_91, %mul3A_159 : i32
      %add3A_161 = arith.constant 4 : i32
      %add3A_162 = arith.addi %mul3A_160, %add3A_161 : i32
      %swap3A_163 = arith.index_cast %add3A_162 : i32 to index
      %swap3A_164 = arith.constant 0 : index
      %swap3A_165 = tpu.vector_load %arg8[%swap3A_163, %swap3A_164] {strides = array<i32>} : memref<640x16xf32, #tpu.memory_space<vmem>>, vector<1x16xf32>,
      %swap3A_166 = vector.shape_cast %swap3A_165 : vector<1x16xf32> to vector<16xf32>
      %swap3A_167 = vector.shape_cast %mul3A_158 : vector<16xf32> to vector<1x16xf32>
      tpu.vector_store %arg8[%swap3A_163, %swap3A_164], %swap3A_167 {strides = array<i32>} : memref<640x16xf32, #tpu.memory_space<vmem>>, vector<1x16xf32>,
      %broadcast_in_dim3A_168 = arith.constant 1.000000e+00 : f32
      %broadcast_in_dim3A_169 = vector.broadcast %broadcast_in_dim3A_168 : f32 to vector<16xf32>
      %slice3A_170 = vector.extract_strided_slice %get3A_96 {offsets = [5], sizes = [1], strides = [1]} : vector<16xf32> to vector<1xf32>
      %squeeze3A_171 = vector.extract %slice3A_170[0] : f32 from vector<1xf32>
      %mul3A_172 = vector.broadcast %squeeze3A_171 : f32 to vector<16xf32>
      %mul3A_173 = arith.mulf %broadcast_in_dim3A_169, %mul3A_172 : vector<16xf32>
      %mul3A_174 = arith.constant 16 : i32
      %mul3A_175 = arith.muli %scan3A_91, %mul3A_174 : i32
      %add3A_176 = arith.constant 5 : i32
      %add3A_177 = arith.addi %mul3A_175, %add3A_176 : i32
      %swap3A_178 = arith.index_cast %add3A_177 : i32 to index
      %swap3A_179 = arith.constant 0 : index
      %swap3A_180 = tpu.vector_load %arg8[%swap3A_178, %swap3A_179] {strides = array<i32>} : memref<640x16xf32, #tpu.memory_space<vmem>>, vector<1x16xf32>,
      %swap3A_181 = vector.shape_cast %swap3A_180 : vector<1x16xf32> to vector<16xf32>
      %swap3A_182 = vector.shape_cast %mul3A_173 : vector<16xf32> to vector<1x16xf32>
      tpu.vector_store %arg8[%swap3A_178, %swap3A_179], %swap3A_182 {strides = array<i32>} : memref<640x16xf32, #tpu.memory_space<vmem>>, vector<1x16xf32>,
      %broadcast_in_dim3A_183 = arith.constant 1.000000e+00 : f32
      %broadcast_in_dim3A_184 = vector.broadcast %broadcast_in_dim3A_183 : f32 to vector<16xf32>
      %slice3A_185 = vector.extract_strided_slice %get3A_96 {offsets = [6], sizes = [1], strides = [1]} : vector<16xf32> to vector<1xf32>
      %squeeze3A_186 = vector.extract %slice3A_185[0] : f32 from vector<1xf32>
      %mul3A_187 = vector.broadcast %squeeze3A_186 : f32 to vector<16xf32>
      %mul3A_188 = arith.mulf %broadcast_in_dim3A_184, %mul3A_187 : vector<16xf32>
      %mul3A_189 = arith.constant 16 : i32
      %mul3A_190 = arith.muli %scan3A_91, %mul3A_189 : i32
      %add3A_191 = arith.constant 6 : i32
      %add3A_192 = arith.addi %mul3A_190, %add3A_191 : i32
      %swap3A_193 = arith.index_cast %add3A_192 : i32 to index
      %swap3A_194 = arith.constant 0 : index
      %swap3A_195 = tpu.vector_load %arg8[%swap3A_193, %swap3A_194] {strides = array<i32>} : memref<640x16xf32, #tpu.memory_space<vmem>>, vector<1x16xf32>,
      %swap3A_196 = vector.shape_cast %swap3A_195 : vector<1x16xf32> to vector<16xf32>
      %swap3A_197 = vector.shape_cast %mul3A_188 : vector<16xf32> to vector<1x16xf32>
      tpu.vector_store %arg8[%swap3A_193, %swap3A_194], %swap3A_197 {strides = array<i32>} : memref<640x16xf32, #tpu.memory_space<vmem>>, vector<1x16xf32>,
      %broadcast_in_dim3A_198 = arith.constant 1.000000e+00 : f32
      %broadcast_in_dim3A_199 = vector.broadcast %broadcast_in_dim3A_198 : f32 to vector<16xf32>
      %slice3A_200 = vector.extract_strided_slice %get3A_96 {offsets = [7], sizes = [1], strides = [1]} : vector<16xf32> to vector<1xf32>
      %squeeze3A_201 = vector.extract %slice3A_200[0] : f32 from vector<1xf32>
      %mul3A_202 = vector.broadcast %squeeze3A_201 : f32 to vector<16xf32>
      %mul3A_203 = arith.mulf %broadcast_in_dim3A_199, %mul3A_202 : vector<16xf32>
      %mul3A_204 = arith.constant 16 : i32
      %mul3A_205 = arith.muli %scan3A_91, %mul3A_204 : i32
      %add3A_206 = arith.constant 7 : i32
      %add3A_207 = arith.addi %mul3A_205, %add3A_206 : i32
      %swap3A_208 = arith.index_cast %add3A_207 : i32 to index
      %swap3A_209 = arith.constant 0 : index
      %swap3A_210 = tpu.vector_load %arg8[%swap3A_208, %swap3A_209] {strides = array<i32>} : memref<640x16xf32, #tpu.memory_space<vmem>>, vector<1x16xf32>,
      %swap3A_211 = vector.shape_cast %swap3A_210 : vector<1x16xf32> to vector<16xf32>
      %swap3A_212 = vector.shape_cast %mul3A_203 : vector<16xf32> to vector<1x16xf32>
      tpu.vector_store %arg8[%swap3A_208, %swap3A_209], %swap3A_212 {strides = array<i32>} : memref<640x16xf32, #tpu.memory_space<vmem>>, vector<1x16xf32>,
      %broadcast_in_dim3A_213 = arith.constant 1.000000e+00 : f32
      %broadcast_in_dim3A_214 = vector.broadcast %broadcast_in_dim3A_213 : f32 to vector<16xf32>
      %slice3A_215 = vector.extract_strided_slice %get3A_96 {offsets = [8], sizes = [1], strides = [1]} : vector<16xf32> to vector<1xf32>
      %squeeze3A_216 = vector.extract %slice3A_215[0] : f32 from vector<1xf32>
      %mul3A_217 = vector.broadcast %squeeze3A_216 : f32 to vector<16xf32>
      %mul3A_218 = arith.mulf %broadcast_in_dim3A_214, %mul3A_217 : vector<16xf32>
      %mul3A_219 = arith.constant 16 : i32
      %mul3A_220 = arith.muli %scan3A_91, %mul3A_219 : i32
      %add3A_221 = arith.constant 8 : i32
      %add3A_222 = arith.addi %mul3A_220, %add3A_221 : i32
      %swap3A_223 = arith.index_cast %add3A_222 : i32 to index
      %swap3A_224 = arith.constant 0 : index
      %swap3A_225 = tpu.vector_load %arg8[%swap3A_223, %swap3A_224] {strides = array<i32>} : memref<640x16xf32, #tpu.memory_space<vmem>>, vector<1x16xf32>,
      %swap3A_226 = vector.shape_cast %swap3A_225 : vector<1x16xf32> to vector<16xf32>
      %swap3A_227 = vector.shape_cast %mul3A_218 : vector<16xf32> to vector<1x16xf32>
      tpu.vector_store %arg8[%swap3A_223, %swap3A_224], %swap3A_227 {strides = array<i32>} : memref<640x16xf32, #tpu.memory_space<vmem>>, vector<1x16xf32>,
      %broadcast_in_dim3A_228 = arith.constant 1.000000e+00 : f32
      %broadcast_in_dim3A_229 = vector.broadcast %broadcast_in_dim3A_228 : f32 to vector<16xf32>
      %slice3A_230 = vector.extract_strided_slice %get3A_96 {offsets = [9], sizes = [1], strides = [1]} : vector<16xf32> to vector<1xf32>
      %squeeze3A_231 = vector.extract %slice3A_230[0] : f32 from vector<1xf32>
      %mul3A_232 = vector.broadcast %squeeze3A_231 : f32 to vector<16xf32>
      %mul3A_233 = arith.mulf %broadcast_in_dim3A_229, %mul3A_232 : vector<16xf32>
      %mul3A_234 = arith.constant 16 : i32
      %mul3A_235 = arith.muli %scan3A_91, %mul3A_234 : i32
      %add3A_236 = arith.constant 9 : i32
      %add3A_237 = arith.addi %mul3A_235, %add3A_236 : i32
      %swap3A_238 = arith.index_cast %add3A_237 : i32 to index
      %swap3A_239 = arith.constant 0 : index
      %swap3A_240 = tpu.vector_load %arg8[%swap3A_238, %swap3A_239] {strides = array<i32>} : memref<640x16xf32, #tpu.memory_space<vmem>>, vector<1x16xf32>,
      %swap3A_241 = vector.shape_cast %swap3A_240 : vector<1x16xf32> to vector<16xf32>
      %swap3A_242 = vector.shape_cast %mul3A_233 : vector<16xf32> to vector<1x16xf32>
      tpu.vector_store %arg8[%swap3A_238, %swap3A_239], %swap3A_242 {strides = array<i32>} : memref<640x16xf32, #tpu.memory_space<vmem>>, vector<1x16xf32>,
      %broadcast_in_dim3A_243 = arith.constant 1.000000e+00 : f32
      %broadcast_in_dim3A_244 = vector.broadcast %broadcast_in_dim3A_243 : f32 to vector<16xf32>
      %slice3A_245 = vector.extract_strided_slice %get3A_96 {offsets = [10], sizes = [1], strides = [1]} : vector<16xf32> to vector<1xf32>
      %squeeze3A_246 = vector.extract %slice3A_245[0] : f32 from vector<1xf32>
      %mul3A_247 = vector.broadcast %squeeze3A_246 : f32 to vector<16xf32>
      %mul3A_248 = arith.mulf %broadcast_in_dim3A_244, %mul3A_247 : vector<16xf32>
      %mul3A_249 = arith.constant 16 : i32
      %mul3A_250 = arith.muli %scan3A_91, %mul3A_249 : i32
      %add3A_251 = arith.constant 10 : i32
      %add3A_252 = arith.addi %mul3A_250, %add3A_251 : i32
      %swap3A_253 = arith.index_cast %add3A_252 : i32 to index
      %swap3A_254 = arith.constant 0 : index
      %swap3A_255 = tpu.vector_load %arg8[%swap3A_253, %swap3A_254] {strides = array<i32>} : memref<640x16xf32, #tpu.memory_space<vmem>>, vector<1x16xf32>,
      %swap3A_256 = vector.shape_cast %swap3A_255 : vector<1x16xf32> to vector<16xf32>
      %swap3A_257 = vector.shape_cast %mul3A_248 : vector<16xf32> to vector<1x16xf32>
      tpu.vector_store %arg8[%swap3A_253, %swap3A_254], %swap3A_257 {strides = array<i32>} : memref<640x16xf32, #tpu.memory_space<vmem>>, vector<1x16xf32>,
      %broadcast_in_dim3A_258 = arith.constant 1.000000e+00 : f32
      %broadcast_in_dim3A_259 = vector.broadcast %broadcast_in_dim3A_258 : f32 to vector<16xf32>
      %slice3A_260 = vector.extract_strided_slice %get3A_96 {offsets = [11], sizes = [1], strides = [1]} : vector<16xf32> to vector<1xf32>
      %squeeze3A_261 = vector.extract %slice3A_260[0] : f32 from vector<1xf32>
      %mul3A_262 = vector.broadcast %squeeze3A_261 : f32 to vector<16xf32>
      %mul3A_263 = arith.mulf %broadcast_in_dim3A_259, %mul3A_262 : vector<16xf32>
      %mul3A_264 = arith.constant 16 : i32
      %mul3A_265 = arith.muli %scan3A_91, %mul3A_264 : i32
      %add3A_266 = arith.constant 11 : i32
      %add3A_267 = arith.addi %mul3A_265, %add3A_266 : i32
      %swap3A_268 = arith.index_cast %add3A_267 : i32 to index
      %swap3A_269 = arith.constant 0 : index
      %swap3A_270 = tpu.vector_load %arg8[%swap3A_268, %swap3A_269] {strides = array<i32>} : memref<640x16xf32, #tpu.memory_space<vmem>>, vector<1x16xf32>,
      %swap3A_271 = vector.shape_cast %swap3A_270 : vector<1x16xf32> to vector<16xf32>
      %swap3A_272 = vector.shape_cast %mul3A_263 : vector<16xf32> to vector<1x16xf32>
      tpu.vector_store %arg8[%swap3A_268, %swap3A_269], %swap3A_272 {strides = array<i32>} : memref<640x16xf32, #tpu.memory_space<vmem>>, vector<1x16xf32>,
      %broadcast_in_dim3A_273 = arith.constant 1.000000e+00 : f32
      %broadcast_in_dim3A_274 = vector.broadcast %broadcast_in_dim3A_273 : f32 to vector<16xf32>
      %slice3A_275 = vector.extract_strided_slice %get3A_96 {offsets = [12], sizes = [1], strides = [1]} : vector<16xf32> to vector<1xf32>
      %squeeze3A_276 = vector.extract %slice3A_275[0] : f32 from vector<1xf32>
      %mul3A_277 = vector.broadcast %squeeze3A_276 : f32 to vector<16xf32>
      %mul3A_278 = arith.mulf %broadcast_in_dim3A_274, %mul3A_277 : vector<16xf32>
      %mul3A_279 = arith.constant 16 : i32
      %mul3A_280 = arith.muli %scan3A_91, %mul3A_279 : i32
      %add3A_281 = arith.constant 12 : i32
      %add3A_282 = arith.addi %mul3A_280, %add3A_281 : i32
      %swap3A_283 = arith.index_cast %add3A_282 : i32 to index
      %swap3A_284 = arith.constant 0 : index
      %swap3A_285 = tpu.vector_load %arg8[%swap3A_283, %swap3A_284] {strides = array<i32>} : memref<640x16xf32, #tpu.memory_space<vmem>>, vector<1x16xf32>,
      %swap3A_286 = vector.shape_cast %swap3A_285 : vector<1x16xf32> to vector<16xf32>
      %swap3A_287 = vector.shape_cast %mul3A_278 : vector<16xf32> to vector<1x16xf32>
      tpu.vector_store %arg8[%swap3A_283, %swap3A_284], %swap3A_287 {strides = array<i32>} : memref<640x16xf32, #tpu.memory_space<vmem>>, vector<1x16xf32>,
      %broadcast_in_dim3A_288 = arith.constant 1.000000e+00 : f32
      %broadcast_in_dim3A_289 = vector.broadcast %broadcast_in_dim3A_288 : f32 to vector<16xf32>
      %slice3A_290 = vector.extract_strided_slice %get3A_96 {offsets = [13], sizes = [1], strides = [1]} : vector<16xf32> to vector<1xf32>
      %squeeze3A_291 = vector.extract %slice3A_290[0] : f32 from vector<1xf32>
      %mul3A_292 = vector.broadcast %squeeze3A_291 : f32 to vector<16xf32>
      %mul3A_293 = arith.mulf %broadcast_in_dim3A_289, %mul3A_292 : vector<16xf32>
      %mul3A_294 = arith.constant 16 : i32
      %mul3A_295 = arith.muli %scan3A_91, %mul3A_294 : i32
      %add3A_296 = arith.constant 13 : i32
      %add3A_297 = arith.addi %mul3A_295, %add3A_296 : i32
      %swap3A_298 = arith.index_cast %add3A_297 : i32 to index
      %swap3A_299 = arith.constant 0 : index
      %swap3A_300 = tpu.vector_load %arg8[%swap3A_298, %swap3A_299] {strides = array<i32>} : memref<640x16xf32, #tpu.memory_space<vmem>>, vector<1x16xf32>,
      %swap3A_301 = vector.shape_cast %swap3A_300 : vector<1x16xf32> to vector<16xf32>
      %swap3A_302 = vector.shape_cast %mul3A_293 : vector<16xf32> to vector<1x16xf32>
      tpu.vector_store %arg8[%swap3A_298, %swap3A_299], %swap3A_302 {strides = array<i32>} : memref<640x16xf32, #tpu.memory_space<vmem>>, vector<1x16xf32>,
      %broadcast_in_dim3A_303 = arith.constant 1.000000e+00 : f32
      %broadcast_in_dim3A_304 = vector.broadcast %broadcast_in_dim3A_303 : f32 to vector<16xf32>
      %slice3A_305 = vector.extract_strided_slice %get3A_96 {offsets = [14], sizes = [1], strides = [1]} : vector<16xf32> to vector<1xf32>
      %squeeze3A_306 = vector.extract %slice3A_305[0] : f32 from vector<1xf32>
      %mul3A_307 = vector.broadcast %squeeze3A_306 : f32 to vector<16xf32>
      %mul3A_308 = arith.mulf %broadcast_in_dim3A_304, %mul3A_307 : vector<16xf32>
      %mul3A_309 = arith.constant 16 : i32
      %mul3A_310 = arith.muli %scan3A_91, %mul3A_309 : i32
      %add3A_311 = arith.constant 14 : i32
      %add3A_312 = arith.addi %mul3A_310, %add3A_311 : i32
      %swap3A_313 = arith.index_cast %add3A_312 : i32 to index
      %swap3A_314 = arith.constant 0 : index
      %swap3A_315 = tpu.vector_load %arg8[%swap3A_313, %swap3A_314] {strides = array<i32>} : memref<640x16xf32, #tpu.memory_space<vmem>>, vector<1x16xf32>,
      %swap3A_316 = vector.shape_cast %swap3A_315 : vector<1x16xf32> to vector<16xf32>
      %swap3A_317 = vector.shape_cast %mul3A_308 : vector<16xf32> to vector<1x16xf32>
      tpu.vector_store %arg8[%swap3A_313, %swap3A_314], %swap3A_317 {strides = array<i32>} : memref<640x16xf32, #tpu.memory_space<vmem>>, vector<1x16xf32>,
      %broadcast_in_dim3A_318 = arith.constant 1.000000e+00 : f32
      %broadcast_in_dim3A_319 = vector.broadcast %broadcast_in_dim3A_318 : f32 to vector<16xf32>
      %slice3A_320 = vector.extract_strided_slice %get3A_96 {offsets = [15], sizes = [1], strides = [1]} : vector<16xf32> to vector<1xf32>
      %squeeze3A_321 = vector.extract %slice3A_320[0] : f32 from vector<1xf32>
      %mul3A_322 = vector.broadcast %squeeze3A_321 : f32 to vector<16xf32>
      %mul3A_323 = arith.mulf %broadcast_in_dim3A_319, %mul3A_322 : vector<16xf32>
      %mul3A_324 = arith.constant 16 : i32
      %mul3A_325 = arith.muli %scan3A_91, %mul3A_324 : i32
      %add3A_326 = arith.constant 15 : i32
      %add3A_327 = arith.addi %mul3A_325, %add3A_326 : i32
      %swap3A_328 = arith.index_cast %add3A_327 : i32 to index
      %swap3A_329 = arith.constant 0 : index
      %swap3A_330 = tpu.vector_load %arg8[%swap3A_328, %swap3A_329] {strides = array<i32>} : memref<640x16xf32, #tpu.memory_space<vmem>>, vector<1x16xf32>,
      %swap3A_331 = vector.shape_cast %swap3A_330 : vector<1x16xf32> to vector<16xf32>
      %swap3A_332 = vector.shape_cast %mul3A_323 : vector<16xf32> to vector<1x16xf32>
      tpu.vector_store %arg8[%swap3A_328, %swap3A_329], %swap3A_332 {strides = array<i32>} : memref<640x16xf32, #tpu.memory_space<vmem>>, vector<1x16xf32>,
      %scan3A_333 = arith.constant 0 : i32
      scf.yield %scan3A_333 : i32
    }
    %scan3A_88 = arith.constant 40 : i32
    %mul3A_89 = arith.constant 640 : i32
    %mul3A_90 = arith.muli %arg1, %mul3A_89 : i32
    "tpu.region"() ({
      %run_scoped3A = tpu.sem_alloc : memref<!tpu.dma_semaphore, #tpu.memory_space<semaphore_mem>>
      %dma_start3A_91 = arith.constant 0 : i32
      %dma_start3A_92 = tpu.memref_slice %arg4[%arg0, %mul3A_90, %dma_start3A_91] : memref<2x10240x16xf32, #tpu.memory_space<hbm>> -> memref<1x640x16xf32, #tpu.memory_space<hbm>>
      %dma_start3A_93 = tpu.memref_squeeze %dma_start3A_92 : memref<1x640x16xf32, #tpu.memory_space<hbm>> -> memref<640x16xf32, #tpu.memory_space<hbm>>
      %dma_start3A_94 = arith.constant 0 : i32
      %dma_start3A_95 = tpu.memref_slice %arg4[%arg0, %mul3A_90, %dma_start3A_94] : memref<2x10240x16xf32, #tpu.memory_space<hbm>> -> memref<1x640x16xf32, #tpu.memory_space<hbm>>
      %dma_start3A_96 = tpu.memref_squeeze %dma_start3A_95 : memref<1x640x16xf32, #tpu.memory_space<hbm>> -> memref<640x16xf32, #tpu.memory_space<hbm>>
      tpu.enqueue_dma source(%arg8 : memref<640x16xf32, #tpu.memory_space<vmem>>) target(%dma_start3A_96 : memref<640x16xf32, #tpu.memory_space<hbm>>) target_semaphore(%run_scoped3A : memref<!tpu.dma_semaphore, #tpu.memory_space<semaphore_mem>>)
      %dma_wait3A = arith.constant 0 : i32
      %dma_wait3A_97 = tpu.memref_slice %arg4[%arg0, %mul3A_90, %dma_wait3A] : memref<2x10240x16xf32, #tpu.memory_space<hbm>> -> memref<1x640x16xf32, #tpu.memory_space<hbm>>
      %dma_wait3A_98 = tpu.memref_squeeze %dma_wait3A_97 : memref<1x640x16xf32, #tpu.memory_space<hbm>> -> memref<640x16xf32, #tpu.memory_space<hbm>>
      %dma_wait3A_99 = arith.constant 0 : i32
      %dma_wait3A_100 = tpu.memref_slice %arg4[%arg0, %mul3A_90, %dma_wait3A_99] : memref<2x10240x16xf32, #tpu.memory_space<hbm>> -> memref<1x640x16xf32, #tpu.memory_space<hbm>>
      %dma_wait3A_101 = tpu.memref_squeeze %dma_wait3A_100 : memref<1x640x16xf32, #tpu.memory_space<hbm>> -> memref<640x16xf32, #tpu.memory_space<hbm>>
      tpu.wait_dma2 semaphore(%run_scoped3A : memref<!tpu.dma_semaphore, #tpu.memory_space<semaphore_mem>>) src(%arg8 : memref<640x16xf32, #tpu.memory_space<vmem>>) dst(%dma_wait3A_101 : memref<640x16xf32, #tpu.memory_space<hbm>>)
      tpu.yield
    }) : () -> ()
    return
  }
}

#map = affine_map<(d0, d1) -> (0, 0)>
#map1 = affine_map<(d0, d1) -> (0, 0, 0)>
#map2 = affine_map<(d0, d1) -> (0)>
module attributes {stable_mosaic.version = 14 : i64} {
  func.func @body(%arg0: i32, %arg1: i32, %arg2: memref<1280x128xi32, #tpu.memory_space<hbm>>, %arg3: memref<1280x128xi32, #tpu.memory_space<hbm>>, %arg4: memref<1280x128xf32, #tpu.memory_space<hbm>>, %arg5: memref<2x10240x16xf32, #tpu.memory_space<hbm>>, %arg6: memref<10240x16xf32, #tpu.memory_space<hbm>>, %arg7: memref<10240x16xf32, #tpu.memory_space<hbm>>, %arg8: memref<16xf32, #tpu.memory_space<hbm>>, %arg9: memref<2x10240x16xf32, #tpu.memory_space<hbm>>, %arg10: memref<10240x16xf32, #tpu.memory_space<hbm>>, %arg11: memref<40x128xi32, #tpu.memory_space<vmem>>, %arg12: memref<40x128xi32, #tpu.memory_space<vmem>>, %arg13: memref<40x128xf32, #tpu.memory_space<vmem>>, %arg14: memref<2048x16xf32, #tpu.memory_space<vmem>>, %arg15: memref<640x16xf32, #tpu.memory_space<vmem>>, %arg16: memref<128x16xf32, #tpu.memory_space<vmem>>, %arg17: memref<128x16xf32, #tpu.memory_space<vmem>>, %arg18: memref<128x16xf32, #tpu.memory_space<vmem>>, %arg19: memref<128x16xf32, #tpu.memory_space<vmem>>, %arg20: memref<128x16xf32, #tpu.memory_space<vmem>>, %arg21: memref<16xf32, #tpu.memory_space<vmem>>, %arg22: memref<10240x16xf32, #tpu.memory_space<vmem_shared>>, %arg23: memref<10240x16xf32, #tpu.memory_space<vmem_shared>>, %arg24: memref<!tpu.dma_semaphore, #tpu.memory_space<semaphore_mem>>, %arg25: memref<!tpu.dma_semaphore, #tpu.memory_space<semaphore_mem>>) attributes {dimension_semantics = [#tpu.dimension_semantics<core_parallel>, #tpu.dimension_semantics<subcore_parallel>], iteration_bounds = array<i64: 2, 16>, scalar_prefetch = 0 : i64, scratch_operands = 15 : i64, tpu.core_type = #tpu.core_type<sc_vector_subcore>, window_params = [{transform_indices = #map}, {transform_indices = #map}, {transform_indices = #map}, {transform_indices = #map1}, {transform_indices = #map}, {transform_indices = #map}, {transform_indices = #map2}, {transform_indices = #map1}, {transform_indices = #map}]} {
    %mul3A = arith.constant 16 : i32
    %mul3A_0 = arith.muli %arg0, %mul3A : i32
    %add3A = arith.addi %mul3A_0, %arg1 : i32
    %scan3A = arith.constant 0 : i32
    %scan3A_1 = arith.constant 0 : i32
    %scan3A_2 = arith.constant 640 : i32
    %scan3A_3 = arith.addi %scan3A_1, %scan3A_2 : i32
    %scan3A_4 = arith.constant 1 : i32
    %scan3A_5 = scf.for %scan3A_100 = %scan3A_1 to %scan3A_3 step %scan3A_4 iter_args(%scan3A_101 = %scan3A) -> (i32)  : i32 {
      %broadcast_in_dim3A = arith.constant 0.000000e+00 : f32
      %broadcast_in_dim3A_102 = vector.broadcast %broadcast_in_dim3A : f32 to vector<16xf32>
      %swap3A = arith.index_cast %scan3A_100 : i32 to index
      %swap3A_103 = arith.constant 0 : index
      %swap3A_104 = tpu.vector_load %arg15[%swap3A, %swap3A_103] {strides = array<i32>} : memref<640x16xf32, #tpu.memory_space<vmem>>, vector<1x16xf32>,
      %swap3A_105 = vector.shape_cast %swap3A_104 : vector<1x16xf32> to vector<16xf32>
      %swap3A_106 = vector.shape_cast %broadcast_in_dim3A_102 : vector<16xf32> to vector<1x16xf32>
      tpu.vector_store %arg15[%swap3A, %swap3A_103], %swap3A_106 {strides = array<i32>} : memref<640x16xf32, #tpu.memory_space<vmem>>, vector<1x16xf32>,
      %scan3A_107 = arith.constant 0 : i32
      scf.yield %scan3A_107 : i32
    }
    %scan3A_6 = arith.constant 640 : i32
    %mul3A_7 = arith.constant 640 : i32
    %mul3A_8 = arith.muli %arg1, %mul3A_7 : i32
    "tpu.region"() ({
      %run_scoped3A = tpu.sem_alloc : memref<!tpu.dma_semaphore, #tpu.memory_space<semaphore_mem>>
      %dma_start3A_100 = arith.constant 0 : i32
      %dma_start3A_101 = tpu.memref_slice %arg22[%mul3A_8, %dma_start3A_100] : memref<10240x16xf32, #tpu.memory_space<vmem_shared>> -> memref<640x16xf32, #tpu.memory_space<vmem_shared>>
      %dma_start3A_102 = arith.constant 0 : i32
      %dma_start3A_103 = tpu.memref_slice %arg22[%mul3A_8, %dma_start3A_102] : memref<10240x16xf32, #tpu.memory_space<vmem_shared>> -> memref<640x16xf32, #tpu.memory_space<vmem_shared>>
      tpu.enqueue_dma source(%arg15 : memref<640x16xf32, #tpu.memory_space<vmem>>) target(%dma_start3A_103 : memref<640x16xf32, #tpu.memory_space<vmem_shared>>) target_semaphore(%run_scoped3A : memref<!tpu.dma_semaphore, #tpu.memory_space<semaphore_mem>>)
      %dma_wait3A = arith.constant 0 : i32
      %dma_wait3A_104 = tpu.memref_slice %arg22[%mul3A_8, %dma_wait3A] : memref<10240x16xf32, #tpu.memory_space<vmem_shared>> -> memref<640x16xf32, #tpu.memory_space<vmem_shared>>
      %dma_wait3A_105 = arith.constant 0 : i32
      %dma_wait3A_106 = tpu.memref_slice %arg22[%mul3A_8, %dma_wait3A_105] : memref<10240x16xf32, #tpu.memory_space<vmem_shared>> -> memref<640x16xf32, #tpu.memory_space<vmem_shared>>
      tpu.wait_dma2 semaphore(%run_scoped3A : memref<!tpu.dma_semaphore, #tpu.memory_space<semaphore_mem>>) src(%arg15 : memref<640x16xf32, #tpu.memory_space<vmem>>) dst(%dma_wait3A_106 : memref<640x16xf32, #tpu.memory_space<vmem_shared>>)
      tpu.yield
    }) : () -> ()
    "tpu.region"() ({
      %run_scoped3A = tpu.sem_alloc : memref<!tpu.dma_semaphore, #tpu.memory_space<semaphore_mem>>
      tpu.enqueue_dma source(%arg8 : memref<16xf32, #tpu.memory_space<hbm>>) target(%arg21 : memref<16xf32, #tpu.memory_space<vmem>>) target_semaphore(%run_scoped3A : memref<!tpu.dma_semaphore, #tpu.memory_space<semaphore_mem>>)
      tpu.wait_dma2 semaphore(%run_scoped3A : memref<!tpu.dma_semaphore, #tpu.memory_space<semaphore_mem>>) src(%arg8 : memref<16xf32, #tpu.memory_space<hbm>>) dst(%arg21 : memref<16xf32, #tpu.memory_space<vmem>>)
      tpu.yield
    }) : () -> ()
    %scan3A_9 = arith.constant 0 : i32
    %scan3A_10 = arith.constant 0 : i32
    %scan3A_11 = arith.constant 5 : i32
    %scan3A_12 = arith.addi %scan3A_10, %scan3A_11 : i32
    %scan3A_13 = arith.constant 1 : i32
    %scan3A_14 = scf.for %scan3A_100 = %scan3A_10 to %scan3A_12 step %scan3A_13 iter_args(%scan3A_101 = %scan3A_9) -> (i32)  : i32 {
      %mul3A_102 = arith.constant 640 : i32
      %mul3A_103 = arith.muli %arg1, %mul3A_102 : i32
      %mul3A_104 = arith.constant 128 : i32
      %mul3A_105 = arith.muli %scan3A_100, %mul3A_104 : i32
      %add3A_106 = arith.addi %mul3A_103, %mul3A_105 : i32
      %run_scoped3A = arith.constant 0 : i32
      "tpu.region"() ({
        %run_scoped3A_120 = tpu.sem_alloc : memref<!tpu.dma_semaphore, #tpu.memory_space<semaphore_mem>>
        %dma_start3A_121 = arith.constant 0 : i32
        %dma_start3A_122 = tpu.memref_slice %arg5[%run_scoped3A, %add3A_106, %dma_start3A_121] : memref<2x10240x16xf32, #tpu.memory_space<hbm>> -> memref<1x128x16xf32, #tpu.memory_space<hbm>>
        %dma_start3A_123 = tpu.memref_squeeze %dma_start3A_122 : memref<1x128x16xf32, #tpu.memory_space<hbm>> -> memref<128x16xf32, #tpu.memory_space<hbm>>
        %dma_start3A_124 = arith.constant 0 : i32
        %dma_start3A_125 = tpu.memref_slice %arg5[%run_scoped3A, %add3A_106, %dma_start3A_124] : memref<2x10240x16xf32, #tpu.memory_space<hbm>> -> memref<1x128x16xf32, #tpu.memory_space<hbm>>
        %dma_start3A_126 = tpu.memref_squeeze %dma_start3A_125 : memref<1x128x16xf32, #tpu.memory_space<hbm>> -> memref<128x16xf32, #tpu.memory_space<hbm>>
        tpu.enqueue_dma source(%dma_start3A_126 : memref<128x16xf32, #tpu.memory_space<hbm>>) target(%arg16 : memref<128x16xf32, #tpu.memory_space<vmem>>) target_semaphore(%run_scoped3A_120 : memref<!tpu.dma_semaphore, #tpu.memory_space<semaphore_mem>>)
        %dma_wait3A = arith.constant 0 : i32
        %dma_wait3A_127 = tpu.memref_slice %arg5[%run_scoped3A, %add3A_106, %dma_wait3A] : memref<2x10240x16xf32, #tpu.memory_space<hbm>> -> memref<1x128x16xf32, #tpu.memory_space<hbm>>
        %dma_wait3A_128 = tpu.memref_squeeze %dma_wait3A_127 : memref<1x128x16xf32, #tpu.memory_space<hbm>> -> memref<128x16xf32, #tpu.memory_space<hbm>>
        %dma_wait3A_129 = arith.constant 0 : i32
        %dma_wait3A_130 = tpu.memref_slice %arg5[%run_scoped3A, %add3A_106, %dma_wait3A_129] : memref<2x10240x16xf32, #tpu.memory_space<hbm>> -> memref<1x128x16xf32, #tpu.memory_space<hbm>>
        %dma_wait3A_131 = tpu.memref_squeeze %dma_wait3A_130 : memref<1x128x16xf32, #tpu.memory_space<hbm>> -> memref<128x16xf32, #tpu.memory_space<hbm>>
        tpu.wait_dma2 semaphore(%run_scoped3A_120 : memref<!tpu.dma_semaphore, #tpu.memory_space<semaphore_mem>>) src(%dma_wait3A_131 : memref<128x16xf32, #tpu.memory_space<hbm>>) dst(%arg16 : memref<128x16xf32, #tpu.memory_space<vmem>>)
        tpu.yield
      }) : () -> ()
      %run_scoped3A_107 = arith.constant 1 : i32
      "tpu.region"() ({
        %run_scoped3A_120 = tpu.sem_alloc : memref<!tpu.dma_semaphore, #tpu.memory_space<semaphore_mem>>
        %dma_start3A_121 = arith.constant 0 : i32
        %dma_start3A_122 = tpu.memref_slice %arg5[%run_scoped3A_107, %add3A_106, %dma_start3A_121] : memref<2x10240x16xf32, #tpu.memory_space<hbm>> -> memref<1x128x16xf32, #tpu.memory_space<hbm>>
        %dma_start3A_123 = tpu.memref_squeeze %dma_start3A_122 : memref<1x128x16xf32, #tpu.memory_space<hbm>> -> memref<128x16xf32, #tpu.memory_space<hbm>>
        %dma_start3A_124 = arith.constant 0 : i32
        %dma_start3A_125 = tpu.memref_slice %arg5[%run_scoped3A_107, %add3A_106, %dma_start3A_124] : memref<2x10240x16xf32, #tpu.memory_space<hbm>> -> memref<1x128x16xf32, #tpu.memory_space<hbm>>
        %dma_start3A_126 = tpu.memref_squeeze %dma_start3A_125 : memref<1x128x16xf32, #tpu.memory_space<hbm>> -> memref<128x16xf32, #tpu.memory_space<hbm>>
        tpu.enqueue_dma source(%dma_start3A_126 : memref<128x16xf32, #tpu.memory_space<hbm>>) target(%arg17 : memref<128x16xf32, #tpu.memory_space<vmem>>) target_semaphore(%run_scoped3A_120 : memref<!tpu.dma_semaphore, #tpu.memory_space<semaphore_mem>>)
        %dma_wait3A = arith.constant 0 : i32
        %dma_wait3A_127 = tpu.memref_slice %arg5[%run_scoped3A_107, %add3A_106, %dma_wait3A] : memref<2x10240x16xf32, #tpu.memory_space<hbm>> -> memref<1x128x16xf32, #tpu.memory_space<hbm>>
        %dma_wait3A_128 = tpu.memref_squeeze %dma_wait3A_127 : memref<1x128x16xf32, #tpu.memory_space<hbm>> -> memref<128x16xf32, #tpu.memory_space<hbm>>
        %dma_wait3A_129 = arith.constant 0 : i32
        %dma_wait3A_130 = tpu.memref_slice %arg5[%run_scoped3A_107, %add3A_106, %dma_wait3A_129] : memref<2x10240x16xf32, #tpu.memory_space<hbm>> -> memref<1x128x16xf32, #tpu.memory_space<hbm>>
        %dma_wait3A_131 = tpu.memref_squeeze %dma_wait3A_130 : memref<1x128x16xf32, #tpu.memory_space<hbm>> -> memref<128x16xf32, #tpu.memory_space<hbm>>
        tpu.wait_dma2 semaphore(%run_scoped3A_120 : memref<!tpu.dma_semaphore, #tpu.memory_space<semaphore_mem>>) src(%dma_wait3A_131 : memref<128x16xf32, #tpu.memory_space<hbm>>) dst(%arg17 : memref<128x16xf32, #tpu.memory_space<vmem>>)
        tpu.yield
      }) : () -> ()
      "tpu.region"() ({
        %run_scoped3A_120 = tpu.sem_alloc : memref<!tpu.dma_semaphore, #tpu.memory_space<semaphore_mem>>
        %dma_start3A_121 = arith.constant 0 : i32
        %dma_start3A_122 = tpu.memref_slice %arg6[%add3A_106, %dma_start3A_121] : memref<10240x16xf32, #tpu.memory_space<hbm>> -> memref<128x16xf32, #tpu.memory_space<hbm>>
        %dma_start3A_123 = arith.constant 0 : i32
        %dma_start3A_124 = tpu.memref_slice %arg6[%add3A_106, %dma_start3A_123] : memref<10240x16xf32, #tpu.memory_space<hbm>> -> memref<128x16xf32, #tpu.memory_space<hbm>>
        tpu.enqueue_dma source(%dma_start3A_124 : memref<128x16xf32, #tpu.memory_space<hbm>>) target(%arg18 : memref<128x16xf32, #tpu.memory_space<vmem>>) target_semaphore(%run_scoped3A_120 : memref<!tpu.dma_semaphore, #tpu.memory_space<semaphore_mem>>)
        %dma_wait3A = arith.constant 0 : i32
        %dma_wait3A_125 = tpu.memref_slice %arg6[%add3A_106, %dma_wait3A] : memref<10240x16xf32, #tpu.memory_space<hbm>> -> memref<128x16xf32, #tpu.memory_space<hbm>>
        %dma_wait3A_126 = arith.constant 0 : i32
        %dma_wait3A_127 = tpu.memref_slice %arg6[%add3A_106, %dma_wait3A_126] : memref<10240x16xf32, #tpu.memory_space<hbm>> -> memref<128x16xf32, #tpu.memory_space<hbm>>
        tpu.wait_dma2 semaphore(%run_scoped3A_120 : memref<!tpu.dma_semaphore, #tpu.memory_space<semaphore_mem>>) src(%dma_wait3A_127 : memref<128x16xf32, #tpu.memory_space<hbm>>) dst(%arg18 : memref<128x16xf32, #tpu.memory_space<vmem>>)
        tpu.yield
      }) : () -> ()
      "tpu.region"() ({
        %run_scoped3A_120 = tpu.sem_alloc : memref<!tpu.dma_semaphore, #tpu.memory_space<semaphore_mem>>
        %dma_start3A_121 = arith.constant 0 : i32
        %dma_start3A_122 = tpu.memref_slice %arg7[%add3A_106, %dma_start3A_121] : memref<10240x16xf32, #tpu.memory_space<hbm>> -> memref<128x16xf32, #tpu.memory_space<hbm>>
        %dma_start3A_123 = arith.constant 0 : i32
        %dma_start3A_124 = tpu.memref_slice %arg7[%add3A_106, %dma_start3A_123] : memref<10240x16xf32, #tpu.memory_space<hbm>> -> memref<128x16xf32, #tpu.memory_space<hbm>>
        tpu.enqueue_dma source(%dma_start3A_124 : memref<128x16xf32, #tpu.memory_space<hbm>>) target(%arg19 : memref<128x16xf32, #tpu.memory_space<vmem>>) target_semaphore(%run_scoped3A_120 : memref<!tpu.dma_semaphore, #tpu.memory_space<semaphore_mem>>)
        %dma_wait3A = arith.constant 0 : i32
        %dma_wait3A_125 = tpu.memref_slice %arg7[%add3A_106, %dma_wait3A] : memref<10240x16xf32, #tpu.memory_space<hbm>> -> memref<128x16xf32, #tpu.memory_space<hbm>>
        %dma_wait3A_126 = arith.constant 0 : i32
        %dma_wait3A_127 = tpu.memref_slice %arg7[%add3A_106, %dma_wait3A_126] : memref<10240x16xf32, #tpu.memory_space<hbm>> -> memref<128x16xf32, #tpu.memory_space<hbm>>
        tpu.wait_dma2 semaphore(%run_scoped3A_120 : memref<!tpu.dma_semaphore, #tpu.memory_space<semaphore_mem>>) src(%dma_wait3A_127 : memref<128x16xf32, #tpu.memory_space<hbm>>) dst(%arg19 : memref<128x16xf32, #tpu.memory_space<vmem>>)
        tpu.yield
      }) : () -> ()
      %get3A = arith.constant 0 : index
      %get3A_108 = tpu.vector_load %arg21[%get3A] {strides = array<i32>} : memref<16xf32, #tpu.memory_space<vmem>>, vector<16xf32>,
      %get3A_109 = vector.shape_cast %get3A_108 : vector<16xf32> to vector<16xf32>
      %scan3A_110 = arith.constant 0 : i32
      %scan3A_111 = arith.constant 0 : i32
      %scan3A_112 = arith.constant 128 : i32
      %scan3A_113 = arith.addi %scan3A_111, %scan3A_112 : i32
      %scan3A_114 = arith.constant 1 : i32
      %scan3A_115 = scf.for %scan3A_120 = %scan3A_111 to %scan3A_113 step %scan3A_114 iter_args(%scan3A_121 = %scan3A_110) -> (i32)  : i32 {
        %get3A_122 = arith.index_cast %scan3A_120 : i32 to index
        %get3A_123 = arith.constant 0 : index
        %get3A_124 = tpu.vector_load %arg19[%get3A_122, %get3A_123] {strides = array<i32>} : memref<128x16xf32, #tpu.memory_space<vmem>>, vector<1x16xf32>,
        %get3A_125 = vector.shape_cast %get3A_124 : vector<1x16xf32> to vector<16xf32>
        %get3A_126 = arith.index_cast %scan3A_120 : i32 to index
        %get3A_127 = arith.constant 0 : index
        %get3A_128 = tpu.vector_load %arg16[%get3A_126, %get3A_127] {strides = array<i32>} : memref<128x16xf32, #tpu.memory_space<vmem>>, vector<1x16xf32>,
        %get3A_129 = vector.shape_cast %get3A_128 : vector<1x16xf32> to vector<16xf32>
        %get3A_130 = arith.index_cast %scan3A_120 : i32 to index
        %get3A_131 = arith.constant 0 : index
        %get3A_132 = tpu.vector_load %arg17[%get3A_130, %get3A_131] {strides = array<i32>} : memref<128x16xf32, #tpu.memory_space<vmem>>, vector<1x16xf32>,
        %get3A_133 = vector.shape_cast %get3A_132 : vector<1x16xf32> to vector<16xf32>
        %add3A_134 = arith.addf %get3A_129, %get3A_133 : vector<16xf32>
        %get3A_135 = arith.index_cast %scan3A_120 : i32 to index
        %get3A_136 = arith.constant 0 : index
        %get3A_137 = tpu.vector_load %arg18[%get3A_135, %get3A_136] {strides = array<i32>} : memref<128x16xf32, #tpu.memory_space<vmem>>, vector<1x16xf32>,
        %get3A_138 = vector.shape_cast %get3A_137 : vector<1x16xf32> to vector<16xf32>
        %add3A_139 = arith.addf %add3A_134, %get3A_138 : vector<16xf32>
        %mul3A_140 = arith.mulf %get3A_125, %add3A_139 : vector<16xf32>
        %add3A_141 = arith.addf %mul3A_140, %get3A_109 : vector<16xf32>
        %max3A = arith.constant 0.000000e+00 : f32
        %max3A_142 = vector.broadcast %max3A : f32 to vector<16xf32>
        %max3A_143 = arith.maximumf %add3A_141, %max3A_142 : vector<16xf32>
        %mul3A_144 = arith.mulf %get3A_125, %max3A_143 : vector<16xf32>
        %swap3A = arith.index_cast %scan3A_120 : i32 to index
        %swap3A_145 = arith.constant 0 : index
        %swap3A_146 = tpu.vector_load %arg20[%swap3A, %swap3A_145] {strides = array<i32>} : memref<128x16xf32, #tpu.memory_space<vmem>>, vector<1x16xf32>,
        %swap3A_147 = vector.shape_cast %swap3A_146 : vector<1x16xf32> to vector<16xf32>
        %swap3A_148 = vector.shape_cast %mul3A_144 : vector<16xf32> to vector<1x16xf32>
        tpu.vector_store %arg20[%swap3A, %swap3A_145], %swap3A_148 {strides = array<i32>} : memref<128x16xf32, #tpu.memory_space<vmem>>, vector<1x16xf32>,
        %scan3A_149 = arith.constant 0 : i32
        scf.yield %scan3A_149 : i32
      }
      %scan3A_116 = arith.constant 128 : i32
      "tpu.region"() ({
        %run_scoped3A_120 = tpu.sem_alloc : memref<!tpu.dma_semaphore, #tpu.memory_space<semaphore_mem>>
        %dma_start3A_121 = arith.constant 0 : i32
        %dma_start3A_122 = tpu.memref_slice %arg23[%add3A_106, %dma_start3A_121] : memref<10240x16xf32, #tpu.memory_space<vmem_shared>> -> memref<128x16xf32, #tpu.memory_space<vmem_shared>>
        %dma_start3A_123 = arith.constant 0 : i32
        %dma_start3A_124 = tpu.memref_slice %arg23[%add3A_106, %dma_start3A_123] : memref<10240x16xf32, #tpu.memory_space<vmem_shared>> -> memref<128x16xf32, #tpu.memory_space<vmem_shared>>
        tpu.enqueue_dma source(%arg20 : memref<128x16xf32, #tpu.memory_space<vmem>>) target(%dma_start3A_124 : memref<128x16xf32, #tpu.memory_space<vmem_shared>>) target_semaphore(%run_scoped3A_120 : memref<!tpu.dma_semaphore, #tpu.memory_space<semaphore_mem>>)
        %dma_wait3A = arith.constant 0 : i32
        %dma_wait3A_125 = tpu.memref_slice %arg23[%add3A_106, %dma_wait3A] : memref<10240x16xf32, #tpu.memory_space<vmem_shared>> -> memref<128x16xf32, #tpu.memory_space<vmem_shared>>
        %dma_wait3A_126 = arith.constant 0 : i32
        %dma_wait3A_127 = tpu.memref_slice %arg23[%add3A_106, %dma_wait3A_126] : memref<10240x16xf32, #tpu.memory_space<vmem_shared>> -> memref<128x16xf32, #tpu.memory_space<vmem_shared>>
        tpu.wait_dma2 semaphore(%run_scoped3A_120 : memref<!tpu.dma_semaphore, #tpu.memory_space<semaphore_mem>>) src(%arg20 : memref<128x16xf32, #tpu.memory_space<vmem>>) dst(%dma_wait3A_127 : memref<128x16xf32, #tpu.memory_space<vmem_shared>>)
        tpu.yield
      }) : () -> ()
      %eq3A = arith.constant 0 : i32
      %eq3A_117 = arith.cmpi eq, %arg0, %eq3A : i32
      %convert_element_type3A = arith.extui %eq3A_117 : i1 to i32
      %cond3A = arith.constant 0 : i32
      %cond3A_118 = arith.cmpi ne, %convert_element_type3A, %cond3A : i32
      scf.if %cond3A_118 {
        "tpu.region"() ({
          %run_scoped3A_120 = tpu.sem_alloc : memref<!tpu.dma_semaphore, #tpu.memory_space<semaphore_mem>>
          %dma_start3A_121 = arith.constant 0 : i32
          %dma_start3A_122 = tpu.memref_slice %arg10[%add3A_106, %dma_start3A_121] : memref<10240x16xf32, #tpu.memory_space<hbm>> -> memref<128x16xf32, #tpu.memory_space<hbm>>
          %dma_start3A_123 = arith.constant 0 : i32
          %dma_start3A_124 = tpu.memref_slice %arg10[%add3A_106, %dma_start3A_123] : memref<10240x16xf32, #tpu.memory_space<hbm>> -> memref<128x16xf32, #tpu.memory_space<hbm>>
          tpu.enqueue_dma source(%arg20 : memref<128x16xf32, #tpu.memory_space<vmem>>) target(%dma_start3A_124 : memref<128x16xf32, #tpu.memory_space<hbm>>) target_semaphore(%run_scoped3A_120 : memref<!tpu.dma_semaphore, #tpu.memory_space<semaphore_mem>>)
          %dma_wait3A = arith.constant 0 : i32
          %dma_wait3A_125 = tpu.memref_slice %arg10[%add3A_106, %dma_wait3A] : memref<10240x16xf32, #tpu.memory_space<hbm>> -> memref<128x16xf32, #tpu.memory_space<hbm>>
          %dma_wait3A_126 = arith.constant 0 : i32
          %dma_wait3A_127 = tpu.memref_slice %arg10[%add3A_106, %dma_wait3A_126] : memref<10240x16xf32, #tpu.memory_space<hbm>> -> memref<128x16xf32, #tpu.memory_space<hbm>>
          tpu.wait_dma2 semaphore(%run_scoped3A_120 : memref<!tpu.dma_semaphore, #tpu.memory_space<semaphore_mem>>) src(%arg20 : memref<128x16xf32, #tpu.memory_space<vmem>>) dst(%dma_wait3A_127 : memref<128x16xf32, #tpu.memory_space<hbm>>)
          tpu.yield
        }) : () -> ()
      } else {
      }
      %scan3A_119 = arith.constant 0 : i32
      scf.yield %scan3A_119 : i32
    }
    %scan3A_15 = arith.constant 5 : i32
    %mul3A_16 = arith.constant 40 : i32
    %mul3A_17 = arith.muli %add3A, %mul3A_16 : i32
    "tpu.region"() ({
      %run_scoped3A = tpu.sem_alloc : memref<!tpu.dma_semaphore, #tpu.memory_space<semaphore_mem>>
      %dma_start3A_100 = arith.constant 0 : i32
      %dma_start3A_101 = tpu.memref_slice %arg2[%mul3A_17, %dma_start3A_100] : memref<1280x128xi32, #tpu.memory_space<hbm>> -> memref<40x128xi32, #tpu.memory_space<hbm>>
      %dma_start3A_102 = arith.constant 0 : i32
      %dma_start3A_103 = tpu.memref_slice %arg2[%mul3A_17, %dma_start3A_102] : memref<1280x128xi32, #tpu.memory_space<hbm>> -> memref<40x128xi32, #tpu.memory_space<hbm>>
      tpu.enqueue_dma source(%dma_start3A_103 : memref<40x128xi32, #tpu.memory_space<hbm>>) target(%arg11 : memref<40x128xi32, #tpu.memory_space<vmem>>) target_semaphore(%run_scoped3A : memref<!tpu.dma_semaphore, #tpu.memory_space<semaphore_mem>>)
      %dma_wait3A = arith.constant 0 : i32
      %dma_wait3A_104 = tpu.memref_slice %arg2[%mul3A_17, %dma_wait3A] : memref<1280x128xi32, #tpu.memory_space<hbm>> -> memref<40x128xi32, #tpu.memory_space<hbm>>
      %dma_wait3A_105 = arith.constant 0 : i32
      %dma_wait3A_106 = tpu.memref_slice %arg2[%mul3A_17, %dma_wait3A_105] : memref<1280x128xi32, #tpu.memory_space<hbm>> -> memref<40x128xi32, #tpu.memory_space<hbm>>
      tpu.wait_dma2 semaphore(%run_scoped3A : memref<!tpu.dma_semaphore, #tpu.memory_space<semaphore_mem>>) src(%dma_wait3A_106 : memref<40x128xi32, #tpu.memory_space<hbm>>) dst(%arg11 : memref<40x128xi32, #tpu.memory_space<vmem>>)
      tpu.yield
    }) : () -> ()
    %mul3A_18 = arith.constant 40 : i32
    %mul3A_19 = arith.muli %add3A, %mul3A_18 : i32
    "tpu.region"() ({
      %run_scoped3A = tpu.sem_alloc : memref<!tpu.dma_semaphore, #tpu.memory_space<semaphore_mem>>
      %dma_start3A_100 = arith.constant 0 : i32
      %dma_start3A_101 = tpu.memref_slice %arg4[%mul3A_19, %dma_start3A_100] : memref<1280x128xf32, #tpu.memory_space<hbm>> -> memref<40x128xf32, #tpu.memory_space<hbm>>
      %dma_start3A_102 = arith.constant 0 : i32
      %dma_start3A_103 = tpu.memref_slice %arg4[%mul3A_19, %dma_start3A_102] : memref<1280x128xf32, #tpu.memory_space<hbm>> -> memref<40x128xf32, #tpu.memory_space<hbm>>
      tpu.enqueue_dma source(%dma_start3A_103 : memref<40x128xf32, #tpu.memory_space<hbm>>) target(%arg13 : memref<40x128xf32, #tpu.memory_space<vmem>>) target_semaphore(%run_scoped3A : memref<!tpu.dma_semaphore, #tpu.memory_space<semaphore_mem>>)
      %dma_wait3A = arith.constant 0 : i32
      %dma_wait3A_104 = tpu.memref_slice %arg4[%mul3A_19, %dma_wait3A] : memref<1280x128xf32, #tpu.memory_space<hbm>> -> memref<40x128xf32, #tpu.memory_space<hbm>>
      %dma_wait3A_105 = arith.constant 0 : i32
      %dma_wait3A_106 = tpu.memref_slice %arg4[%mul3A_19, %dma_wait3A_105] : memref<1280x128xf32, #tpu.memory_space<hbm>> -> memref<40x128xf32, #tpu.memory_space<hbm>>
      tpu.wait_dma2 semaphore(%run_scoped3A : memref<!tpu.dma_semaphore, #tpu.memory_space<semaphore_mem>>) src(%dma_wait3A_106 : memref<40x128xf32, #tpu.memory_space<hbm>>) dst(%arg13 : memref<40x128xf32, #tpu.memory_space<vmem>>)
      tpu.yield
    }) : () -> ()
    %mul3A_20 = arith.constant 40 : i32
    %mul3A_21 = arith.muli %add3A, %mul3A_20 : i32
    "tpu.region"() ({
      %run_scoped3A = tpu.sem_alloc : memref<!tpu.dma_semaphore, #tpu.memory_space<semaphore_mem>>
      %dma_start3A_100 = arith.constant 0 : i32
      %dma_start3A_101 = tpu.memref_slice %arg3[%mul3A_21, %dma_start3A_100] : memref<1280x128xi32, #tpu.memory_space<hbm>> -> memref<40x128xi32, #tpu.memory_space<hbm>>
      %dma_start3A_102 = arith.constant 0 : i32
      %dma_start3A_103 = tpu.memref_slice %arg3[%mul3A_21, %dma_start3A_102] : memref<1280x128xi32, #tpu.memory_space<hbm>> -> memref<40x128xi32, #tpu.memory_space<hbm>>
      tpu.enqueue_dma source(%dma_start3A_103 : memref<40x128xi32, #tpu.memory_space<hbm>>) target(%arg12 : memref<40x128xi32, #tpu.memory_space<vmem>>) target_semaphore(%run_scoped3A : memref<!tpu.dma_semaphore, #tpu.memory_space<semaphore_mem>>)
      %dma_wait3A = arith.constant 0 : i32
      %dma_wait3A_104 = tpu.memref_slice %arg3[%mul3A_21, %dma_wait3A] : memref<1280x128xi32, #tpu.memory_space<hbm>> -> memref<40x128xi32, #tpu.memory_space<hbm>>
      %dma_wait3A_105 = arith.constant 0 : i32
      %dma_wait3A_106 = tpu.memref_slice %arg3[%mul3A_21, %dma_wait3A_105] : memref<1280x128xi32, #tpu.memory_space<hbm>> -> memref<40x128xi32, #tpu.memory_space<hbm>>
      tpu.wait_dma2 semaphore(%run_scoped3A : memref<!tpu.dma_semaphore, #tpu.memory_space<semaphore_mem>>) src(%dma_wait3A_106 : memref<40x128xi32, #tpu.memory_space<hbm>>) dst(%arg12 : memref<40x128xi32, #tpu.memory_space<vmem>>)
      tpu.yield
    }) : () -> ()
    %barrier3A = arith.constant 0 : index
    tpu.barrier barrier_id(%barrier3A)
    %dma_start3A = arith.constant 0 : i32
    %dma_start3A_22 = arith.constant 0 : i32
    %dma_start3A_23 = arith.constant 0 : i32
    %dma_start3A_24 = tpu.memref_slice %arg14[%dma_start3A_22, %dma_start3A_23] : memref<2048x16xf32, #tpu.memory_space<vmem>> -> memref<128x16xf32, #tpu.memory_space<vmem>>
    %dma_start3A_25 = arith.constant 0 : i32
    %dma_start3A_26 = tpu.memref_slice %arg11[%dma_start3A, %dma_start3A_25] : memref<40x128xi32, #tpu.memory_space<vmem>> -> memref<1x128xi32, #tpu.memory_space<vmem>>
    %dma_start3A_27 = tpu.memref_squeeze %dma_start3A_26 : memref<1x128xi32, #tpu.memory_space<vmem>> -> memref<128xi32, #tpu.memory_space<vmem>>
    %dma_start3A_28 = arith.constant 0 : i32
    %dma_start3A_29 = arith.constant 0 : i32
    %dma_start3A_30 = tpu.memref_slice %arg23[%dma_start3A_28, %dma_start3A_29] : memref<10240x16xf32, #tpu.memory_space<vmem_shared>> -> memref<10240x16xf32, #tpu.memory_space<vmem_shared>>
    tpu.enqueue_indirect_dma source(%dma_start3A_30 : memref<10240x16xf32, #tpu.memory_space<vmem_shared>>) target(%dma_start3A_24 : memref<128x16xf32, #tpu.memory_space<vmem>>) offsets(%dma_start3A_27 : memref<128xi32, #tpu.memory_space<vmem>>) semaphore(%arg24 : memref<!tpu.dma_semaphore, #tpu.memory_space<semaphore_mem>>)
    %dma_start3A_31 = arith.constant 1 : i32
    %dma_start3A_32 = arith.constant 128 : i32
    %dma_start3A_33 = arith.constant 0 : i32
    %dma_start3A_34 = tpu.memref_slice %arg14[%dma_start3A_32, %dma_start3A_33] : memref<2048x16xf32, #tpu.memory_space<vmem>> -> memref<128x16xf32, #tpu.memory_space<vmem>>
    %dma_start3A_35 = arith.constant 0 : i32
    %dma_start3A_36 = tpu.memref_slice %arg11[%dma_start3A_31, %dma_start3A_35] : memref<40x128xi32, #tpu.memory_space<vmem>> -> memref<1x128xi32, #tpu.memory_space<vmem>>
    %dma_start3A_37 = tpu.memref_squeeze %dma_start3A_36 : memref<1x128xi32, #tpu.memory_space<vmem>> -> memref<128xi32, #tpu.memory_space<vmem>>
    %dma_start3A_38 = arith.constant 0 : i32
    %dma_start3A_39 = arith.constant 0 : i32
    %dma_start3A_40 = tpu.memref_slice %arg23[%dma_start3A_38, %dma_start3A_39] : memref<10240x16xf32, #tpu.memory_space<vmem_shared>> -> memref<10240x16xf32, #tpu.memory_space<vmem_shared>>
    tpu.enqueue_indirect_dma source(%dma_start3A_40 : memref<10240x16xf32, #tpu.memory_space<vmem_shared>>) target(%dma_start3A_34 : memref<128x16xf32, #tpu.memory_space<vmem>>) offsets(%dma_start3A_37 : memref<128xi32, #tpu.memory_space<vmem>>) semaphore(%arg24 : memref<!tpu.dma_semaphore, #tpu.memory_space<semaphore_mem>>)
    %dma_start3A_41 = arith.constant 2 : i32
    %dma_start3A_42 = arith.constant 256 : i32
    %dma_start3A_43 = arith.constant 0 : i32
    %dma_start3A_44 = tpu.memref_slice %arg14[%dma_start3A_42, %dma_start3A_43] : memref<2048x16xf32, #tpu.memory_space<vmem>> -> memref<128x16xf32, #tpu.memory_space<vmem>>
    %dma_start3A_45 = arith.constant 0 : i32
    %dma_start3A_46 = tpu.memref_slice %arg11[%dma_start3A_41, %dma_start3A_45] : memref<40x128xi32, #tpu.memory_space<vmem>> -> memref<1x128xi32, #tpu.memory_space<vmem>>
    %dma_start3A_47 = tpu.memref_squeeze %dma_start3A_46 : memref<1x128xi32, #tpu.memory_space<vmem>> -> memref<128xi32, #tpu.memory_space<vmem>>
    %dma_start3A_48 = arith.constant 0 : i32
    %dma_start3A_49 = arith.constant 0 : i32
    %dma_start3A_50 = tpu.memref_slice %arg23[%dma_start3A_48, %dma_start3A_49] : memref<10240x16xf32, #tpu.memory_space<vmem_shared>> -> memref<10240x16xf32, #tpu.memory_space<vmem_shared>>
    tpu.enqueue_indirect_dma source(%dma_start3A_50 : memref<10240x16xf32, #tpu.memory_space<vmem_shared>>) target(%dma_start3A_44 : memref<128x16xf32, #tpu.memory_space<vmem>>) offsets(%dma_start3A_47 : memref<128xi32, #tpu.memory_space<vmem>>) semaphore(%arg24 : memref<!tpu.dma_semaphore, #tpu.memory_space<semaphore_mem>>)
    %dma_start3A_51 = arith.constant 3 : i32
    %dma_start3A_52 = arith.constant 384 : i32
    %dma_start3A_53 = arith.constant 0 : i32
    %dma_start3A_54 = tpu.memref_slice %arg14[%dma_start3A_52, %dma_start3A_53] : memref<2048x16xf32, #tpu.memory_space<vmem>> -> memref<128x16xf32, #tpu.memory_space<vmem>>
    %dma_start3A_55 = arith.constant 0 : i32
    %dma_start3A_56 = tpu.memref_slice %arg11[%dma_start3A_51, %dma_start3A_55] : memref<40x128xi32, #tpu.memory_space<vmem>> -> memref<1x128xi32, #tpu.memory_space<vmem>>
    %dma_start3A_57 = tpu.memref_squeeze %dma_start3A_56 : memref<1x128xi32, #tpu.memory_space<vmem>> -> memref<128xi32, #tpu.memory_space<vmem>>
    %dma_start3A_58 = arith.constant 0 : i32
    %dma_start3A_59 = arith.constant 0 : i32
    %dma_start3A_60 = tpu.memref_slice %arg23[%dma_start3A_58, %dma_start3A_59] : memref<10240x16xf32, #tpu.memory_space<vmem_shared>> -> memref<10240x16xf32, #tpu.memory_space<vmem_shared>>
    tpu.enqueue_indirect_dma source(%dma_start3A_60 : memref<10240x16xf32, #tpu.memory_space<vmem_shared>>) target(%dma_start3A_54 : memref<128x16xf32, #tpu.memory_space<vmem>>) offsets(%dma_start3A_57 : memref<128xi32, #tpu.memory_space<vmem>>) semaphore(%arg24 : memref<!tpu.dma_semaphore, #tpu.memory_space<semaphore_mem>>)
    %dma_start3A_61 = arith.constant 4 : i32
    %dma_start3A_62 = arith.constant 512 : i32
    %dma_start3A_63 = arith.constant 0 : i32
    %dma_start3A_64 = tpu.memref_slice %arg14[%dma_start3A_62, %dma_start3A_63] : memref<2048x16xf32, #tpu.memory_space<vmem>> -> memref<128x16xf32, #tpu.memory_space<vmem>>
    %dma_start3A_65 = arith.constant 0 : i32
    %dma_start3A_66 = tpu.memref_slice %arg11[%dma_start3A_61, %dma_start3A_65] : memref<40x128xi32, #tpu.memory_space<vmem>> -> memref<1x128xi32, #tpu.memory_space<vmem>>
    %dma_start3A_67 = tpu.memref_squeeze %dma_start3A_66 : memref<1x128xi32, #tpu.memory_space<vmem>> -> memref<128xi32, #tpu.memory_space<vmem>>
    %dma_start3A_68 = arith.constant 0 : i32
    %dma_start3A_69 = arith.constant 0 : i32
    %dma_start3A_70 = tpu.memref_slice %arg23[%dma_start3A_68, %dma_start3A_69] : memref<10240x16xf32, #tpu.memory_space<vmem_shared>> -> memref<10240x16xf32, #tpu.memory_space<vmem_shared>>
    tpu.enqueue_indirect_dma source(%dma_start3A_70 : memref<10240x16xf32, #tpu.memory_space<vmem_shared>>) target(%dma_start3A_64 : memref<128x16xf32, #tpu.memory_space<vmem>>) offsets(%dma_start3A_67 : memref<128xi32, #tpu.memory_space<vmem>>) semaphore(%arg24 : memref<!tpu.dma_semaphore, #tpu.memory_space<semaphore_mem>>)
    %dma_start3A_71 = arith.constant 5 : i32
    %dma_start3A_72 = arith.constant 640 : i32
    %dma_start3A_73 = arith.constant 0 : i32
    %dma_start3A_74 = tpu.memref_slice %arg14[%dma_start3A_72, %dma_start3A_73] : memref<2048x16xf32, #tpu.memory_space<vmem>> -> memref<128x16xf32, #tpu.memory_space<vmem>>
    %dma_start3A_75 = arith.constant 0 : i32
    %dma_start3A_76 = tpu.memref_slice %arg11[%dma_start3A_71, %dma_start3A_75] : memref<40x128xi32, #tpu.memory_space<vmem>> -> memref<1x128xi32, #tpu.memory_space<vmem>>
    %dma_start3A_77 = tpu.memref_squeeze %dma_start3A_76 : memref<1x128xi32, #tpu.memory_space<vmem>> -> memref<128xi32, #tpu.memory_space<vmem>>
    %dma_start3A_78 = arith.constant 0 : i32
    %dma_start3A_79 = arith.constant 0 : i32
    %dma_start3A_80 = tpu.memref_slice %arg23[%dma_start3A_78, %dma_start3A_79] : memref<10240x16xf32, #tpu.memory_space<vmem_shared>> -> memref<10240x16xf32, #tpu.memory_space<vmem_shared>>
    tpu.enqueue_indirect_dma source(%dma_start3A_80 : memref<10240x16xf32, #tpu.memory_space<vmem_shared>>) target(%dma_start3A_74 : memref<128x16xf32, #tpu.memory_space<vmem>>) offsets(%dma_start3A_77 : memref<128xi32, #tpu.memory_space<vmem>>) semaphore(%arg24 : memref<!tpu.dma_semaphore, #tpu.memory_space<semaphore_mem>>)
    %scan3A_81 = arith.constant 0 : i32
    %scan3A_82 = arith.constant 0 : i32
    %scan3A_83 = arith.constant 40 : i32
    %scan3A_84 = arith.addi %scan3A_82, %scan3A_83 : i32
    %scan3A_85 = arith.constant 1 : i32
    %scan3A_86 = scf.for %scan3A_100 = %scan3A_82 to %scan3A_84 step %scan3A_85 iter_args(%scan3A_101 = %scan3A_81) -> (i32)  : i32 {
      %add3A_102 = arith.constant 6 : i32
      %add3A_103 = arith.addi %scan3A_100, %add3A_102 : i32
      %lt3A = arith.constant 40 : i32
      %lt3A_104 = arith.cmpi slt, %add3A_103, %lt3A : i32
      %convert_element_type3A = arith.extui %lt3A_104 : i1 to i32
      %cond3A = arith.constant 0 : i32
      %cond3A_105 = arith.cmpi ne, %convert_element_type3A, %cond3A : i32
      scf.if %cond3A_105 {
        %add3A_163 = arith.constant 6 : i32
        %add3A_164 = arith.addi %scan3A_100, %add3A_163 : i32
        %jit3A_165 = arith.constant 16 : i32
        %eq3A_166 = arith.constant 0 : i32
        %eq3A_167 = arith.cmpi eq, %jit3A_165, %eq3A_166 : i32
        %jit3A_168 = arith.constant 1 : i32
        %select_n3A_169 = arith.select %eq3A_167, %jit3A_168, %jit3A_165 : i32
        %rem3A_170 = arith.remsi %add3A_164, %select_n3A_169 : i32
        %ne3A_171 = arith.constant 0 : i32
        %ne3A_172 = arith.cmpi ne, %rem3A_170, %ne3A_171 : i32
        %lt3A_173 = arith.constant 0 : i32
        %lt3A_174 = arith.cmpi slt, %rem3A_170, %lt3A_173 : i32
        %lt3A_175 = arith.constant 0 : i32
        %lt3A_176 = arith.cmpi slt, %select_n3A_169, %lt3A_175 : i32
        %ne3A_177 = arith.xori %lt3A_174, %lt3A_176 : i1
        %and3A_178 = arith.andi %ne3A_177, %ne3A_172 : i1
        %add3A_179 = arith.addi %rem3A_170, %select_n3A_169 : i32
        %select_n3A_180 = arith.select %and3A_178, %add3A_179, %rem3A_170 : i32
        %mul3A_181 = arith.constant 128 : i32
        %mul3A_182 = arith.muli %select_n3A_180, %mul3A_181 : i32
        %dma_start3A_183 = arith.constant 0 : i32
        %dma_start3A_184 = tpu.memref_slice %arg14[%mul3A_182, %dma_start3A_183] : memref<2048x16xf32, #tpu.memory_space<vmem>> -> memref<128x16xf32, #tpu.memory_space<vmem>>
        %dma_start3A_185 = arith.constant 0 : i32
        %dma_start3A_186 = tpu.memref_slice %arg11[%add3A_164, %dma_start3A_185] : memref<40x128xi32, #tpu.memory_space<vmem>> -> memref<1x128xi32, #tpu.memory_space<vmem>>
        %dma_start3A_187 = tpu.memref_squeeze %dma_start3A_186 : memref<1x128xi32, #tpu.memory_space<vmem>> -> memref<128xi32, #tpu.memory_space<vmem>>
        %dma_start3A_188 = arith.constant 0 : i32
        %dma_start3A_189 = arith.constant 0 : i32
        %dma_start3A_190 = tpu.memref_slice %arg23[%dma_start3A_188, %dma_start3A_189] : memref<10240x16xf32, #tpu.memory_space<vmem_shared>> -> memref<10240x16xf32, #tpu.memory_space<vmem_shared>>
        tpu.enqueue_indirect_dma source(%dma_start3A_190 : memref<10240x16xf32, #tpu.memory_space<vmem_shared>>) target(%dma_start3A_184 : memref<128x16xf32, #tpu.memory_space<vmem>>) offsets(%dma_start3A_187 : memref<128xi32, #tpu.memory_space<vmem>>) semaphore(%arg24 : memref<!tpu.dma_semaphore, #tpu.memory_space<semaphore_mem>>)
      } else {
      }
      %jit3A = arith.constant 16 : i32
      %eq3A = arith.constant 0 : i32
      %eq3A_106 = arith.cmpi eq, %jit3A, %eq3A : i32
      %jit3A_107 = arith.constant 1 : i32
      %select_n3A = arith.select %eq3A_106, %jit3A_107, %jit3A : i32
      %rem3A = arith.remsi %scan3A_100, %select_n3A : i32
      %ne3A = arith.constant 0 : i32
      %ne3A_108 = arith.cmpi ne, %rem3A, %ne3A : i32
      %lt3A_109 = arith.constant 0 : i32
      %lt3A_110 = arith.cmpi slt, %rem3A, %lt3A_109 : i32
      %lt3A_111 = arith.constant 0 : i32
      %lt3A_112 = arith.cmpi slt, %select_n3A, %lt3A_111 : i32
      %ne3A_113 = arith.xori %lt3A_110, %lt3A_112 : i1
      %and3A = arith.andi %ne3A_113, %ne3A_108 : i1
      %add3A_114 = arith.addi %rem3A, %select_n3A : i32
      %select_n3A_115 = arith.select %and3A, %add3A_114, %rem3A : i32
      %mul3A_116 = arith.constant 128 : i32
      %mul3A_117 = arith.muli %select_n3A_115, %mul3A_116 : i32
      %dma_wait3A = arith.constant 0 : i32
      %dma_wait3A_118 = tpu.memref_slice %arg14[%mul3A_117, %dma_wait3A] : memref<2048x16xf32, #tpu.memory_space<vmem>> -> memref<128x16xf32, #tpu.memory_space<vmem>>
      %dma_wait3A_119 = arith.constant 0 : i32
      %dma_wait3A_120 = tpu.memref_slice %arg11[%scan3A_100, %dma_wait3A_119] : memref<40x128xi32, #tpu.memory_space<vmem>> -> memref<1x128xi32, #tpu.memory_space<vmem>>
      %dma_wait3A_121 = tpu.memref_squeeze %dma_wait3A_120 : memref<1x128xi32, #tpu.memory_space<vmem>> -> memref<128xi32, #tpu.memory_space<vmem>>
      %dma_wait3A_122 = arith.constant 0 : i32
      %dma_wait3A_123 = arith.constant 0 : i32
      %dma_wait3A_124 = tpu.memref_slice %arg23[%dma_wait3A_122, %dma_wait3A_123] : memref<10240x16xf32, #tpu.memory_space<vmem_shared>> -> memref<10240x16xf32, #tpu.memory_space<vmem_shared>>
      tpu.wait_indirect_dma semaphore(%arg24 : memref<!tpu.dma_semaphore, #tpu.memory_space<semaphore_mem>>) src(%dma_wait3A_124 : memref<10240x16xf32, #tpu.memory_space<vmem_shared>>) dst(%dma_wait3A_118 : memref<128x16xf32, #tpu.memory_space<vmem>>)
      %scan3A_125 = arith.constant 0 : i32
      %scan3A_126 = arith.constant 0 : i32
      %scan3A_127 = arith.constant 8 : i32
      %scan3A_128 = arith.addi %scan3A_126, %scan3A_127 : i32
      %scan3A_129 = arith.constant 1 : i32
      %scan3A_130 = scf.for %scan3A_163 = %scan3A_126 to %scan3A_128 step %scan3A_129 iter_args(%scan3A_164 = %scan3A_125) -> (i32)  : i32 {
        %mul3A_165 = arith.constant 16 : i32
        %mul3A_166 = arith.muli %scan3A_163, %mul3A_165 : i32
        %get3A = arith.index_cast %scan3A_100 : i32 to index
        %get3A_167 = arith.index_cast %mul3A_166 : i32 to index
        %get3A_168 = tpu.vector_load %arg13[%get3A, %get3A_167] {strides = array<i32>} : memref<40x128xf32, #tpu.memory_space<vmem>>, vector<1x16xf32>,
        %get3A_169 = vector.shape_cast %get3A_168 : vector<1x16xf32> to vector<16xf32>
        %jit3A_170 = arith.constant 16 : i32
        %eq3A_171 = arith.constant 0 : i32
        %eq3A_172 = arith.cmpi eq, %jit3A_170, %eq3A_171 : i32
        %jit3A_173 = arith.constant 1 : i32
        %select_n3A_174 = arith.select %eq3A_172, %jit3A_173, %jit3A_170 : i32
        %rem3A_175 = arith.remsi %scan3A_100, %select_n3A_174 : i32
        %ne3A_176 = arith.constant 0 : i32
        %ne3A_177 = arith.cmpi ne, %rem3A_175, %ne3A_176 : i32
        %lt3A_178 = arith.constant 0 : i32
        %lt3A_179 = arith.cmpi slt, %rem3A_175, %lt3A_178 : i32
        %lt3A_180 = arith.constant 0 : i32
        %lt3A_181 = arith.cmpi slt, %select_n3A_174, %lt3A_180 : i32
        %ne3A_182 = arith.xori %lt3A_179, %lt3A_181 : i1
        %and3A_183 = arith.andi %ne3A_182, %ne3A_177 : i1
        %add3A_184 = arith.addi %rem3A_175, %select_n3A_174 : i32
        %select_n3A_185 = arith.select %and3A_183, %add3A_184, %rem3A_175 : i32
        %mul3A_186 = arith.constant 128 : i32
        %mul3A_187 = arith.muli %select_n3A_185, %mul3A_186 : i32
        %mul3A_188 = arith.constant 16 : i32
        %mul3A_189 = arith.muli %scan3A_163, %mul3A_188 : i32
        %add3A_190 = arith.addi %mul3A_187, %mul3A_189 : i32
        %add3A_191 = arith.constant 0 : i32
        %add3A_192 = arith.addi %add3A_190, %add3A_191 : i32
        %get3A_193 = arith.index_cast %add3A_192 : i32 to index
        %get3A_194 = arith.constant 0 : index
        %get3A_195 = tpu.vector_load %arg14[%get3A_193, %get3A_194] {strides = array<i32>} : memref<2048x16xf32, #tpu.memory_space<vmem>>, vector<1x16xf32>,
        %get3A_196 = vector.shape_cast %get3A_195 : vector<1x16xf32> to vector<16xf32>
        %slice3A = vector.extract_strided_slice %get3A_169 {offsets = [0], sizes = [1], strides = [1]} : vector<16xf32> to vector<1xf32>
        %squeeze3A = vector.extract %slice3A[0] : f32 from vector<1xf32>
        %mul3A_197 = vector.broadcast %squeeze3A : f32 to vector<16xf32>
        %mul3A_198 = arith.mulf %get3A_196, %mul3A_197 : vector<16xf32>
        %swap3A = arith.index_cast %add3A_192 : i32 to index
        %swap3A_199 = arith.constant 0 : index
        %swap3A_200 = tpu.vector_load %arg14[%swap3A, %swap3A_199] {strides = array<i32>} : memref<2048x16xf32, #tpu.memory_space<vmem>>, vector<1x16xf32>,
        %swap3A_201 = vector.shape_cast %swap3A_200 : vector<1x16xf32> to vector<16xf32>
        %swap3A_202 = vector.shape_cast %mul3A_198 : vector<16xf32> to vector<1x16xf32>
        tpu.vector_store %arg14[%swap3A, %swap3A_199], %swap3A_202 {strides = array<i32>} : memref<2048x16xf32, #tpu.memory_space<vmem>>, vector<1x16xf32>,
        %jit3A_203 = arith.constant 16 : i32
        %eq3A_204 = arith.constant 0 : i32
        %eq3A_205 = arith.cmpi eq, %jit3A_203, %eq3A_204 : i32
        %jit3A_206 = arith.constant 1 : i32
        %select_n3A_207 = arith.select %eq3A_205, %jit3A_206, %jit3A_203 : i32
        %rem3A_208 = arith.remsi %scan3A_100, %select_n3A_207 : i32
        %ne3A_209 = arith.constant 0 : i32
        %ne3A_210 = arith.cmpi ne, %rem3A_208, %ne3A_209 : i32
        %lt3A_211 = arith.constant 0 : i32
        %lt3A_212 = arith.cmpi slt, %rem3A_208, %lt3A_211 : i32
        %lt3A_213 = arith.constant 0 : i32
        %lt3A_214 = arith.cmpi slt, %select_n3A_207, %lt3A_213 : i32
        %ne3A_215 = arith.xori %lt3A_212, %lt3A_214 : i1
        %and3A_216 = arith.andi %ne3A_215, %ne3A_210 : i1
        %add3A_217 = arith.addi %rem3A_208, %select_n3A_207 : i32
        %select_n3A_218 = arith.select %and3A_216, %add3A_217, %rem3A_208 : i32
        %mul3A_219 = arith.constant 128 : i32
        %mul3A_220 = arith.muli %select_n3A_218, %mul3A_219 : i32
        %mul3A_221 = arith.constant 16 : i32
        %mul3A_222 = arith.muli %scan3A_163, %mul3A_221 : i32
        %add3A_223 = arith.addi %mul3A_220, %mul3A_222 : i32
        %add3A_224 = arith.constant 1 : i32
        %add3A_225 = arith.addi %add3A_223, %add3A_224 : i32
        %get3A_226 = arith.index_cast %add3A_225 : i32 to index
        %get3A_227 = arith.constant 0 : index
        %get3A_228 = tpu.vector_load %arg14[%get3A_226, %get3A_227] {strides = array<i32>} : memref<2048x16xf32, #tpu.memory_space<vmem>>, vector<1x16xf32>,
        %get3A_229 = vector.shape_cast %get3A_228 : vector<1x16xf32> to vector<16xf32>
        %slice3A_230 = vector.extract_strided_slice %get3A_169 {offsets = [1], sizes = [1], strides = [1]} : vector<16xf32> to vector<1xf32>
        %squeeze3A_231 = vector.extract %slice3A_230[0] : f32 from vector<1xf32>
        %mul3A_232 = vector.broadcast %squeeze3A_231 : f32 to vector<16xf32>
        %mul3A_233 = arith.mulf %get3A_229, %mul3A_232 : vector<16xf32>
        %swap3A_234 = arith.index_cast %add3A_225 : i32 to index
        %swap3A_235 = arith.constant 0 : index
        %swap3A_236 = tpu.vector_load %arg14[%swap3A_234, %swap3A_235] {strides = array<i32>} : memref<2048x16xf32, #tpu.memory_space<vmem>>, vector<1x16xf32>,
        %swap3A_237 = vector.shape_cast %swap3A_236 : vector<1x16xf32> to vector<16xf32>
        %swap3A_238 = vector.shape_cast %mul3A_233 : vector<16xf32> to vector<1x16xf32>
        tpu.vector_store %arg14[%swap3A_234, %swap3A_235], %swap3A_238 {strides = array<i32>} : memref<2048x16xf32, #tpu.memory_space<vmem>>, vector<1x16xf32>,
        %jit3A_239 = arith.constant 16 : i32
        %eq3A_240 = arith.constant 0 : i32
        %eq3A_241 = arith.cmpi eq, %jit3A_239, %eq3A_240 : i32
        %jit3A_242 = arith.constant 1 : i32
        %select_n3A_243 = arith.select %eq3A_241, %jit3A_242, %jit3A_239 : i32
        %rem3A_244 = arith.remsi %scan3A_100, %select_n3A_243 : i32
        %ne3A_245 = arith.constant 0 : i32
        %ne3A_246 = arith.cmpi ne, %rem3A_244, %ne3A_245 : i32
        %lt3A_247 = arith.constant 0 : i32
        %lt3A_248 = arith.cmpi slt, %rem3A_244, %lt3A_247 : i32
        %lt3A_249 = arith.constant 0 : i32
        %lt3A_250 = arith.cmpi slt, %select_n3A_243, %lt3A_249 : i32
        %ne3A_251 = arith.xori %lt3A_248, %lt3A_250 : i1
        %and3A_252 = arith.andi %ne3A_251, %ne3A_246 : i1
        %add3A_253 = arith.addi %rem3A_244, %select_n3A_243 : i32
        %select_n3A_254 = arith.select %and3A_252, %add3A_253, %rem3A_244 : i32
        %mul3A_255 = arith.constant 128 : i32
        %mul3A_256 = arith.muli %select_n3A_254, %mul3A_255 : i32
        %mul3A_257 = arith.constant 16 : i32
        %mul3A_258 = arith.muli %scan3A_163, %mul3A_257 : i32
        %add3A_259 = arith.addi %mul3A_256, %mul3A_258 : i32
        %add3A_260 = arith.constant 2 : i32
        %add3A_261 = arith.addi %add3A_259, %add3A_260 : i32
        %get3A_262 = arith.index_cast %add3A_261 : i32 to index
        %get3A_263 = arith.constant 0 : index
        %get3A_264 = tpu.vector_load %arg14[%get3A_262, %get3A_263] {strides = array<i32>} : memref<2048x16xf32, #tpu.memory_space<vmem>>, vector<1x16xf32>,
        %get3A_265 = vector.shape_cast %get3A_264 : vector<1x16xf32> to vector<16xf32>
        %slice3A_266 = vector.extract_strided_slice %get3A_169 {offsets = [2], sizes = [1], strides = [1]} : vector<16xf32> to vector<1xf32>
        %squeeze3A_267 = vector.extract %slice3A_266[0] : f32 from vector<1xf32>
        %mul3A_268 = vector.broadcast %squeeze3A_267 : f32 to vector<16xf32>
        %mul3A_269 = arith.mulf %get3A_265, %mul3A_268 : vector<16xf32>
        %swap3A_270 = arith.index_cast %add3A_261 : i32 to index
        %swap3A_271 = arith.constant 0 : index
        %swap3A_272 = tpu.vector_load %arg14[%swap3A_270, %swap3A_271] {strides = array<i32>} : memref<2048x16xf32, #tpu.memory_space<vmem>>, vector<1x16xf32>,
        %swap3A_273 = vector.shape_cast %swap3A_272 : vector<1x16xf32> to vector<16xf32>
        %swap3A_274 = vector.shape_cast %mul3A_269 : vector<16xf32> to vector<1x16xf32>
        tpu.vector_store %arg14[%swap3A_270, %swap3A_271], %swap3A_274 {strides = array<i32>} : memref<2048x16xf32, #tpu.memory_space<vmem>>, vector<1x16xf32>,
        %jit3A_275 = arith.constant 16 : i32
        %eq3A_276 = arith.constant 0 : i32
        %eq3A_277 = arith.cmpi eq, %jit3A_275, %eq3A_276 : i32
        %jit3A_278 = arith.constant 1 : i32
        %select_n3A_279 = arith.select %eq3A_277, %jit3A_278, %jit3A_275 : i32
        %rem3A_280 = arith.remsi %scan3A_100, %select_n3A_279 : i32
        %ne3A_281 = arith.constant 0 : i32
        %ne3A_282 = arith.cmpi ne, %rem3A_280, %ne3A_281 : i32
        %lt3A_283 = arith.constant 0 : i32
        %lt3A_284 = arith.cmpi slt, %rem3A_280, %lt3A_283 : i32
        %lt3A_285 = arith.constant 0 : i32
        %lt3A_286 = arith.cmpi slt, %select_n3A_279, %lt3A_285 : i32
        %ne3A_287 = arith.xori %lt3A_284, %lt3A_286 : i1
        %and3A_288 = arith.andi %ne3A_287, %ne3A_282 : i1
        %add3A_289 = arith.addi %rem3A_280, %select_n3A_279 : i32
        %select_n3A_290 = arith.select %and3A_288, %add3A_289, %rem3A_280 : i32
        %mul3A_291 = arith.constant 128 : i32
        %mul3A_292 = arith.muli %select_n3A_290, %mul3A_291 : i32
        %mul3A_293 = arith.constant 16 : i32
        %mul3A_294 = arith.muli %scan3A_163, %mul3A_293 : i32
        %add3A_295 = arith.addi %mul3A_292, %mul3A_294 : i32
        %add3A_296 = arith.constant 3 : i32
        %add3A_297 = arith.addi %add3A_295, %add3A_296 : i32
        %get3A_298 = arith.index_cast %add3A_297 : i32 to index
        %get3A_299 = arith.constant 0 : index
        %get3A_300 = tpu.vector_load %arg14[%get3A_298, %get3A_299] {strides = array<i32>} : memref<2048x16xf32, #tpu.memory_space<vmem>>, vector<1x16xf32>,
        %get3A_301 = vector.shape_cast %get3A_300 : vector<1x16xf32> to vector<16xf32>
        %slice3A_302 = vector.extract_strided_slice %get3A_169 {offsets = [3], sizes = [1], strides = [1]} : vector<16xf32> to vector<1xf32>
        %squeeze3A_303 = vector.extract %slice3A_302[0] : f32 from vector<1xf32>
        %mul3A_304 = vector.broadcast %squeeze3A_303 : f32 to vector<16xf32>
        %mul3A_305 = arith.mulf %get3A_301, %mul3A_304 : vector<16xf32>
        %swap3A_306 = arith.index_cast %add3A_297 : i32 to index
        %swap3A_307 = arith.constant 0 : index
        %swap3A_308 = tpu.vector_load %arg14[%swap3A_306, %swap3A_307] {strides = array<i32>} : memref<2048x16xf32, #tpu.memory_space<vmem>>, vector<1x16xf32>,
        %swap3A_309 = vector.shape_cast %swap3A_308 : vector<1x16xf32> to vector<16xf32>
        %swap3A_310 = vector.shape_cast %mul3A_305 : vector<16xf32> to vector<1x16xf32>
        tpu.vector_store %arg14[%swap3A_306, %swap3A_307], %swap3A_310 {strides = array<i32>} : memref<2048x16xf32, #tpu.memory_space<vmem>>, vector<1x16xf32>,
        %jit3A_311 = arith.constant 16 : i32
        %eq3A_312 = arith.constant 0 : i32
        %eq3A_313 = arith.cmpi eq, %jit3A_311, %eq3A_312 : i32
        %jit3A_314 = arith.constant 1 : i32
        %select_n3A_315 = arith.select %eq3A_313, %jit3A_314, %jit3A_311 : i32
        %rem3A_316 = arith.remsi %scan3A_100, %select_n3A_315 : i32
        %ne3A_317 = arith.constant 0 : i32
        %ne3A_318 = arith.cmpi ne, %rem3A_316, %ne3A_317 : i32
        %lt3A_319 = arith.constant 0 : i32
        %lt3A_320 = arith.cmpi slt, %rem3A_316, %lt3A_319 : i32
        %lt3A_321 = arith.constant 0 : i32
        %lt3A_322 = arith.cmpi slt, %select_n3A_315, %lt3A_321 : i32
        %ne3A_323 = arith.xori %lt3A_320, %lt3A_322 : i1
        %and3A_324 = arith.andi %ne3A_323, %ne3A_318 : i1
        %add3A_325 = arith.addi %rem3A_316, %select_n3A_315 : i32
        %select_n3A_326 = arith.select %and3A_324, %add3A_325, %rem3A_316 : i32
        %mul3A_327 = arith.constant 128 : i32
        %mul3A_328 = arith.muli %select_n3A_326, %mul3A_327 : i32
        %mul3A_329 = arith.constant 16 : i32
        %mul3A_330 = arith.muli %scan3A_163, %mul3A_329 : i32
        %add3A_331 = arith.addi %mul3A_328, %mul3A_330 : i32
        %add3A_332 = arith.constant 4 : i32
        %add3A_333 = arith.addi %add3A_331, %add3A_332 : i32
        %get3A_334 = arith.index_cast %add3A_333 : i32 to index
        %get3A_335 = arith.constant 0 : index
        %get3A_336 = tpu.vector_load %arg14[%get3A_334, %get3A_335] {strides = array<i32>} : memref<2048x16xf32, #tpu.memory_space<vmem>>, vector<1x16xf32>,
        %get3A_337 = vector.shape_cast %get3A_336 : vector<1x16xf32> to vector<16xf32>
        %slice3A_338 = vector.extract_strided_slice %get3A_169 {offsets = [4], sizes = [1], strides = [1]} : vector<16xf32> to vector<1xf32>
        %squeeze3A_339 = vector.extract %slice3A_338[0] : f32 from vector<1xf32>
        %mul3A_340 = vector.broadcast %squeeze3A_339 : f32 to vector<16xf32>
        %mul3A_341 = arith.mulf %get3A_337, %mul3A_340 : vector<16xf32>
        %swap3A_342 = arith.index_cast %add3A_333 : i32 to index
        %swap3A_343 = arith.constant 0 : index
        %swap3A_344 = tpu.vector_load %arg14[%swap3A_342, %swap3A_343] {strides = array<i32>} : memref<2048x16xf32, #tpu.memory_space<vmem>>, vector<1x16xf32>,
        %swap3A_345 = vector.shape_cast %swap3A_344 : vector<1x16xf32> to vector<16xf32>
        %swap3A_346 = vector.shape_cast %mul3A_341 : vector<16xf32> to vector<1x16xf32>
        tpu.vector_store %arg14[%swap3A_342, %swap3A_343], %swap3A_346 {strides = array<i32>} : memref<2048x16xf32, #tpu.memory_space<vmem>>, vector<1x16xf32>,
        %jit3A_347 = arith.constant 16 : i32
        %eq3A_348 = arith.constant 0 : i32
        %eq3A_349 = arith.cmpi eq, %jit3A_347, %eq3A_348 : i32
        %jit3A_350 = arith.constant 1 : i32
        %select_n3A_351 = arith.select %eq3A_349, %jit3A_350, %jit3A_347 : i32
        %rem3A_352 = arith.remsi %scan3A_100, %select_n3A_351 : i32
        %ne3A_353 = arith.constant 0 : i32
        %ne3A_354 = arith.cmpi ne, %rem3A_352, %ne3A_353 : i32
        %lt3A_355 = arith.constant 0 : i32
        %lt3A_356 = arith.cmpi slt, %rem3A_352, %lt3A_355 : i32
        %lt3A_357 = arith.constant 0 : i32
        %lt3A_358 = arith.cmpi slt, %select_n3A_351, %lt3A_357 : i32
        %ne3A_359 = arith.xori %lt3A_356, %lt3A_358 : i1
        %and3A_360 = arith.andi %ne3A_359, %ne3A_354 : i1
        %add3A_361 = arith.addi %rem3A_352, %select_n3A_351 : i32
        %select_n3A_362 = arith.select %and3A_360, %add3A_361, %rem3A_352 : i32
        %mul3A_363 = arith.constant 128 : i32
        %mul3A_364 = arith.muli %select_n3A_362, %mul3A_363 : i32
        %mul3A_365 = arith.constant 16 : i32
        %mul3A_366 = arith.muli %scan3A_163, %mul3A_365 : i32
        %add3A_367 = arith.addi %mul3A_364, %mul3A_366 : i32
        %add3A_368 = arith.constant 5 : i32
        %add3A_369 = arith.addi %add3A_367, %add3A_368 : i32
        %get3A_370 = arith.index_cast %add3A_369 : i32 to index
        %get3A_371 = arith.constant 0 : index
        %get3A_372 = tpu.vector_load %arg14[%get3A_370, %get3A_371] {strides = array<i32>} : memref<2048x16xf32, #tpu.memory_space<vmem>>, vector<1x16xf32>,
        %get3A_373 = vector.shape_cast %get3A_372 : vector<1x16xf32> to vector<16xf32>
        %slice3A_374 = vector.extract_strided_slice %get3A_169 {offsets = [5], sizes = [1], strides = [1]} : vector<16xf32> to vector<1xf32>
        %squeeze3A_375 = vector.extract %slice3A_374[0] : f32 from vector<1xf32>
        %mul3A_376 = vector.broadcast %squeeze3A_375 : f32 to vector<16xf32>
        %mul3A_377 = arith.mulf %get3A_373, %mul3A_376 : vector<16xf32>
        %swap3A_378 = arith.index_cast %add3A_369 : i32 to index
        %swap3A_379 = arith.constant 0 : index
        %swap3A_380 = tpu.vector_load %arg14[%swap3A_378, %swap3A_379] {strides = array<i32>} : memref<2048x16xf32, #tpu.memory_space<vmem>>, vector<1x16xf32>,
        %swap3A_381 = vector.shape_cast %swap3A_380 : vector<1x16xf32> to vector<16xf32>
        %swap3A_382 = vector.shape_cast %mul3A_377 : vector<16xf32> to vector<1x16xf32>
        tpu.vector_store %arg14[%swap3A_378, %swap3A_379], %swap3A_382 {strides = array<i32>} : memref<2048x16xf32, #tpu.memory_space<vmem>>, vector<1x16xf32>,
        %jit3A_383 = arith.constant 16 : i32
        %eq3A_384 = arith.constant 0 : i32
        %eq3A_385 = arith.cmpi eq, %jit3A_383, %eq3A_384 : i32
        %jit3A_386 = arith.constant 1 : i32
        %select_n3A_387 = arith.select %eq3A_385, %jit3A_386, %jit3A_383 : i32
        %rem3A_388 = arith.remsi %scan3A_100, %select_n3A_387 : i32
        %ne3A_389 = arith.constant 0 : i32
        %ne3A_390 = arith.cmpi ne, %rem3A_388, %ne3A_389 : i32
        %lt3A_391 = arith.constant 0 : i32
        %lt3A_392 = arith.cmpi slt, %rem3A_388, %lt3A_391 : i32
        %lt3A_393 = arith.constant 0 : i32
        %lt3A_394 = arith.cmpi slt, %select_n3A_387, %lt3A_393 : i32
        %ne3A_395 = arith.xori %lt3A_392, %lt3A_394 : i1
        %and3A_396 = arith.andi %ne3A_395, %ne3A_390 : i1
        %add3A_397 = arith.addi %rem3A_388, %select_n3A_387 : i32
        %select_n3A_398 = arith.select %and3A_396, %add3A_397, %rem3A_388 : i32
        %mul3A_399 = arith.constant 128 : i32
        %mul3A_400 = arith.muli %select_n3A_398, %mul3A_399 : i32
        %mul3A_401 = arith.constant 16 : i32
        %mul3A_402 = arith.muli %scan3A_163, %mul3A_401 : i32
        %add3A_403 = arith.addi %mul3A_400, %mul3A_402 : i32
        %add3A_404 = arith.constant 6 : i32
        %add3A_405 = arith.addi %add3A_403, %add3A_404 : i32
        %get3A_406 = arith.index_cast %add3A_405 : i32 to index
        %get3A_407 = arith.constant 0 : index
        %get3A_408 = tpu.vector_load %arg14[%get3A_406, %get3A_407] {strides = array<i32>} : memref<2048x16xf32, #tpu.memory_space<vmem>>, vector<1x16xf32>,
        %get3A_409 = vector.shape_cast %get3A_408 : vector<1x16xf32> to vector<16xf32>
        %slice3A_410 = vector.extract_strided_slice %get3A_169 {offsets = [6], sizes = [1], strides = [1]} : vector<16xf32> to vector<1xf32>
        %squeeze3A_411 = vector.extract %slice3A_410[0] : f32 from vector<1xf32>
        %mul3A_412 = vector.broadcast %squeeze3A_411 : f32 to vector<16xf32>
        %mul3A_413 = arith.mulf %get3A_409, %mul3A_412 : vector<16xf32>
        %swap3A_414 = arith.index_cast %add3A_405 : i32 to index
        %swap3A_415 = arith.constant 0 : index
        %swap3A_416 = tpu.vector_load %arg14[%swap3A_414, %swap3A_415] {strides = array<i32>} : memref<2048x16xf32, #tpu.memory_space<vmem>>, vector<1x16xf32>,
        %swap3A_417 = vector.shape_cast %swap3A_416 : vector<1x16xf32> to vector<16xf32>
        %swap3A_418 = vector.shape_cast %mul3A_413 : vector<16xf32> to vector<1x16xf32>
        tpu.vector_store %arg14[%swap3A_414, %swap3A_415], %swap3A_418 {strides = array<i32>} : memref<2048x16xf32, #tpu.memory_space<vmem>>, vector<1x16xf32>,
        %jit3A_419 = arith.constant 16 : i32
        %eq3A_420 = arith.constant 0 : i32
        %eq3A_421 = arith.cmpi eq, %jit3A_419, %eq3A_420 : i32
        %jit3A_422 = arith.constant 1 : i32
        %select_n3A_423 = arith.select %eq3A_421, %jit3A_422, %jit3A_419 : i32
        %rem3A_424 = arith.remsi %scan3A_100, %select_n3A_423 : i32
        %ne3A_425 = arith.constant 0 : i32
        %ne3A_426 = arith.cmpi ne, %rem3A_424, %ne3A_425 : i32
        %lt3A_427 = arith.constant 0 : i32
        %lt3A_428 = arith.cmpi slt, %rem3A_424, %lt3A_427 : i32
        %lt3A_429 = arith.constant 0 : i32
        %lt3A_430 = arith.cmpi slt, %select_n3A_423, %lt3A_429 : i32
        %ne3A_431 = arith.xori %lt3A_428, %lt3A_430 : i1
        %and3A_432 = arith.andi %ne3A_431, %ne3A_426 : i1
        %add3A_433 = arith.addi %rem3A_424, %select_n3A_423 : i32
        %select_n3A_434 = arith.select %and3A_432, %add3A_433, %rem3A_424 : i32
        %mul3A_435 = arith.constant 128 : i32
        %mul3A_436 = arith.muli %select_n3A_434, %mul3A_435 : i32
        %mul3A_437 = arith.constant 16 : i32
        %mul3A_438 = arith.muli %scan3A_163, %mul3A_437 : i32
        %add3A_439 = arith.addi %mul3A_436, %mul3A_438 : i32
        %add3A_440 = arith.constant 7 : i32
        %add3A_441 = arith.addi %add3A_439, %add3A_440 : i32
        %get3A_442 = arith.index_cast %add3A_441 : i32 to index
        %get3A_443 = arith.constant 0 : index
        %get3A_444 = tpu.vector_load %arg14[%get3A_442, %get3A_443] {strides = array<i32>} : memref<2048x16xf32, #tpu.memory_space<vmem>>, vector<1x16xf32>,
        %get3A_445 = vector.shape_cast %get3A_444 : vector<1x16xf32> to vector<16xf32>
        %slice3A_446 = vector.extract_strided_slice %get3A_169 {offsets = [7], sizes = [1], strides = [1]} : vector<16xf32> to vector<1xf32>
        %squeeze3A_447 = vector.extract %slice3A_446[0] : f32 from vector<1xf32>
        %mul3A_448 = vector.broadcast %squeeze3A_447 : f32 to vector<16xf32>
        %mul3A_449 = arith.mulf %get3A_445, %mul3A_448 : vector<16xf32>
        %swap3A_450 = arith.index_cast %add3A_441 : i32 to index
        %swap3A_451 = arith.constant 0 : index
        %swap3A_452 = tpu.vector_load %arg14[%swap3A_450, %swap3A_451] {strides = array<i32>} : memref<2048x16xf32, #tpu.memory_space<vmem>>, vector<1x16xf32>,
        %swap3A_453 = vector.shape_cast %swap3A_452 : vector<1x16xf32> to vector<16xf32>
        %swap3A_454 = vector.shape_cast %mul3A_449 : vector<16xf32> to vector<1x16xf32>
        tpu.vector_store %arg14[%swap3A_450, %swap3A_451], %swap3A_454 {strides = array<i32>} : memref<2048x16xf32, #tpu.memory_space<vmem>>, vector<1x16xf32>,
        %jit3A_455 = arith.constant 16 : i32
        %eq3A_456 = arith.constant 0 : i32
        %eq3A_457 = arith.cmpi eq, %jit3A_455, %eq3A_456 : i32
        %jit3A_458 = arith.constant 1 : i32
        %select_n3A_459 = arith.select %eq3A_457, %jit3A_458, %jit3A_455 : i32
        %rem3A_460 = arith.remsi %scan3A_100, %select_n3A_459 : i32
        %ne3A_461 = arith.constant 0 : i32
        %ne3A_462 = arith.cmpi ne, %rem3A_460, %ne3A_461 : i32
        %lt3A_463 = arith.constant 0 : i32
        %lt3A_464 = arith.cmpi slt, %rem3A_460, %lt3A_463 : i32
        %lt3A_465 = arith.constant 0 : i32
        %lt3A_466 = arith.cmpi slt, %select_n3A_459, %lt3A_465 : i32
        %ne3A_467 = arith.xori %lt3A_464, %lt3A_466 : i1
        %and3A_468 = arith.andi %ne3A_467, %ne3A_462 : i1
        %add3A_469 = arith.addi %rem3A_460, %select_n3A_459 : i32
        %select_n3A_470 = arith.select %and3A_468, %add3A_469, %rem3A_460 : i32
        %mul3A_471 = arith.constant 128 : i32
        %mul3A_472 = arith.muli %select_n3A_470, %mul3A_471 : i32
        %mul3A_473 = arith.constant 16 : i32
        %mul3A_474 = arith.muli %scan3A_163, %mul3A_473 : i32
        %add3A_475 = arith.addi %mul3A_472, %mul3A_474 : i32
        %add3A_476 = arith.constant 8 : i32
        %add3A_477 = arith.addi %add3A_475, %add3A_476 : i32
        %get3A_478 = arith.index_cast %add3A_477 : i32 to index
        %get3A_479 = arith.constant 0 : index
        %get3A_480 = tpu.vector_load %arg14[%get3A_478, %get3A_479] {strides = array<i32>} : memref<2048x16xf32, #tpu.memory_space<vmem>>, vector<1x16xf32>,
        %get3A_481 = vector.shape_cast %get3A_480 : vector<1x16xf32> to vector<16xf32>
        %slice3A_482 = vector.extract_strided_slice %get3A_169 {offsets = [8], sizes = [1], strides = [1]} : vector<16xf32> to vector<1xf32>
        %squeeze3A_483 = vector.extract %slice3A_482[0] : f32 from vector<1xf32>
        %mul3A_484 = vector.broadcast %squeeze3A_483 : f32 to vector<16xf32>
        %mul3A_485 = arith.mulf %get3A_481, %mul3A_484 : vector<16xf32>
        %swap3A_486 = arith.index_cast %add3A_477 : i32 to index
        %swap3A_487 = arith.constant 0 : index
        %swap3A_488 = tpu.vector_load %arg14[%swap3A_486, %swap3A_487] {strides = array<i32>} : memref<2048x16xf32, #tpu.memory_space<vmem>>, vector<1x16xf32>,
        %swap3A_489 = vector.shape_cast %swap3A_488 : vector<1x16xf32> to vector<16xf32>
        %swap3A_490 = vector.shape_cast %mul3A_485 : vector<16xf32> to vector<1x16xf32>
        tpu.vector_store %arg14[%swap3A_486, %swap3A_487], %swap3A_490 {strides = array<i32>} : memref<2048x16xf32, #tpu.memory_space<vmem>>, vector<1x16xf32>,
        %jit3A_491 = arith.constant 16 : i32
        %eq3A_492 = arith.constant 0 : i32
        %eq3A_493 = arith.cmpi eq, %jit3A_491, %eq3A_492 : i32
        %jit3A_494 = arith.constant 1 : i32
        %select_n3A_495 = arith.select %eq3A_493, %jit3A_494, %jit3A_491 : i32
        %rem3A_496 = arith.remsi %scan3A_100, %select_n3A_495 : i32
        %ne3A_497 = arith.constant 0 : i32
        %ne3A_498 = arith.cmpi ne, %rem3A_496, %ne3A_497 : i32
        %lt3A_499 = arith.constant 0 : i32
        %lt3A_500 = arith.cmpi slt, %rem3A_496, %lt3A_499 : i32
        %lt3A_501 = arith.constant 0 : i32
        %lt3A_502 = arith.cmpi slt, %select_n3A_495, %lt3A_501 : i32
        %ne3A_503 = arith.xori %lt3A_500, %lt3A_502 : i1
        %and3A_504 = arith.andi %ne3A_503, %ne3A_498 : i1
        %add3A_505 = arith.addi %rem3A_496, %select_n3A_495 : i32
        %select_n3A_506 = arith.select %and3A_504, %add3A_505, %rem3A_496 : i32
        %mul3A_507 = arith.constant 128 : i32
        %mul3A_508 = arith.muli %select_n3A_506, %mul3A_507 : i32
        %mul3A_509 = arith.constant 16 : i32
        %mul3A_510 = arith.muli %scan3A_163, %mul3A_509 : i32
        %add3A_511 = arith.addi %mul3A_508, %mul3A_510 : i32
        %add3A_512 = arith.constant 9 : i32
        %add3A_513 = arith.addi %add3A_511, %add3A_512 : i32
        %get3A_514 = arith.index_cast %add3A_513 : i32 to index
        %get3A_515 = arith.constant 0 : index
        %get3A_516 = tpu.vector_load %arg14[%get3A_514, %get3A_515] {strides = array<i32>} : memref<2048x16xf32, #tpu.memory_space<vmem>>, vector<1x16xf32>,
        %get3A_517 = vector.shape_cast %get3A_516 : vector<1x16xf32> to vector<16xf32>
        %slice3A_518 = vector.extract_strided_slice %get3A_169 {offsets = [9], sizes = [1], strides = [1]} : vector<16xf32> to vector<1xf32>
        %squeeze3A_519 = vector.extract %slice3A_518[0] : f32 from vector<1xf32>
        %mul3A_520 = vector.broadcast %squeeze3A_519 : f32 to vector<16xf32>
        %mul3A_521 = arith.mulf %get3A_517, %mul3A_520 : vector<16xf32>
        %swap3A_522 = arith.index_cast %add3A_513 : i32 to index
        %swap3A_523 = arith.constant 0 : index
        %swap3A_524 = tpu.vector_load %arg14[%swap3A_522, %swap3A_523] {strides = array<i32>} : memref<2048x16xf32, #tpu.memory_space<vmem>>, vector<1x16xf32>,
        %swap3A_525 = vector.shape_cast %swap3A_524 : vector<1x16xf32> to vector<16xf32>
        %swap3A_526 = vector.shape_cast %mul3A_521 : vector<16xf32> to vector<1x16xf32>
        tpu.vector_store %arg14[%swap3A_522, %swap3A_523], %swap3A_526 {strides = array<i32>} : memref<2048x16xf32, #tpu.memory_space<vmem>>, vector<1x16xf32>,
        %jit3A_527 = arith.constant 16 : i32
        %eq3A_528 = arith.constant 0 : i32
        %eq3A_529 = arith.cmpi eq, %jit3A_527, %eq3A_528 : i32
        %jit3A_530 = arith.constant 1 : i32
        %select_n3A_531 = arith.select %eq3A_529, %jit3A_530, %jit3A_527 : i32
        %rem3A_532 = arith.remsi %scan3A_100, %select_n3A_531 : i32
        %ne3A_533 = arith.constant 0 : i32
        %ne3A_534 = arith.cmpi ne, %rem3A_532, %ne3A_533 : i32
        %lt3A_535 = arith.constant 0 : i32
        %lt3A_536 = arith.cmpi slt, %rem3A_532, %lt3A_535 : i32
        %lt3A_537 = arith.constant 0 : i32
        %lt3A_538 = arith.cmpi slt, %select_n3A_531, %lt3A_537 : i32
        %ne3A_539 = arith.xori %lt3A_536, %lt3A_538 : i1
        %and3A_540 = arith.andi %ne3A_539, %ne3A_534 : i1
        %add3A_541 = arith.addi %rem3A_532, %select_n3A_531 : i32
        %select_n3A_542 = arith.select %and3A_540, %add3A_541, %rem3A_532 : i32
        %mul3A_543 = arith.constant 128 : i32
        %mul3A_544 = arith.muli %select_n3A_542, %mul3A_543 : i32
        %mul3A_545 = arith.constant 16 : i32
        %mul3A_546 = arith.muli %scan3A_163, %mul3A_545 : i32
        %add3A_547 = arith.addi %mul3A_544, %mul3A_546 : i32
        %add3A_548 = arith.constant 10 : i32
        %add3A_549 = arith.addi %add3A_547, %add3A_548 : i32
        %get3A_550 = arith.index_cast %add3A_549 : i32 to index
        %get3A_551 = arith.constant 0 : index
        %get3A_552 = tpu.vector_load %arg14[%get3A_550, %get3A_551] {strides = array<i32>} : memref<2048x16xf32, #tpu.memory_space<vmem>>, vector<1x16xf32>,
        %get3A_553 = vector.shape_cast %get3A_552 : vector<1x16xf32> to vector<16xf32>
        %slice3A_554 = vector.extract_strided_slice %get3A_169 {offsets = [10], sizes = [1], strides = [1]} : vector<16xf32> to vector<1xf32>
        %squeeze3A_555 = vector.extract %slice3A_554[0] : f32 from vector<1xf32>
        %mul3A_556 = vector.broadcast %squeeze3A_555 : f32 to vector<16xf32>
        %mul3A_557 = arith.mulf %get3A_553, %mul3A_556 : vector<16xf32>
        %swap3A_558 = arith.index_cast %add3A_549 : i32 to index
        %swap3A_559 = arith.constant 0 : index
        %swap3A_560 = tpu.vector_load %arg14[%swap3A_558, %swap3A_559] {strides = array<i32>} : memref<2048x16xf32, #tpu.memory_space<vmem>>, vector<1x16xf32>,
        %swap3A_561 = vector.shape_cast %swap3A_560 : vector<1x16xf32> to vector<16xf32>
        %swap3A_562 = vector.shape_cast %mul3A_557 : vector<16xf32> to vector<1x16xf32>
        tpu.vector_store %arg14[%swap3A_558, %swap3A_559], %swap3A_562 {strides = array<i32>} : memref<2048x16xf32, #tpu.memory_space<vmem>>, vector<1x16xf32>,
        %jit3A_563 = arith.constant 16 : i32
        %eq3A_564 = arith.constant 0 : i32
        %eq3A_565 = arith.cmpi eq, %jit3A_563, %eq3A_564 : i32
        %jit3A_566 = arith.constant 1 : i32
        %select_n3A_567 = arith.select %eq3A_565, %jit3A_566, %jit3A_563 : i32
        %rem3A_568 = arith.remsi %scan3A_100, %select_n3A_567 : i32
        %ne3A_569 = arith.constant 0 : i32
        %ne3A_570 = arith.cmpi ne, %rem3A_568, %ne3A_569 : i32
        %lt3A_571 = arith.constant 0 : i32
        %lt3A_572 = arith.cmpi slt, %rem3A_568, %lt3A_571 : i32
        %lt3A_573 = arith.constant 0 : i32
        %lt3A_574 = arith.cmpi slt, %select_n3A_567, %lt3A_573 : i32
        %ne3A_575 = arith.xori %lt3A_572, %lt3A_574 : i1
        %and3A_576 = arith.andi %ne3A_575, %ne3A_570 : i1
        %add3A_577 = arith.addi %rem3A_568, %select_n3A_567 : i32
        %select_n3A_578 = arith.select %and3A_576, %add3A_577, %rem3A_568 : i32
        %mul3A_579 = arith.constant 128 : i32
        %mul3A_580 = arith.muli %select_n3A_578, %mul3A_579 : i32
        %mul3A_581 = arith.constant 16 : i32
        %mul3A_582 = arith.muli %scan3A_163, %mul3A_581 : i32
        %add3A_583 = arith.addi %mul3A_580, %mul3A_582 : i32
        %add3A_584 = arith.constant 11 : i32
        %add3A_585 = arith.addi %add3A_583, %add3A_584 : i32
        %get3A_586 = arith.index_cast %add3A_585 : i32 to index
        %get3A_587 = arith.constant 0 : index
        %get3A_588 = tpu.vector_load %arg14[%get3A_586, %get3A_587] {strides = array<i32>} : memref<2048x16xf32, #tpu.memory_space<vmem>>, vector<1x16xf32>,
        %get3A_589 = vector.shape_cast %get3A_588 : vector<1x16xf32> to vector<16xf32>
        %slice3A_590 = vector.extract_strided_slice %get3A_169 {offsets = [11], sizes = [1], strides = [1]} : vector<16xf32> to vector<1xf32>
        %squeeze3A_591 = vector.extract %slice3A_590[0] : f32 from vector<1xf32>
        %mul3A_592 = vector.broadcast %squeeze3A_591 : f32 to vector<16xf32>
        %mul3A_593 = arith.mulf %get3A_589, %mul3A_592 : vector<16xf32>
        %swap3A_594 = arith.index_cast %add3A_585 : i32 to index
        %swap3A_595 = arith.constant 0 : index
        %swap3A_596 = tpu.vector_load %arg14[%swap3A_594, %swap3A_595] {strides = array<i32>} : memref<2048x16xf32, #tpu.memory_space<vmem>>, vector<1x16xf32>,
        %swap3A_597 = vector.shape_cast %swap3A_596 : vector<1x16xf32> to vector<16xf32>
        %swap3A_598 = vector.shape_cast %mul3A_593 : vector<16xf32> to vector<1x16xf32>
        tpu.vector_store %arg14[%swap3A_594, %swap3A_595], %swap3A_598 {strides = array<i32>} : memref<2048x16xf32, #tpu.memory_space<vmem>>, vector<1x16xf32>,
        %jit3A_599 = arith.constant 16 : i32
        %eq3A_600 = arith.constant 0 : i32
        %eq3A_601 = arith.cmpi eq, %jit3A_599, %eq3A_600 : i32
        %jit3A_602 = arith.constant 1 : i32
        %select_n3A_603 = arith.select %eq3A_601, %jit3A_602, %jit3A_599 : i32
        %rem3A_604 = arith.remsi %scan3A_100, %select_n3A_603 : i32
        %ne3A_605 = arith.constant 0 : i32
        %ne3A_606 = arith.cmpi ne, %rem3A_604, %ne3A_605 : i32
        %lt3A_607 = arith.constant 0 : i32
        %lt3A_608 = arith.cmpi slt, %rem3A_604, %lt3A_607 : i32
        %lt3A_609 = arith.constant 0 : i32
        %lt3A_610 = arith.cmpi slt, %select_n3A_603, %lt3A_609 : i32
        %ne3A_611 = arith.xori %lt3A_608, %lt3A_610 : i1
        %and3A_612 = arith.andi %ne3A_611, %ne3A_606 : i1
        %add3A_613 = arith.addi %rem3A_604, %select_n3A_603 : i32
        %select_n3A_614 = arith.select %and3A_612, %add3A_613, %rem3A_604 : i32
        %mul3A_615 = arith.constant 128 : i32
        %mul3A_616 = arith.muli %select_n3A_614, %mul3A_615 : i32
        %mul3A_617 = arith.constant 16 : i32
        %mul3A_618 = arith.muli %scan3A_163, %mul3A_617 : i32
        %add3A_619 = arith.addi %mul3A_616, %mul3A_618 : i32
        %add3A_620 = arith.constant 12 : i32
        %add3A_621 = arith.addi %add3A_619, %add3A_620 : i32
        %get3A_622 = arith.index_cast %add3A_621 : i32 to index
        %get3A_623 = arith.constant 0 : index
        %get3A_624 = tpu.vector_load %arg14[%get3A_622, %get3A_623] {strides = array<i32>} : memref<2048x16xf32, #tpu.memory_space<vmem>>, vector<1x16xf32>,
        %get3A_625 = vector.shape_cast %get3A_624 : vector<1x16xf32> to vector<16xf32>
        %slice3A_626 = vector.extract_strided_slice %get3A_169 {offsets = [12], sizes = [1], strides = [1]} : vector<16xf32> to vector<1xf32>
        %squeeze3A_627 = vector.extract %slice3A_626[0] : f32 from vector<1xf32>
        %mul3A_628 = vector.broadcast %squeeze3A_627 : f32 to vector<16xf32>
        %mul3A_629 = arith.mulf %get3A_625, %mul3A_628 : vector<16xf32>
        %swap3A_630 = arith.index_cast %add3A_621 : i32 to index
        %swap3A_631 = arith.constant 0 : index
        %swap3A_632 = tpu.vector_load %arg14[%swap3A_630, %swap3A_631] {strides = array<i32>} : memref<2048x16xf32, #tpu.memory_space<vmem>>, vector<1x16xf32>,
        %swap3A_633 = vector.shape_cast %swap3A_632 : vector<1x16xf32> to vector<16xf32>
        %swap3A_634 = vector.shape_cast %mul3A_629 : vector<16xf32> to vector<1x16xf32>
        tpu.vector_store %arg14[%swap3A_630, %swap3A_631], %swap3A_634 {strides = array<i32>} : memref<2048x16xf32, #tpu.memory_space<vmem>>, vector<1x16xf32>,
        %jit3A_635 = arith.constant 16 : i32
        %eq3A_636 = arith.constant 0 : i32
        %eq3A_637 = arith.cmpi eq, %jit3A_635, %eq3A_636 : i32
        %jit3A_638 = arith.constant 1 : i32
        %select_n3A_639 = arith.select %eq3A_637, %jit3A_638, %jit3A_635 : i32
        %rem3A_640 = arith.remsi %scan3A_100, %select_n3A_639 : i32
        %ne3A_641 = arith.constant 0 : i32
        %ne3A_642 = arith.cmpi ne, %rem3A_640, %ne3A_641 : i32
        %lt3A_643 = arith.constant 0 : i32
        %lt3A_644 = arith.cmpi slt, %rem3A_640, %lt3A_643 : i32
        %lt3A_645 = arith.constant 0 : i32
        %lt3A_646 = arith.cmpi slt, %select_n3A_639, %lt3A_645 : i32
        %ne3A_647 = arith.xori %lt3A_644, %lt3A_646 : i1
        %and3A_648 = arith.andi %ne3A_647, %ne3A_642 : i1
        %add3A_649 = arith.addi %rem3A_640, %select_n3A_639 : i32
        %select_n3A_650 = arith.select %and3A_648, %add3A_649, %rem3A_640 : i32
        %mul3A_651 = arith.constant 128 : i32
        %mul3A_652 = arith.muli %select_n3A_650, %mul3A_651 : i32
        %mul3A_653 = arith.constant 16 : i32
        %mul3A_654 = arith.muli %scan3A_163, %mul3A_653 : i32
        %add3A_655 = arith.addi %mul3A_652, %mul3A_654 : i32
        %add3A_656 = arith.constant 13 : i32
        %add3A_657 = arith.addi %add3A_655, %add3A_656 : i32
        %get3A_658 = arith.index_cast %add3A_657 : i32 to index
        %get3A_659 = arith.constant 0 : index
        %get3A_660 = tpu.vector_load %arg14[%get3A_658, %get3A_659] {strides = array<i32>} : memref<2048x16xf32, #tpu.memory_space<vmem>>, vector<1x16xf32>,
        %get3A_661 = vector.shape_cast %get3A_660 : vector<1x16xf32> to vector<16xf32>
        %slice3A_662 = vector.extract_strided_slice %get3A_169 {offsets = [13], sizes = [1], strides = [1]} : vector<16xf32> to vector<1xf32>
        %squeeze3A_663 = vector.extract %slice3A_662[0] : f32 from vector<1xf32>
        %mul3A_664 = vector.broadcast %squeeze3A_663 : f32 to vector<16xf32>
        %mul3A_665 = arith.mulf %get3A_661, %mul3A_664 : vector<16xf32>
        %swap3A_666 = arith.index_cast %add3A_657 : i32 to index
        %swap3A_667 = arith.constant 0 : index
        %swap3A_668 = tpu.vector_load %arg14[%swap3A_666, %swap3A_667] {strides = array<i32>} : memref<2048x16xf32, #tpu.memory_space<vmem>>, vector<1x16xf32>,
        %swap3A_669 = vector.shape_cast %swap3A_668 : vector<1x16xf32> to vector<16xf32>
        %swap3A_670 = vector.shape_cast %mul3A_665 : vector<16xf32> to vector<1x16xf32>
        tpu.vector_store %arg14[%swap3A_666, %swap3A_667], %swap3A_670 {strides = array<i32>} : memref<2048x16xf32, #tpu.memory_space<vmem>>, vector<1x16xf32>,
        %jit3A_671 = arith.constant 16 : i32
        %eq3A_672 = arith.constant 0 : i32
        %eq3A_673 = arith.cmpi eq, %jit3A_671, %eq3A_672 : i32
        %jit3A_674 = arith.constant 1 : i32
        %select_n3A_675 = arith.select %eq3A_673, %jit3A_674, %jit3A_671 : i32
        %rem3A_676 = arith.remsi %scan3A_100, %select_n3A_675 : i32
        %ne3A_677 = arith.constant 0 : i32
        %ne3A_678 = arith.cmpi ne, %rem3A_676, %ne3A_677 : i32
        %lt3A_679 = arith.constant 0 : i32
        %lt3A_680 = arith.cmpi slt, %rem3A_676, %lt3A_679 : i32
        %lt3A_681 = arith.constant 0 : i32
        %lt3A_682 = arith.cmpi slt, %select_n3A_675, %lt3A_681 : i32
        %ne3A_683 = arith.xori %lt3A_680, %lt3A_682 : i1
        %and3A_684 = arith.andi %ne3A_683, %ne3A_678 : i1
        %add3A_685 = arith.addi %rem3A_676, %select_n3A_675 : i32
        %select_n3A_686 = arith.select %and3A_684, %add3A_685, %rem3A_676 : i32
        %mul3A_687 = arith.constant 128 : i32
        %mul3A_688 = arith.muli %select_n3A_686, %mul3A_687 : i32
        %mul3A_689 = arith.constant 16 : i32
        %mul3A_690 = arith.muli %scan3A_163, %mul3A_689 : i32
        %add3A_691 = arith.addi %mul3A_688, %mul3A_690 : i32
        %add3A_692 = arith.constant 14 : i32
        %add3A_693 = arith.addi %add3A_691, %add3A_692 : i32
        %get3A_694 = arith.index_cast %add3A_693 : i32 to index
        %get3A_695 = arith.constant 0 : index
        %get3A_696 = tpu.vector_load %arg14[%get3A_694, %get3A_695] {strides = array<i32>} : memref<2048x16xf32, #tpu.memory_space<vmem>>, vector<1x16xf32>,
        %get3A_697 = vector.shape_cast %get3A_696 : vector<1x16xf32> to vector<16xf32>
        %slice3A_698 = vector.extract_strided_slice %get3A_169 {offsets = [14], sizes = [1], strides = [1]} : vector<16xf32> to vector<1xf32>
        %squeeze3A_699 = vector.extract %slice3A_698[0] : f32 from vector<1xf32>
        %mul3A_700 = vector.broadcast %squeeze3A_699 : f32 to vector<16xf32>
        %mul3A_701 = arith.mulf %get3A_697, %mul3A_700 : vector<16xf32>
        %swap3A_702 = arith.index_cast %add3A_693 : i32 to index
        %swap3A_703 = arith.constant 0 : index
        %swap3A_704 = tpu.vector_load %arg14[%swap3A_702, %swap3A_703] {strides = array<i32>} : memref<2048x16xf32, #tpu.memory_space<vmem>>, vector<1x16xf32>,
        %swap3A_705 = vector.shape_cast %swap3A_704 : vector<1x16xf32> to vector<16xf32>
        %swap3A_706 = vector.shape_cast %mul3A_701 : vector<16xf32> to vector<1x16xf32>
        tpu.vector_store %arg14[%swap3A_702, %swap3A_703], %swap3A_706 {strides = array<i32>} : memref<2048x16xf32, #tpu.memory_space<vmem>>, vector<1x16xf32>,
        %jit3A_707 = arith.constant 16 : i32
        %eq3A_708 = arith.constant 0 : i32
        %eq3A_709 = arith.cmpi eq, %jit3A_707, %eq3A_708 : i32
        %jit3A_710 = arith.constant 1 : i32
        %select_n3A_711 = arith.select %eq3A_709, %jit3A_710, %jit3A_707 : i32
        %rem3A_712 = arith.remsi %scan3A_100, %select_n3A_711 : i32
        %ne3A_713 = arith.constant 0 : i32
        %ne3A_714 = arith.cmpi ne, %rem3A_712, %ne3A_713 : i32
        %lt3A_715 = arith.constant 0 : i32
        %lt3A_716 = arith.cmpi slt, %rem3A_712, %lt3A_715 : i32
        %lt3A_717 = arith.constant 0 : i32
        %lt3A_718 = arith.cmpi slt, %select_n3A_711, %lt3A_717 : i32
        %ne3A_719 = arith.xori %lt3A_716, %lt3A_718 : i1
        %and3A_720 = arith.andi %ne3A_719, %ne3A_714 : i1
        %add3A_721 = arith.addi %rem3A_712, %select_n3A_711 : i32
        %select_n3A_722 = arith.select %and3A_720, %add3A_721, %rem3A_712 : i32
        %mul3A_723 = arith.constant 128 : i32
        %mul3A_724 = arith.muli %select_n3A_722, %mul3A_723 : i32
        %mul3A_725 = arith.constant 16 : i32
        %mul3A_726 = arith.muli %scan3A_163, %mul3A_725 : i32
        %add3A_727 = arith.addi %mul3A_724, %mul3A_726 : i32
        %add3A_728 = arith.constant 15 : i32
        %add3A_729 = arith.addi %add3A_727, %add3A_728 : i32
        %get3A_730 = arith.index_cast %add3A_729 : i32 to index
        %get3A_731 = arith.constant 0 : index
        %get3A_732 = tpu.vector_load %arg14[%get3A_730, %get3A_731] {strides = array<i32>} : memref<2048x16xf32, #tpu.memory_space<vmem>>, vector<1x16xf32>,
        %get3A_733 = vector.shape_cast %get3A_732 : vector<1x16xf32> to vector<16xf32>
        %slice3A_734 = vector.extract_strided_slice %get3A_169 {offsets = [15], sizes = [1], strides = [1]} : vector<16xf32> to vector<1xf32>
        %squeeze3A_735 = vector.extract %slice3A_734[0] : f32 from vector<1xf32>
        %mul3A_736 = vector.broadcast %squeeze3A_735 : f32 to vector<16xf32>
        %mul3A_737 = arith.mulf %get3A_733, %mul3A_736 : vector<16xf32>
        %swap3A_738 = arith.index_cast %add3A_729 : i32 to index
        %swap3A_739 = arith.constant 0 : index
        %swap3A_740 = tpu.vector_load %arg14[%swap3A_738, %swap3A_739] {strides = array<i32>} : memref<2048x16xf32, #tpu.memory_space<vmem>>, vector<1x16xf32>,
        %swap3A_741 = vector.shape_cast %swap3A_740 : vector<1x16xf32> to vector<16xf32>
        %swap3A_742 = vector.shape_cast %mul3A_737 : vector<16xf32> to vector<1x16xf32>
        tpu.vector_store %arg14[%swap3A_738, %swap3A_739], %swap3A_742 {strides = array<i32>} : memref<2048x16xf32, #tpu.memory_space<vmem>>, vector<1x16xf32>,
        %scan3A_743 = arith.constant 0 : i32
        scf.yield %scan3A_743 : i32
      }
      %scan3A_131 = arith.constant 8 : i32
      %jit3A_132 = arith.constant 16 : i32
      %eq3A_133 = arith.constant 0 : i32
      %eq3A_134 = arith.cmpi eq, %jit3A_132, %eq3A_133 : i32
      %jit3A_135 = arith.constant 1 : i32
      %select_n3A_136 = arith.select %eq3A_134, %jit3A_135, %jit3A_132 : i32
      %rem3A_137 = arith.remsi %scan3A_100, %select_n3A_136 : i32
      %ne3A_138 = arith.constant 0 : i32
      %ne3A_139 = arith.cmpi ne, %rem3A_137, %ne3A_138 : i32
      %lt3A_140 = arith.constant 0 : i32
      %lt3A_141 = arith.cmpi slt, %rem3A_137, %lt3A_140 : i32
      %lt3A_142 = arith.constant 0 : i32
      %lt3A_143 = arith.cmpi slt, %select_n3A_136, %lt3A_142 : i32
      %ne3A_144 = arith.xori %lt3A_141, %lt3A_143 : i1
      %and3A_145 = arith.andi %ne3A_144, %ne3A_139 : i1
      %add3A_146 = arith.addi %rem3A_137, %select_n3A_136 : i32
      %select_n3A_147 = arith.select %and3A_145, %add3A_146, %rem3A_137 : i32
      %mul3A_148 = arith.constant 128 : i32
      %mul3A_149 = arith.muli %select_n3A_147, %mul3A_148 : i32
      %dma_start3A_150 = arith.constant 0 : i32
      %dma_start3A_151 = tpu.memref_slice %arg14[%mul3A_149, %dma_start3A_150] : memref<2048x16xf32, #tpu.memory_space<vmem>> -> memref<128x16xf32, #tpu.memory_space<vmem>>
      %dma_start3A_152 = arith.constant 0 : i32
      %dma_start3A_153 = tpu.memref_slice %arg12[%scan3A_100, %dma_start3A_152] : memref<40x128xi32, #tpu.memory_space<vmem>> -> memref<1x128xi32, #tpu.memory_space<vmem>>
      %dma_start3A_154 = tpu.memref_squeeze %dma_start3A_153 : memref<1x128xi32, #tpu.memory_space<vmem>> -> memref<128xi32, #tpu.memory_space<vmem>>
      %dma_start3A_155 = arith.constant 0 : i32
      %dma_start3A_156 = arith.constant 0 : i32
      %dma_start3A_157 = tpu.memref_slice %arg22[%dma_start3A_155, %dma_start3A_156] : memref<10240x16xf32, #tpu.memory_space<vmem_shared>> -> memref<10240x16xf32, #tpu.memory_space<vmem_shared>>
      tpu.enqueue_indirect_dma source(%dma_start3A_151 : memref<128x16xf32, #tpu.memory_space<vmem>>) target(%dma_start3A_157 : memref<10240x16xf32, #tpu.memory_space<vmem_shared>>) offsets(%dma_start3A_154 : memref<128xi32, #tpu.memory_space<vmem>>) semaphore(%arg25 : memref<!tpu.dma_semaphore, #tpu.memory_space<semaphore_mem>>) {add = true}
      %ge3A = arith.constant 6 : i32
      %ge3A_158 = arith.cmpi sge, %scan3A_100, %ge3A : i32
      %convert_element_type3A_159 = arith.extui %ge3A_158 : i1 to i32
      %cond3A_160 = arith.constant 0 : i32
      %cond3A_161 = arith.cmpi ne, %convert_element_type3A_159, %cond3A_160 : i32
      scf.if %cond3A_161 {
        %sub3A = arith.constant 6 : i32
        %sub3A_163 = arith.subi %scan3A_100, %sub3A : i32
        %jit3A_164 = arith.constant 16 : i32
        %eq3A_165 = arith.constant 0 : i32
        %eq3A_166 = arith.cmpi eq, %jit3A_164, %eq3A_165 : i32
        %jit3A_167 = arith.constant 1 : i32
        %select_n3A_168 = arith.select %eq3A_166, %jit3A_167, %jit3A_164 : i32
        %rem3A_169 = arith.remsi %sub3A_163, %select_n3A_168 : i32
        %ne3A_170 = arith.constant 0 : i32
        %ne3A_171 = arith.cmpi ne, %rem3A_169, %ne3A_170 : i32
        %lt3A_172 = arith.constant 0 : i32
        %lt3A_173 = arith.cmpi slt, %rem3A_169, %lt3A_172 : i32
        %lt3A_174 = arith.constant 0 : i32
        %lt3A_175 = arith.cmpi slt, %select_n3A_168, %lt3A_174 : i32
        %ne3A_176 = arith.xori %lt3A_173, %lt3A_175 : i1
        %and3A_177 = arith.andi %ne3A_176, %ne3A_171 : i1
        %add3A_178 = arith.addi %rem3A_169, %select_n3A_168 : i32
        %select_n3A_179 = arith.select %and3A_177, %add3A_178, %rem3A_169 : i32
        %mul3A_180 = arith.constant 128 : i32
        %mul3A_181 = arith.muli %select_n3A_179, %mul3A_180 : i32
        %dma_wait3A_182 = arith.constant 0 : i32
        %dma_wait3A_183 = tpu.memref_slice %arg14[%mul3A_181, %dma_wait3A_182] : memref<2048x16xf32, #tpu.memory_space<vmem>> -> memref<128x16xf32, #tpu.memory_space<vmem>>
        %dma_wait3A_184 = arith.constant 0 : i32
        %dma_wait3A_185 = tpu.memref_slice %arg12[%sub3A_163, %dma_wait3A_184] : memref<40x128xi32, #tpu.memory_space<vmem>> -> memref<1x128xi32, #tpu.memory_space<vmem>>
        %dma_wait3A_186 = tpu.memref_squeeze %dma_wait3A_185 : memref<1x128xi32, #tpu.memory_space<vmem>> -> memref<128xi32, #tpu.memory_space<vmem>>
        %dma_wait3A_187 = arith.constant 0 : i32
        %dma_wait3A_188 = arith.constant 0 : i32
        %dma_wait3A_189 = tpu.memref_slice %arg22[%dma_wait3A_187, %dma_wait3A_188] : memref<10240x16xf32, #tpu.memory_space<vmem_shared>> -> memref<10240x16xf32, #tpu.memory_space<vmem_shared>>
        tpu.wait_indirect_dma semaphore(%arg25 : memref<!tpu.dma_semaphore, #tpu.memory_space<semaphore_mem>>) src(%dma_wait3A_183 : memref<128x16xf32, #tpu.memory_space<vmem>>) dst(%dma_wait3A_189 : memref<10240x16xf32, #tpu.memory_space<vmem_shared>>)
      } else {
      }
      %scan3A_162 = arith.constant 0 : i32
      scf.yield %scan3A_162 : i32
    }
    %scan3A_87 = arith.constant 40 : i32
    %scan3A_88 = arith.constant 0 : i32
    %scan3A_89 = arith.constant 34 : i32
    %scan3A_90 = arith.constant 6 : i32
    %scan3A_91 = arith.addi %scan3A_89, %scan3A_90 : i32
    %scan3A_92 = arith.constant 1 : i32
    %scan3A_93 = scf.for %scan3A_100 = %scan3A_89 to %scan3A_91 step %scan3A_92 iter_args(%scan3A_101 = %scan3A_88) -> (i32)  : i32 {
      %jit3A = arith.constant 16 : i32
      %eq3A = arith.constant 0 : i32
      %eq3A_102 = arith.cmpi eq, %jit3A, %eq3A : i32
      %jit3A_103 = arith.constant 1 : i32
      %select_n3A = arith.select %eq3A_102, %jit3A_103, %jit3A : i32
      %rem3A = arith.remsi %scan3A_100, %select_n3A : i32
      %ne3A = arith.constant 0 : i32
      %ne3A_104 = arith.cmpi ne, %rem3A, %ne3A : i32
      %lt3A = arith.constant 0 : i32
      %lt3A_105 = arith.cmpi slt, %rem3A, %lt3A : i32
      %lt3A_106 = arith.constant 0 : i32
      %lt3A_107 = arith.cmpi slt, %select_n3A, %lt3A_106 : i32
      %ne3A_108 = arith.xori %lt3A_105, %lt3A_107 : i1
      %and3A = arith.andi %ne3A_108, %ne3A_104 : i1
      %add3A_109 = arith.addi %rem3A, %select_n3A : i32
      %select_n3A_110 = arith.select %and3A, %add3A_109, %rem3A : i32
      %mul3A_111 = arith.constant 128 : i32
      %mul3A_112 = arith.muli %select_n3A_110, %mul3A_111 : i32
      %dma_wait3A = arith.constant 0 : i32
      %dma_wait3A_113 = tpu.memref_slice %arg14[%mul3A_112, %dma_wait3A] : memref<2048x16xf32, #tpu.memory_space<vmem>> -> memref<128x16xf32, #tpu.memory_space<vmem>>
      %dma_wait3A_114 = arith.constant 0 : i32
      %dma_wait3A_115 = tpu.memref_slice %arg12[%scan3A_100, %dma_wait3A_114] : memref<40x128xi32, #tpu.memory_space<vmem>> -> memref<1x128xi32, #tpu.memory_space<vmem>>
      %dma_wait3A_116 = tpu.memref_squeeze %dma_wait3A_115 : memref<1x128xi32, #tpu.memory_space<vmem>> -> memref<128xi32, #tpu.memory_space<vmem>>
      %dma_wait3A_117 = arith.constant 0 : i32
      %dma_wait3A_118 = arith.constant 0 : i32
      %dma_wait3A_119 = tpu.memref_slice %arg22[%dma_wait3A_117, %dma_wait3A_118] : memref<10240x16xf32, #tpu.memory_space<vmem_shared>> -> memref<10240x16xf32, #tpu.memory_space<vmem_shared>>
      tpu.wait_indirect_dma semaphore(%arg25 : memref<!tpu.dma_semaphore, #tpu.memory_space<semaphore_mem>>) src(%dma_wait3A_113 : memref<128x16xf32, #tpu.memory_space<vmem>>) dst(%dma_wait3A_119 : memref<10240x16xf32, #tpu.memory_space<vmem_shared>>)
      %scan3A_120 = arith.constant 0 : i32
      scf.yield %scan3A_120 : i32
    }
    %scan3A_94 = arith.constant 6 : i32
    %barrier3A_95 = arith.constant 0 : index
    tpu.barrier barrier_id(%barrier3A_95)
    %mul3A_96 = arith.constant 640 : i32
    %mul3A_97 = arith.muli %arg1, %mul3A_96 : i32
    %mul3A_98 = arith.constant 640 : i32
    %mul3A_99 = arith.muli %arg1, %mul3A_98 : i32
    "tpu.region"() ({
      %run_scoped3A = tpu.sem_alloc : memref<!tpu.dma_semaphore, #tpu.memory_space<semaphore_mem>>
      %dma_start3A_100 = arith.constant 0 : i32
      %dma_start3A_101 = tpu.memref_slice %arg9[%arg0, %mul3A_99, %dma_start3A_100] : memref<2x10240x16xf32, #tpu.memory_space<hbm>> -> memref<1x640x16xf32, #tpu.memory_space<hbm>>
      %dma_start3A_102 = tpu.memref_squeeze %dma_start3A_101 : memref<1x640x16xf32, #tpu.memory_space<hbm>> -> memref<640x16xf32, #tpu.memory_space<hbm>>
      %dma_start3A_103 = arith.constant 0 : i32
      %dma_start3A_104 = tpu.memref_slice %arg22[%mul3A_97, %dma_start3A_103] : memref<10240x16xf32, #tpu.memory_space<vmem_shared>> -> memref<640x16xf32, #tpu.memory_space<vmem_shared>>
      tpu.enqueue_dma source(%dma_start3A_104 : memref<640x16xf32, #tpu.memory_space<vmem_shared>>) target(%dma_start3A_102 : memref<640x16xf32, #tpu.memory_space<hbm>>) target_semaphore(%run_scoped3A : memref<!tpu.dma_semaphore, #tpu.memory_space<semaphore_mem>>)
      %dma_wait3A = arith.constant 0 : i32
      %dma_wait3A_105 = tpu.memref_slice %arg9[%arg0, %mul3A_99, %dma_wait3A] : memref<2x10240x16xf32, #tpu.memory_space<hbm>> -> memref<1x640x16xf32, #tpu.memory_space<hbm>>
      %dma_wait3A_106 = tpu.memref_squeeze %dma_wait3A_105 : memref<1x640x16xf32, #tpu.memory_space<hbm>> -> memref<640x16xf32, #tpu.memory_space<hbm>>
      %dma_wait3A_107 = arith.constant 0 : i32
      %dma_wait3A_108 = tpu.memref_slice %arg22[%mul3A_97, %dma_wait3A_107] : memref<10240x16xf32, #tpu.memory_space<vmem_shared>> -> memref<640x16xf32, #tpu.memory_space<vmem_shared>>
      tpu.wait_dma2 semaphore(%run_scoped3A : memref<!tpu.dma_semaphore, #tpu.memory_space<semaphore_mem>>) src(%dma_wait3A_108 : memref<640x16xf32, #tpu.memory_space<vmem_shared>>) dst(%dma_wait3A_106 : memref<640x16xf32, #tpu.memory_space<hbm>>)
      tpu.yield
    }) : () -> ()
    return
  }
}

#map = affine_map<(d0, d1) -> (0, 0)>
#map1 = affine_map<(d0, d1) -> (0, 0, 0)>
module attributes {stable_mosaic.version = 14 : i64} {
  func.func @body(%arg0: i32, %arg1: i32, %arg2: memref<1280x128xi32, #tpu.memory_space<hbm>>, %arg3: memref<1280x128xi32, #tpu.memory_space<hbm>>, %arg4: memref<1280x128xf32, #tpu.memory_space<hbm>>, %arg5: memref<10240x16xf32, #tpu.memory_space<hbm>>, %arg6: memref<2x10240x16xf32, #tpu.memory_space<hbm>>, %arg7: memref<40x128xi32, #tpu.memory_space<vmem>>, %arg8: memref<40x128xi32, #tpu.memory_space<vmem>>, %arg9: memref<40x128xf32, #tpu.memory_space<vmem>>, %arg10: memref<5120x16xf32, #tpu.memory_space<vmem>>, %arg11: memref<640x16xf32, #tpu.memory_space<vmem>>, %arg12: memref<10240x16xf32, #tpu.memory_space<vmem_shared>>, %arg13: memref<10240x16xf32, #tpu.memory_space<vmem_shared>>, %arg14: memref<!tpu.dma_semaphore, #tpu.memory_space<semaphore_mem>>, %arg15: memref<!tpu.dma_semaphore, #tpu.memory_space<semaphore_mem>>) attributes {dimension_semantics = [#tpu.dimension_semantics<core_parallel>, #tpu.dimension_semantics<subcore_parallel>], iteration_bounds = array<i64: 2, 16>, scalar_prefetch = 0 : i64, scratch_operands = 9 : i64, tpu.core_type = #tpu.core_type<sc_vector_subcore>, window_params = [{transform_indices = #map}, {transform_indices = #map}, {transform_indices = #map}, {transform_indices = #map}, {transform_indices = #map1}]} {
    %mul3A = arith.constant 16 : i32
    %mul3A_0 = arith.muli %arg0, %mul3A : i32
    %add3A = arith.addi %mul3A_0, %arg1 : i32
    %scan3A = arith.constant 0 : i32
    %scan3A_1 = arith.constant 0 : i32
    %scan3A_2 = arith.constant 640 : i32
    %scan3A_3 = arith.addi %scan3A_1, %scan3A_2 : i32
    %scan3A_4 = arith.constant 1 : i32
    %scan3A_5 = scf.for %scan3A_97 = %scan3A_1 to %scan3A_3 step %scan3A_4 iter_args(%scan3A_98 = %scan3A) -> (i32)  : i32 {
      %broadcast_in_dim3A = arith.constant 0.000000e+00 : f32
      %broadcast_in_dim3A_99 = vector.broadcast %broadcast_in_dim3A : f32 to vector<16xf32>
      %swap3A = arith.index_cast %scan3A_97 : i32 to index
      %swap3A_100 = arith.constant 0 : index
      %swap3A_101 = tpu.vector_load %arg11[%swap3A, %swap3A_100] {strides = array<i32>} : memref<640x16xf32, #tpu.memory_space<vmem>>, vector<1x16xf32>,
      %swap3A_102 = vector.shape_cast %swap3A_101 : vector<1x16xf32> to vector<16xf32>
      %swap3A_103 = vector.shape_cast %broadcast_in_dim3A_99 : vector<16xf32> to vector<1x16xf32>
      tpu.vector_store %arg11[%swap3A, %swap3A_100], %swap3A_103 {strides = array<i32>} : memref<640x16xf32, #tpu.memory_space<vmem>>, vector<1x16xf32>,
      %scan3A_104 = arith.constant 0 : i32
      scf.yield %scan3A_104 : i32
    }
    %scan3A_6 = arith.constant 640 : i32
    %mul3A_7 = arith.constant 640 : i32
    %mul3A_8 = arith.muli %arg1, %mul3A_7 : i32
    "tpu.region"() ({
      %run_scoped3A = tpu.sem_alloc : memref<!tpu.dma_semaphore, #tpu.memory_space<semaphore_mem>>
      %dma_start3A_97 = arith.constant 0 : i32
      %dma_start3A_98 = tpu.memref_slice %arg12[%mul3A_8, %dma_start3A_97] : memref<10240x16xf32, #tpu.memory_space<vmem_shared>> -> memref<640x16xf32, #tpu.memory_space<vmem_shared>>
      %dma_start3A_99 = arith.constant 0 : i32
      %dma_start3A_100 = tpu.memref_slice %arg12[%mul3A_8, %dma_start3A_99] : memref<10240x16xf32, #tpu.memory_space<vmem_shared>> -> memref<640x16xf32, #tpu.memory_space<vmem_shared>>
      tpu.enqueue_dma source(%arg11 : memref<640x16xf32, #tpu.memory_space<vmem>>) target(%dma_start3A_100 : memref<640x16xf32, #tpu.memory_space<vmem_shared>>) target_semaphore(%run_scoped3A : memref<!tpu.dma_semaphore, #tpu.memory_space<semaphore_mem>>)
      %dma_wait3A = arith.constant 0 : i32
      %dma_wait3A_101 = tpu.memref_slice %arg12[%mul3A_8, %dma_wait3A] : memref<10240x16xf32, #tpu.memory_space<vmem_shared>> -> memref<640x16xf32, #tpu.memory_space<vmem_shared>>
      %dma_wait3A_102 = arith.constant 0 : i32
      %dma_wait3A_103 = tpu.memref_slice %arg12[%mul3A_8, %dma_wait3A_102] : memref<10240x16xf32, #tpu.memory_space<vmem_shared>> -> memref<640x16xf32, #tpu.memory_space<vmem_shared>>
      tpu.wait_dma2 semaphore(%run_scoped3A : memref<!tpu.dma_semaphore, #tpu.memory_space<semaphore_mem>>) src(%arg11 : memref<640x16xf32, #tpu.memory_space<vmem>>) dst(%dma_wait3A_103 : memref<640x16xf32, #tpu.memory_space<vmem_shared>>)
      tpu.yield
    }) : () -> ()
    %mul3A_9 = arith.constant 640 : i32
    %mul3A_10 = arith.muli %arg1, %mul3A_9 : i32
    "tpu.region"() ({
      %run_scoped3A = tpu.sem_alloc : memref<!tpu.dma_semaphore, #tpu.memory_space<semaphore_mem>>
      %dma_start3A_97 = arith.constant 0 : i32
      %dma_start3A_98 = tpu.memref_slice %arg5[%mul3A_10, %dma_start3A_97] : memref<10240x16xf32, #tpu.memory_space<hbm>> -> memref<640x16xf32, #tpu.memory_space<hbm>>
      %dma_start3A_99 = arith.constant 0 : i32
      %dma_start3A_100 = tpu.memref_slice %arg5[%mul3A_10, %dma_start3A_99] : memref<10240x16xf32, #tpu.memory_space<hbm>> -> memref<640x16xf32, #tpu.memory_space<hbm>>
      tpu.enqueue_dma source(%dma_start3A_100 : memref<640x16xf32, #tpu.memory_space<hbm>>) target(%arg11 : memref<640x16xf32, #tpu.memory_space<vmem>>) target_semaphore(%run_scoped3A : memref<!tpu.dma_semaphore, #tpu.memory_space<semaphore_mem>>)
      %dma_wait3A = arith.constant 0 : i32
      %dma_wait3A_101 = tpu.memref_slice %arg5[%mul3A_10, %dma_wait3A] : memref<10240x16xf32, #tpu.memory_space<hbm>> -> memref<640x16xf32, #tpu.memory_space<hbm>>
      %dma_wait3A_102 = arith.constant 0 : i32
      %dma_wait3A_103 = tpu.memref_slice %arg5[%mul3A_10, %dma_wait3A_102] : memref<10240x16xf32, #tpu.memory_space<hbm>> -> memref<640x16xf32, #tpu.memory_space<hbm>>
      tpu.wait_dma2 semaphore(%run_scoped3A : memref<!tpu.dma_semaphore, #tpu.memory_space<semaphore_mem>>) src(%dma_wait3A_103 : memref<640x16xf32, #tpu.memory_space<hbm>>) dst(%arg11 : memref<640x16xf32, #tpu.memory_space<vmem>>)
      tpu.yield
    }) : () -> ()
    %mul3A_11 = arith.constant 640 : i32
    %mul3A_12 = arith.muli %arg1, %mul3A_11 : i32
    "tpu.region"() ({
      %run_scoped3A = tpu.sem_alloc : memref<!tpu.dma_semaphore, #tpu.memory_space<semaphore_mem>>
      %dma_start3A_97 = arith.constant 0 : i32
      %dma_start3A_98 = tpu.memref_slice %arg13[%mul3A_12, %dma_start3A_97] : memref<10240x16xf32, #tpu.memory_space<vmem_shared>> -> memref<640x16xf32, #tpu.memory_space<vmem_shared>>
      %dma_start3A_99 = arith.constant 0 : i32
      %dma_start3A_100 = tpu.memref_slice %arg13[%mul3A_12, %dma_start3A_99] : memref<10240x16xf32, #tpu.memory_space<vmem_shared>> -> memref<640x16xf32, #tpu.memory_space<vmem_shared>>
      tpu.enqueue_dma source(%arg11 : memref<640x16xf32, #tpu.memory_space<vmem>>) target(%dma_start3A_100 : memref<640x16xf32, #tpu.memory_space<vmem_shared>>) target_semaphore(%run_scoped3A : memref<!tpu.dma_semaphore, #tpu.memory_space<semaphore_mem>>)
      %dma_wait3A = arith.constant 0 : i32
      %dma_wait3A_101 = tpu.memref_slice %arg13[%mul3A_12, %dma_wait3A] : memref<10240x16xf32, #tpu.memory_space<vmem_shared>> -> memref<640x16xf32, #tpu.memory_space<vmem_shared>>
      %dma_wait3A_102 = arith.constant 0 : i32
      %dma_wait3A_103 = tpu.memref_slice %arg13[%mul3A_12, %dma_wait3A_102] : memref<10240x16xf32, #tpu.memory_space<vmem_shared>> -> memref<640x16xf32, #tpu.memory_space<vmem_shared>>
      tpu.wait_dma2 semaphore(%run_scoped3A : memref<!tpu.dma_semaphore, #tpu.memory_space<semaphore_mem>>) src(%arg11 : memref<640x16xf32, #tpu.memory_space<vmem>>) dst(%dma_wait3A_103 : memref<640x16xf32, #tpu.memory_space<vmem_shared>>)
      tpu.yield
    }) : () -> ()
    %mul3A_13 = arith.constant 40 : i32
    %mul3A_14 = arith.muli %add3A, %mul3A_13 : i32
    "tpu.region"() ({
      %run_scoped3A = tpu.sem_alloc : memref<!tpu.dma_semaphore, #tpu.memory_space<semaphore_mem>>
      %dma_start3A_97 = arith.constant 0 : i32
      %dma_start3A_98 = tpu.memref_slice %arg2[%mul3A_14, %dma_start3A_97] : memref<1280x128xi32, #tpu.memory_space<hbm>> -> memref<40x128xi32, #tpu.memory_space<hbm>>
      %dma_start3A_99 = arith.constant 0 : i32
      %dma_start3A_100 = tpu.memref_slice %arg2[%mul3A_14, %dma_start3A_99] : memref<1280x128xi32, #tpu.memory_space<hbm>> -> memref<40x128xi32, #tpu.memory_space<hbm>>
      tpu.enqueue_dma source(%dma_start3A_100 : memref<40x128xi32, #tpu.memory_space<hbm>>) target(%arg7 : memref<40x128xi32, #tpu.memory_space<vmem>>) target_semaphore(%run_scoped3A : memref<!tpu.dma_semaphore, #tpu.memory_space<semaphore_mem>>)
      %dma_wait3A = arith.constant 0 : i32
      %dma_wait3A_101 = tpu.memref_slice %arg2[%mul3A_14, %dma_wait3A] : memref<1280x128xi32, #tpu.memory_space<hbm>> -> memref<40x128xi32, #tpu.memory_space<hbm>>
      %dma_wait3A_102 = arith.constant 0 : i32
      %dma_wait3A_103 = tpu.memref_slice %arg2[%mul3A_14, %dma_wait3A_102] : memref<1280x128xi32, #tpu.memory_space<hbm>> -> memref<40x128xi32, #tpu.memory_space<hbm>>
      tpu.wait_dma2 semaphore(%run_scoped3A : memref<!tpu.dma_semaphore, #tpu.memory_space<semaphore_mem>>) src(%dma_wait3A_103 : memref<40x128xi32, #tpu.memory_space<hbm>>) dst(%arg7 : memref<40x128xi32, #tpu.memory_space<vmem>>)
      tpu.yield
    }) : () -> ()
    %mul3A_15 = arith.constant 40 : i32
    %mul3A_16 = arith.muli %add3A, %mul3A_15 : i32
    "tpu.region"() ({
      %run_scoped3A = tpu.sem_alloc : memref<!tpu.dma_semaphore, #tpu.memory_space<semaphore_mem>>
      %dma_start3A_97 = arith.constant 0 : i32
      %dma_start3A_98 = tpu.memref_slice %arg4[%mul3A_16, %dma_start3A_97] : memref<1280x128xf32, #tpu.memory_space<hbm>> -> memref<40x128xf32, #tpu.memory_space<hbm>>
      %dma_start3A_99 = arith.constant 0 : i32
      %dma_start3A_100 = tpu.memref_slice %arg4[%mul3A_16, %dma_start3A_99] : memref<1280x128xf32, #tpu.memory_space<hbm>> -> memref<40x128xf32, #tpu.memory_space<hbm>>
      tpu.enqueue_dma source(%dma_start3A_100 : memref<40x128xf32, #tpu.memory_space<hbm>>) target(%arg9 : memref<40x128xf32, #tpu.memory_space<vmem>>) target_semaphore(%run_scoped3A : memref<!tpu.dma_semaphore, #tpu.memory_space<semaphore_mem>>)
      %dma_wait3A = arith.constant 0 : i32
      %dma_wait3A_101 = tpu.memref_slice %arg4[%mul3A_16, %dma_wait3A] : memref<1280x128xf32, #tpu.memory_space<hbm>> -> memref<40x128xf32, #tpu.memory_space<hbm>>
      %dma_wait3A_102 = arith.constant 0 : i32
      %dma_wait3A_103 = tpu.memref_slice %arg4[%mul3A_16, %dma_wait3A_102] : memref<1280x128xf32, #tpu.memory_space<hbm>> -> memref<40x128xf32, #tpu.memory_space<hbm>>
      tpu.wait_dma2 semaphore(%run_scoped3A : memref<!tpu.dma_semaphore, #tpu.memory_space<semaphore_mem>>) src(%dma_wait3A_103 : memref<40x128xf32, #tpu.memory_space<hbm>>) dst(%arg9 : memref<40x128xf32, #tpu.memory_space<vmem>>)
      tpu.yield
    }) : () -> ()
    %mul3A_17 = arith.constant 40 : i32
    %mul3A_18 = arith.muli %add3A, %mul3A_17 : i32
    "tpu.region"() ({
      %run_scoped3A = tpu.sem_alloc : memref<!tpu.dma_semaphore, #tpu.memory_space<semaphore_mem>>
      %dma_start3A_97 = arith.constant 0 : i32
      %dma_start3A_98 = tpu.memref_slice %arg3[%mul3A_18, %dma_start3A_97] : memref<1280x128xi32, #tpu.memory_space<hbm>> -> memref<40x128xi32, #tpu.memory_space<hbm>>
      %dma_start3A_99 = arith.constant 0 : i32
      %dma_start3A_100 = tpu.memref_slice %arg3[%mul3A_18, %dma_start3A_99] : memref<1280x128xi32, #tpu.memory_space<hbm>> -> memref<40x128xi32, #tpu.memory_space<hbm>>
      tpu.enqueue_dma source(%dma_start3A_100 : memref<40x128xi32, #tpu.memory_space<hbm>>) target(%arg8 : memref<40x128xi32, #tpu.memory_space<vmem>>) target_semaphore(%run_scoped3A : memref<!tpu.dma_semaphore, #tpu.memory_space<semaphore_mem>>)
      %dma_wait3A = arith.constant 0 : i32
      %dma_wait3A_101 = tpu.memref_slice %arg3[%mul3A_18, %dma_wait3A] : memref<1280x128xi32, #tpu.memory_space<hbm>> -> memref<40x128xi32, #tpu.memory_space<hbm>>
      %dma_wait3A_102 = arith.constant 0 : i32
      %dma_wait3A_103 = tpu.memref_slice %arg3[%mul3A_18, %dma_wait3A_102] : memref<1280x128xi32, #tpu.memory_space<hbm>> -> memref<40x128xi32, #tpu.memory_space<hbm>>
      tpu.wait_dma2 semaphore(%run_scoped3A : memref<!tpu.dma_semaphore, #tpu.memory_space<semaphore_mem>>) src(%dma_wait3A_103 : memref<40x128xi32, #tpu.memory_space<hbm>>) dst(%arg8 : memref<40x128xi32, #tpu.memory_space<vmem>>)
      tpu.yield
    }) : () -> ()
    %barrier3A = arith.constant 0 : index
    tpu.barrier barrier_id(%barrier3A)
    %dma_start3A = arith.constant 0 : i32
    %dma_start3A_19 = arith.constant 0 : i32
    %dma_start3A_20 = arith.constant 0 : i32
    %dma_start3A_21 = tpu.memref_slice %arg10[%dma_start3A_19, %dma_start3A_20] : memref<5120x16xf32, #tpu.memory_space<vmem>> -> memref<128x16xf32, #tpu.memory_space<vmem>>
    %dma_start3A_22 = arith.constant 0 : i32
    %dma_start3A_23 = tpu.memref_slice %arg7[%dma_start3A, %dma_start3A_22] : memref<40x128xi32, #tpu.memory_space<vmem>> -> memref<1x128xi32, #tpu.memory_space<vmem>>
    %dma_start3A_24 = tpu.memref_squeeze %dma_start3A_23 : memref<1x128xi32, #tpu.memory_space<vmem>> -> memref<128xi32, #tpu.memory_space<vmem>>
    %dma_start3A_25 = arith.constant 0 : i32
    %dma_start3A_26 = arith.constant 0 : i32
    %dma_start3A_27 = tpu.memref_slice %arg13[%dma_start3A_25, %dma_start3A_26] : memref<10240x16xf32, #tpu.memory_space<vmem_shared>> -> memref<10240x16xf32, #tpu.memory_space<vmem_shared>>
    tpu.enqueue_indirect_dma source(%dma_start3A_27 : memref<10240x16xf32, #tpu.memory_space<vmem_shared>>) target(%dma_start3A_21 : memref<128x16xf32, #tpu.memory_space<vmem>>) offsets(%dma_start3A_24 : memref<128xi32, #tpu.memory_space<vmem>>) semaphore(%arg14 : memref<!tpu.dma_semaphore, #tpu.memory_space<semaphore_mem>>)
    %dma_start3A_28 = arith.constant 1 : i32
    %dma_start3A_29 = arith.constant 128 : i32
    %dma_start3A_30 = arith.constant 0 : i32
    %dma_start3A_31 = tpu.memref_slice %arg10[%dma_start3A_29, %dma_start3A_30] : memref<5120x16xf32, #tpu.memory_space<vmem>> -> memref<128x16xf32, #tpu.memory_space<vmem>>
    %dma_start3A_32 = arith.constant 0 : i32
    %dma_start3A_33 = tpu.memref_slice %arg7[%dma_start3A_28, %dma_start3A_32] : memref<40x128xi32, #tpu.memory_space<vmem>> -> memref<1x128xi32, #tpu.memory_space<vmem>>
    %dma_start3A_34 = tpu.memref_squeeze %dma_start3A_33 : memref<1x128xi32, #tpu.memory_space<vmem>> -> memref<128xi32, #tpu.memory_space<vmem>>
    %dma_start3A_35 = arith.constant 0 : i32
    %dma_start3A_36 = arith.constant 0 : i32
    %dma_start3A_37 = tpu.memref_slice %arg13[%dma_start3A_35, %dma_start3A_36] : memref<10240x16xf32, #tpu.memory_space<vmem_shared>> -> memref<10240x16xf32, #tpu.memory_space<vmem_shared>>
    tpu.enqueue_indirect_dma source(%dma_start3A_37 : memref<10240x16xf32, #tpu.memory_space<vmem_shared>>) target(%dma_start3A_31 : memref<128x16xf32, #tpu.memory_space<vmem>>) offsets(%dma_start3A_34 : memref<128xi32, #tpu.memory_space<vmem>>) semaphore(%arg14 : memref<!tpu.dma_semaphore, #tpu.memory_space<semaphore_mem>>)
    %dma_start3A_38 = arith.constant 2 : i32
    %dma_start3A_39 = arith.constant 256 : i32
    %dma_start3A_40 = arith.constant 0 : i32
    %dma_start3A_41 = tpu.memref_slice %arg10[%dma_start3A_39, %dma_start3A_40] : memref<5120x16xf32, #tpu.memory_space<vmem>> -> memref<128x16xf32, #tpu.memory_space<vmem>>
    %dma_start3A_42 = arith.constant 0 : i32
    %dma_start3A_43 = tpu.memref_slice %arg7[%dma_start3A_38, %dma_start3A_42] : memref<40x128xi32, #tpu.memory_space<vmem>> -> memref<1x128xi32, #tpu.memory_space<vmem>>
    %dma_start3A_44 = tpu.memref_squeeze %dma_start3A_43 : memref<1x128xi32, #tpu.memory_space<vmem>> -> memref<128xi32, #tpu.memory_space<vmem>>
    %dma_start3A_45 = arith.constant 0 : i32
    %dma_start3A_46 = arith.constant 0 : i32
    %dma_start3A_47 = tpu.memref_slice %arg13[%dma_start3A_45, %dma_start3A_46] : memref<10240x16xf32, #tpu.memory_space<vmem_shared>> -> memref<10240x16xf32, #tpu.memory_space<vmem_shared>>
    tpu.enqueue_indirect_dma source(%dma_start3A_47 : memref<10240x16xf32, #tpu.memory_space<vmem_shared>>) target(%dma_start3A_41 : memref<128x16xf32, #tpu.memory_space<vmem>>) offsets(%dma_start3A_44 : memref<128xi32, #tpu.memory_space<vmem>>) semaphore(%arg14 : memref<!tpu.dma_semaphore, #tpu.memory_space<semaphore_mem>>)
    %dma_start3A_48 = arith.constant 3 : i32
    %dma_start3A_49 = arith.constant 384 : i32
    %dma_start3A_50 = arith.constant 0 : i32
    %dma_start3A_51 = tpu.memref_slice %arg10[%dma_start3A_49, %dma_start3A_50] : memref<5120x16xf32, #tpu.memory_space<vmem>> -> memref<128x16xf32, #tpu.memory_space<vmem>>
    %dma_start3A_52 = arith.constant 0 : i32
    %dma_start3A_53 = tpu.memref_slice %arg7[%dma_start3A_48, %dma_start3A_52] : memref<40x128xi32, #tpu.memory_space<vmem>> -> memref<1x128xi32, #tpu.memory_space<vmem>>
    %dma_start3A_54 = tpu.memref_squeeze %dma_start3A_53 : memref<1x128xi32, #tpu.memory_space<vmem>> -> memref<128xi32, #tpu.memory_space<vmem>>
    %dma_start3A_55 = arith.constant 0 : i32
    %dma_start3A_56 = arith.constant 0 : i32
    %dma_start3A_57 = tpu.memref_slice %arg13[%dma_start3A_55, %dma_start3A_56] : memref<10240x16xf32, #tpu.memory_space<vmem_shared>> -> memref<10240x16xf32, #tpu.memory_space<vmem_shared>>
    tpu.enqueue_indirect_dma source(%dma_start3A_57 : memref<10240x16xf32, #tpu.memory_space<vmem_shared>>) target(%dma_start3A_51 : memref<128x16xf32, #tpu.memory_space<vmem>>) offsets(%dma_start3A_54 : memref<128xi32, #tpu.memory_space<vmem>>) semaphore(%arg14 : memref<!tpu.dma_semaphore, #tpu.memory_space<semaphore_mem>>)
    %dma_start3A_58 = arith.constant 4 : i32
    %dma_start3A_59 = arith.constant 512 : i32
    %dma_start3A_60 = arith.constant 0 : i32
    %dma_start3A_61 = tpu.memref_slice %arg10[%dma_start3A_59, %dma_start3A_60] : memref<5120x16xf32, #tpu.memory_space<vmem>> -> memref<128x16xf32, #tpu.memory_space<vmem>>
    %dma_start3A_62 = arith.constant 0 : i32
    %dma_start3A_63 = tpu.memref_slice %arg7[%dma_start3A_58, %dma_start3A_62] : memref<40x128xi32, #tpu.memory_space<vmem>> -> memref<1x128xi32, #tpu.memory_space<vmem>>
    %dma_start3A_64 = tpu.memref_squeeze %dma_start3A_63 : memref<1x128xi32, #tpu.memory_space<vmem>> -> memref<128xi32, #tpu.memory_space<vmem>>
    %dma_start3A_65 = arith.constant 0 : i32
    %dma_start3A_66 = arith.constant 0 : i32
    %dma_start3A_67 = tpu.memref_slice %arg13[%dma_start3A_65, %dma_start3A_66] : memref<10240x16xf32, #tpu.memory_space<vmem_shared>> -> memref<10240x16xf32, #tpu.memory_space<vmem_shared>>
    tpu.enqueue_indirect_dma source(%dma_start3A_67 : memref<10240x16xf32, #tpu.memory_space<vmem_shared>>) target(%dma_start3A_61 : memref<128x16xf32, #tpu.memory_space<vmem>>) offsets(%dma_start3A_64 : memref<128xi32, #tpu.memory_space<vmem>>) semaphore(%arg14 : memref<!tpu.dma_semaphore, #tpu.memory_space<semaphore_mem>>)
    %dma_start3A_68 = arith.constant 5 : i32
    %dma_start3A_69 = arith.constant 640 : i32
    %dma_start3A_70 = arith.constant 0 : i32
    %dma_start3A_71 = tpu.memref_slice %arg10[%dma_start3A_69, %dma_start3A_70] : memref<5120x16xf32, #tpu.memory_space<vmem>> -> memref<128x16xf32, #tpu.memory_space<vmem>>
    %dma_start3A_72 = arith.constant 0 : i32
    %dma_start3A_73 = tpu.memref_slice %arg7[%dma_start3A_68, %dma_start3A_72] : memref<40x128xi32, #tpu.memory_space<vmem>> -> memref<1x128xi32, #tpu.memory_space<vmem>>
    %dma_start3A_74 = tpu.memref_squeeze %dma_start3A_73 : memref<1x128xi32, #tpu.memory_space<vmem>> -> memref<128xi32, #tpu.memory_space<vmem>>
    %dma_start3A_75 = arith.constant 0 : i32
    %dma_start3A_76 = arith.constant 0 : i32
    %dma_start3A_77 = tpu.memref_slice %arg13[%dma_start3A_75, %dma_start3A_76] : memref<10240x16xf32, #tpu.memory_space<vmem_shared>> -> memref<10240x16xf32, #tpu.memory_space<vmem_shared>>
    tpu.enqueue_indirect_dma source(%dma_start3A_77 : memref<10240x16xf32, #tpu.memory_space<vmem_shared>>) target(%dma_start3A_71 : memref<128x16xf32, #tpu.memory_space<vmem>>) offsets(%dma_start3A_74 : memref<128xi32, #tpu.memory_space<vmem>>) semaphore(%arg14 : memref<!tpu.dma_semaphore, #tpu.memory_space<semaphore_mem>>)
    %scan3A_78 = arith.constant 0 : i32
    %scan3A_79 = arith.constant 0 : i32
    %scan3A_80 = arith.constant 40 : i32
    %scan3A_81 = arith.addi %scan3A_79, %scan3A_80 : i32
    %scan3A_82 = arith.constant 1 : i32
    %scan3A_83 = scf.for %scan3A_97 = %scan3A_79 to %scan3A_81 step %scan3A_82 iter_args(%scan3A_98 = %scan3A_78) -> (i32)  : i32 {
      %add3A_99 = arith.constant 6 : i32
      %add3A_100 = arith.addi %scan3A_97, %add3A_99 : i32
      %lt3A = arith.constant 40 : i32
      %lt3A_101 = arith.cmpi slt, %add3A_100, %lt3A : i32
      %convert_element_type3A = arith.extui %lt3A_101 : i1 to i32
      %cond3A = arith.constant 0 : i32
      %cond3A_102 = arith.cmpi ne, %convert_element_type3A, %cond3A : i32
      scf.if %cond3A_102 {
        %add3A_134 = arith.constant 6 : i32
        %add3A_135 = arith.addi %scan3A_97, %add3A_134 : i32
        %mul3A_136 = arith.constant 128 : i32
        %mul3A_137 = arith.muli %add3A_135, %mul3A_136 : i32
        %dma_start3A_138 = arith.constant 0 : i32
        %dma_start3A_139 = tpu.memref_slice %arg10[%mul3A_137, %dma_start3A_138] : memref<5120x16xf32, #tpu.memory_space<vmem>> -> memref<128x16xf32, #tpu.memory_space<vmem>>
        %dma_start3A_140 = arith.constant 0 : i32
        %dma_start3A_141 = tpu.memref_slice %arg7[%add3A_135, %dma_start3A_140] : memref<40x128xi32, #tpu.memory_space<vmem>> -> memref<1x128xi32, #tpu.memory_space<vmem>>
        %dma_start3A_142 = tpu.memref_squeeze %dma_start3A_141 : memref<1x128xi32, #tpu.memory_space<vmem>> -> memref<128xi32, #tpu.memory_space<vmem>>
        %dma_start3A_143 = arith.constant 0 : i32
        %dma_start3A_144 = arith.constant 0 : i32
        %dma_start3A_145 = tpu.memref_slice %arg13[%dma_start3A_143, %dma_start3A_144] : memref<10240x16xf32, #tpu.memory_space<vmem_shared>> -> memref<10240x16xf32, #tpu.memory_space<vmem_shared>>
        tpu.enqueue_indirect_dma source(%dma_start3A_145 : memref<10240x16xf32, #tpu.memory_space<vmem_shared>>) target(%dma_start3A_139 : memref<128x16xf32, #tpu.memory_space<vmem>>) offsets(%dma_start3A_142 : memref<128xi32, #tpu.memory_space<vmem>>) semaphore(%arg14 : memref<!tpu.dma_semaphore, #tpu.memory_space<semaphore_mem>>)
      } else {
      }
      %mul3A_103 = arith.constant 128 : i32
      %mul3A_104 = arith.muli %scan3A_97, %mul3A_103 : i32
      %dma_wait3A = arith.constant 0 : i32
      %dma_wait3A_105 = tpu.memref_slice %arg10[%mul3A_104, %dma_wait3A] : memref<5120x16xf32, #tpu.memory_space<vmem>> -> memref<128x16xf32, #tpu.memory_space<vmem>>
      %dma_wait3A_106 = arith.constant 0 : i32
      %dma_wait3A_107 = tpu.memref_slice %arg7[%scan3A_97, %dma_wait3A_106] : memref<40x128xi32, #tpu.memory_space<vmem>> -> memref<1x128xi32, #tpu.memory_space<vmem>>
      %dma_wait3A_108 = tpu.memref_squeeze %dma_wait3A_107 : memref<1x128xi32, #tpu.memory_space<vmem>> -> memref<128xi32, #tpu.memory_space<vmem>>
      %dma_wait3A_109 = arith.constant 0 : i32
      %dma_wait3A_110 = arith.constant 0 : i32
      %dma_wait3A_111 = tpu.memref_slice %arg13[%dma_wait3A_109, %dma_wait3A_110] : memref<10240x16xf32, #tpu.memory_space<vmem_shared>> -> memref<10240x16xf32, #tpu.memory_space<vmem_shared>>
      tpu.wait_indirect_dma semaphore(%arg14 : memref<!tpu.dma_semaphore, #tpu.memory_space<semaphore_mem>>) src(%dma_wait3A_111 : memref<10240x16xf32, #tpu.memory_space<vmem_shared>>) dst(%dma_wait3A_105 : memref<128x16xf32, #tpu.memory_space<vmem>>)
      %scan3A_112 = arith.constant 0 : i32
      %scan3A_113 = arith.constant 0 : i32
      %scan3A_114 = arith.constant 8 : i32
      %scan3A_115 = arith.addi %scan3A_113, %scan3A_114 : i32
      %scan3A_116 = arith.constant 1 : i32
      %scan3A_117 = scf.for %scan3A_134 = %scan3A_113 to %scan3A_115 step %scan3A_116 iter_args(%scan3A_135 = %scan3A_112) -> (i32)  : i32 {
        %mul3A_136 = arith.constant 16 : i32
        %mul3A_137 = arith.muli %scan3A_134, %mul3A_136 : i32
        %get3A = arith.index_cast %scan3A_97 : i32 to index
        %get3A_138 = arith.index_cast %mul3A_137 : i32 to index
        %get3A_139 = tpu.vector_load %arg9[%get3A, %get3A_138] {strides = array<i32>} : memref<40x128xf32, #tpu.memory_space<vmem>>, vector<1x16xf32>,
        %get3A_140 = vector.shape_cast %get3A_139 : vector<1x16xf32> to vector<16xf32>
        %mul3A_141 = arith.constant 128 : i32
        %mul3A_142 = arith.muli %scan3A_97, %mul3A_141 : i32
        %mul3A_143 = arith.constant 16 : i32
        %mul3A_144 = arith.muli %scan3A_134, %mul3A_143 : i32
        %add3A_145 = arith.addi %mul3A_142, %mul3A_144 : i32
        %add3A_146 = arith.constant 0 : i32
        %add3A_147 = arith.addi %add3A_145, %add3A_146 : i32
        %get3A_148 = arith.index_cast %add3A_147 : i32 to index
        %get3A_149 = arith.constant 0 : index
        %get3A_150 = tpu.vector_load %arg10[%get3A_148, %get3A_149] {strides = array<i32>} : memref<5120x16xf32, #tpu.memory_space<vmem>>, vector<1x16xf32>,
        %get3A_151 = vector.shape_cast %get3A_150 : vector<1x16xf32> to vector<16xf32>
        %slice3A = vector.extract_strided_slice %get3A_140 {offsets = [0], sizes = [1], strides = [1]} : vector<16xf32> to vector<1xf32>
        %squeeze3A = vector.extract %slice3A[0] : f32 from vector<1xf32>
        %mul3A_152 = vector.broadcast %squeeze3A : f32 to vector<16xf32>
        %mul3A_153 = arith.mulf %get3A_151, %mul3A_152 : vector<16xf32>
        %swap3A = arith.index_cast %add3A_147 : i32 to index
        %swap3A_154 = arith.constant 0 : index
        %swap3A_155 = tpu.vector_load %arg10[%swap3A, %swap3A_154] {strides = array<i32>} : memref<5120x16xf32, #tpu.memory_space<vmem>>, vector<1x16xf32>,
        %swap3A_156 = vector.shape_cast %swap3A_155 : vector<1x16xf32> to vector<16xf32>
        %swap3A_157 = vector.shape_cast %mul3A_153 : vector<16xf32> to vector<1x16xf32>
        tpu.vector_store %arg10[%swap3A, %swap3A_154], %swap3A_157 {strides = array<i32>} : memref<5120x16xf32, #tpu.memory_space<vmem>>, vector<1x16xf32>,
        %mul3A_158 = arith.constant 128 : i32
        %mul3A_159 = arith.muli %scan3A_97, %mul3A_158 : i32
        %mul3A_160 = arith.constant 16 : i32
        %mul3A_161 = arith.muli %scan3A_134, %mul3A_160 : i32
        %add3A_162 = arith.addi %mul3A_159, %mul3A_161 : i32
        %add3A_163 = arith.constant 1 : i32
        %add3A_164 = arith.addi %add3A_162, %add3A_163 : i32
        %get3A_165 = arith.index_cast %add3A_164 : i32 to index
        %get3A_166 = arith.constant 0 : index
        %get3A_167 = tpu.vector_load %arg10[%get3A_165, %get3A_166] {strides = array<i32>} : memref<5120x16xf32, #tpu.memory_space<vmem>>, vector<1x16xf32>,
        %get3A_168 = vector.shape_cast %get3A_167 : vector<1x16xf32> to vector<16xf32>
        %slice3A_169 = vector.extract_strided_slice %get3A_140 {offsets = [1], sizes = [1], strides = [1]} : vector<16xf32> to vector<1xf32>
        %squeeze3A_170 = vector.extract %slice3A_169[0] : f32 from vector<1xf32>
        %mul3A_171 = vector.broadcast %squeeze3A_170 : f32 to vector<16xf32>
        %mul3A_172 = arith.mulf %get3A_168, %mul3A_171 : vector<16xf32>
        %swap3A_173 = arith.index_cast %add3A_164 : i32 to index
        %swap3A_174 = arith.constant 0 : index
        %swap3A_175 = tpu.vector_load %arg10[%swap3A_173, %swap3A_174] {strides = array<i32>} : memref<5120x16xf32, #tpu.memory_space<vmem>>, vector<1x16xf32>,
        %swap3A_176 = vector.shape_cast %swap3A_175 : vector<1x16xf32> to vector<16xf32>
        %swap3A_177 = vector.shape_cast %mul3A_172 : vector<16xf32> to vector<1x16xf32>
        tpu.vector_store %arg10[%swap3A_173, %swap3A_174], %swap3A_177 {strides = array<i32>} : memref<5120x16xf32, #tpu.memory_space<vmem>>, vector<1x16xf32>,
        %mul3A_178 = arith.constant 128 : i32
        %mul3A_179 = arith.muli %scan3A_97, %mul3A_178 : i32
        %mul3A_180 = arith.constant 16 : i32
        %mul3A_181 = arith.muli %scan3A_134, %mul3A_180 : i32
        %add3A_182 = arith.addi %mul3A_179, %mul3A_181 : i32
        %add3A_183 = arith.constant 2 : i32
        %add3A_184 = arith.addi %add3A_182, %add3A_183 : i32
        %get3A_185 = arith.index_cast %add3A_184 : i32 to index
        %get3A_186 = arith.constant 0 : index
        %get3A_187 = tpu.vector_load %arg10[%get3A_185, %get3A_186] {strides = array<i32>} : memref<5120x16xf32, #tpu.memory_space<vmem>>, vector<1x16xf32>,
        %get3A_188 = vector.shape_cast %get3A_187 : vector<1x16xf32> to vector<16xf32>
        %slice3A_189 = vector.extract_strided_slice %get3A_140 {offsets = [2], sizes = [1], strides = [1]} : vector<16xf32> to vector<1xf32>
        %squeeze3A_190 = vector.extract %slice3A_189[0] : f32 from vector<1xf32>
        %mul3A_191 = vector.broadcast %squeeze3A_190 : f32 to vector<16xf32>
        %mul3A_192 = arith.mulf %get3A_188, %mul3A_191 : vector<16xf32>
        %swap3A_193 = arith.index_cast %add3A_184 : i32 to index
        %swap3A_194 = arith.constant 0 : index
        %swap3A_195 = tpu.vector_load %arg10[%swap3A_193, %swap3A_194] {strides = array<i32>} : memref<5120x16xf32, #tpu.memory_space<vmem>>, vector<1x16xf32>,
        %swap3A_196 = vector.shape_cast %swap3A_195 : vector<1x16xf32> to vector<16xf32>
        %swap3A_197 = vector.shape_cast %mul3A_192 : vector<16xf32> to vector<1x16xf32>
        tpu.vector_store %arg10[%swap3A_193, %swap3A_194], %swap3A_197 {strides = array<i32>} : memref<5120x16xf32, #tpu.memory_space<vmem>>, vector<1x16xf32>,
        %mul3A_198 = arith.constant 128 : i32
        %mul3A_199 = arith.muli %scan3A_97, %mul3A_198 : i32
        %mul3A_200 = arith.constant 16 : i32
        %mul3A_201 = arith.muli %scan3A_134, %mul3A_200 : i32
        %add3A_202 = arith.addi %mul3A_199, %mul3A_201 : i32
        %add3A_203 = arith.constant 3 : i32
        %add3A_204 = arith.addi %add3A_202, %add3A_203 : i32
        %get3A_205 = arith.index_cast %add3A_204 : i32 to index
        %get3A_206 = arith.constant 0 : index
        %get3A_207 = tpu.vector_load %arg10[%get3A_205, %get3A_206] {strides = array<i32>} : memref<5120x16xf32, #tpu.memory_space<vmem>>, vector<1x16xf32>,
        %get3A_208 = vector.shape_cast %get3A_207 : vector<1x16xf32> to vector<16xf32>
        %slice3A_209 = vector.extract_strided_slice %get3A_140 {offsets = [3], sizes = [1], strides = [1]} : vector<16xf32> to vector<1xf32>
        %squeeze3A_210 = vector.extract %slice3A_209[0] : f32 from vector<1xf32>
        %mul3A_211 = vector.broadcast %squeeze3A_210 : f32 to vector<16xf32>
        %mul3A_212 = arith.mulf %get3A_208, %mul3A_211 : vector<16xf32>
        %swap3A_213 = arith.index_cast %add3A_204 : i32 to index
        %swap3A_214 = arith.constant 0 : index
        %swap3A_215 = tpu.vector_load %arg10[%swap3A_213, %swap3A_214] {strides = array<i32>} : memref<5120x16xf32, #tpu.memory_space<vmem>>, vector<1x16xf32>,
        %swap3A_216 = vector.shape_cast %swap3A_215 : vector<1x16xf32> to vector<16xf32>
        %swap3A_217 = vector.shape_cast %mul3A_212 : vector<16xf32> to vector<1x16xf32>
        tpu.vector_store %arg10[%swap3A_213, %swap3A_214], %swap3A_217 {strides = array<i32>} : memref<5120x16xf32, #tpu.memory_space<vmem>>, vector<1x16xf32>,
        %mul3A_218 = arith.constant 128 : i32
        %mul3A_219 = arith.muli %scan3A_97, %mul3A_218 : i32
        %mul3A_220 = arith.constant 16 : i32
        %mul3A_221 = arith.muli %scan3A_134, %mul3A_220 : i32
        %add3A_222 = arith.addi %mul3A_219, %mul3A_221 : i32
        %add3A_223 = arith.constant 4 : i32
        %add3A_224 = arith.addi %add3A_222, %add3A_223 : i32
        %get3A_225 = arith.index_cast %add3A_224 : i32 to index
        %get3A_226 = arith.constant 0 : index
        %get3A_227 = tpu.vector_load %arg10[%get3A_225, %get3A_226] {strides = array<i32>} : memref<5120x16xf32, #tpu.memory_space<vmem>>, vector<1x16xf32>,
        %get3A_228 = vector.shape_cast %get3A_227 : vector<1x16xf32> to vector<16xf32>
        %slice3A_229 = vector.extract_strided_slice %get3A_140 {offsets = [4], sizes = [1], strides = [1]} : vector<16xf32> to vector<1xf32>
        %squeeze3A_230 = vector.extract %slice3A_229[0] : f32 from vector<1xf32>
        %mul3A_231 = vector.broadcast %squeeze3A_230 : f32 to vector<16xf32>
        %mul3A_232 = arith.mulf %get3A_228, %mul3A_231 : vector<16xf32>
        %swap3A_233 = arith.index_cast %add3A_224 : i32 to index
        %swap3A_234 = arith.constant 0 : index
        %swap3A_235 = tpu.vector_load %arg10[%swap3A_233, %swap3A_234] {strides = array<i32>} : memref<5120x16xf32, #tpu.memory_space<vmem>>, vector<1x16xf32>,
        %swap3A_236 = vector.shape_cast %swap3A_235 : vector<1x16xf32> to vector<16xf32>
        %swap3A_237 = vector.shape_cast %mul3A_232 : vector<16xf32> to vector<1x16xf32>
        tpu.vector_store %arg10[%swap3A_233, %swap3A_234], %swap3A_237 {strides = array<i32>} : memref<5120x16xf32, #tpu.memory_space<vmem>>, vector<1x16xf32>,
        %mul3A_238 = arith.constant 128 : i32
        %mul3A_239 = arith.muli %scan3A_97, %mul3A_238 : i32
        %mul3A_240 = arith.constant 16 : i32
        %mul3A_241 = arith.muli %scan3A_134, %mul3A_240 : i32
        %add3A_242 = arith.addi %mul3A_239, %mul3A_241 : i32
        %add3A_243 = arith.constant 5 : i32
        %add3A_244 = arith.addi %add3A_242, %add3A_243 : i32
        %get3A_245 = arith.index_cast %add3A_244 : i32 to index
        %get3A_246 = arith.constant 0 : index
        %get3A_247 = tpu.vector_load %arg10[%get3A_245, %get3A_246] {strides = array<i32>} : memref<5120x16xf32, #tpu.memory_space<vmem>>, vector<1x16xf32>,
        %get3A_248 = vector.shape_cast %get3A_247 : vector<1x16xf32> to vector<16xf32>
        %slice3A_249 = vector.extract_strided_slice %get3A_140 {offsets = [5], sizes = [1], strides = [1]} : vector<16xf32> to vector<1xf32>
        %squeeze3A_250 = vector.extract %slice3A_249[0] : f32 from vector<1xf32>
        %mul3A_251 = vector.broadcast %squeeze3A_250 : f32 to vector<16xf32>
        %mul3A_252 = arith.mulf %get3A_248, %mul3A_251 : vector<16xf32>
        %swap3A_253 = arith.index_cast %add3A_244 : i32 to index
        %swap3A_254 = arith.constant 0 : index
        %swap3A_255 = tpu.vector_load %arg10[%swap3A_253, %swap3A_254] {strides = array<i32>} : memref<5120x16xf32, #tpu.memory_space<vmem>>, vector<1x16xf32>,
        %swap3A_256 = vector.shape_cast %swap3A_255 : vector<1x16xf32> to vector<16xf32>
        %swap3A_257 = vector.shape_cast %mul3A_252 : vector<16xf32> to vector<1x16xf32>
        tpu.vector_store %arg10[%swap3A_253, %swap3A_254], %swap3A_257 {strides = array<i32>} : memref<5120x16xf32, #tpu.memory_space<vmem>>, vector<1x16xf32>,
        %mul3A_258 = arith.constant 128 : i32
        %mul3A_259 = arith.muli %scan3A_97, %mul3A_258 : i32
        %mul3A_260 = arith.constant 16 : i32
        %mul3A_261 = arith.muli %scan3A_134, %mul3A_260 : i32
        %add3A_262 = arith.addi %mul3A_259, %mul3A_261 : i32
        %add3A_263 = arith.constant 6 : i32
        %add3A_264 = arith.addi %add3A_262, %add3A_263 : i32
        %get3A_265 = arith.index_cast %add3A_264 : i32 to index
        %get3A_266 = arith.constant 0 : index
        %get3A_267 = tpu.vector_load %arg10[%get3A_265, %get3A_266] {strides = array<i32>} : memref<5120x16xf32, #tpu.memory_space<vmem>>, vector<1x16xf32>,
        %get3A_268 = vector.shape_cast %get3A_267 : vector<1x16xf32> to vector<16xf32>
        %slice3A_269 = vector.extract_strided_slice %get3A_140 {offsets = [6], sizes = [1], strides = [1]} : vector<16xf32> to vector<1xf32>
        %squeeze3A_270 = vector.extract %slice3A_269[0] : f32 from vector<1xf32>
        %mul3A_271 = vector.broadcast %squeeze3A_270 : f32 to vector<16xf32>
        %mul3A_272 = arith.mulf %get3A_268, %mul3A_271 : vector<16xf32>
        %swap3A_273 = arith.index_cast %add3A_264 : i32 to index
        %swap3A_274 = arith.constant 0 : index
        %swap3A_275 = tpu.vector_load %arg10[%swap3A_273, %swap3A_274] {strides = array<i32>} : memref<5120x16xf32, #tpu.memory_space<vmem>>, vector<1x16xf32>,
        %swap3A_276 = vector.shape_cast %swap3A_275 : vector<1x16xf32> to vector<16xf32>
        %swap3A_277 = vector.shape_cast %mul3A_272 : vector<16xf32> to vector<1x16xf32>
        tpu.vector_store %arg10[%swap3A_273, %swap3A_274], %swap3A_277 {strides = array<i32>} : memref<5120x16xf32, #tpu.memory_space<vmem>>, vector<1x16xf32>,
        %mul3A_278 = arith.constant 128 : i32
        %mul3A_279 = arith.muli %scan3A_97, %mul3A_278 : i32
        %mul3A_280 = arith.constant 16 : i32
        %mul3A_281 = arith.muli %scan3A_134, %mul3A_280 : i32
        %add3A_282 = arith.addi %mul3A_279, %mul3A_281 : i32
        %add3A_283 = arith.constant 7 : i32
        %add3A_284 = arith.addi %add3A_282, %add3A_283 : i32
        %get3A_285 = arith.index_cast %add3A_284 : i32 to index
        %get3A_286 = arith.constant 0 : index
        %get3A_287 = tpu.vector_load %arg10[%get3A_285, %get3A_286] {strides = array<i32>} : memref<5120x16xf32, #tpu.memory_space<vmem>>, vector<1x16xf32>,
        %get3A_288 = vector.shape_cast %get3A_287 : vector<1x16xf32> to vector<16xf32>
        %slice3A_289 = vector.extract_strided_slice %get3A_140 {offsets = [7], sizes = [1], strides = [1]} : vector<16xf32> to vector<1xf32>
        %squeeze3A_290 = vector.extract %slice3A_289[0] : f32 from vector<1xf32>
        %mul3A_291 = vector.broadcast %squeeze3A_290 : f32 to vector<16xf32>
        %mul3A_292 = arith.mulf %get3A_288, %mul3A_291 : vector<16xf32>
        %swap3A_293 = arith.index_cast %add3A_284 : i32 to index
        %swap3A_294 = arith.constant 0 : index
        %swap3A_295 = tpu.vector_load %arg10[%swap3A_293, %swap3A_294] {strides = array<i32>} : memref<5120x16xf32, #tpu.memory_space<vmem>>, vector<1x16xf32>,
        %swap3A_296 = vector.shape_cast %swap3A_295 : vector<1x16xf32> to vector<16xf32>
        %swap3A_297 = vector.shape_cast %mul3A_292 : vector<16xf32> to vector<1x16xf32>
        tpu.vector_store %arg10[%swap3A_293, %swap3A_294], %swap3A_297 {strides = array<i32>} : memref<5120x16xf32, #tpu.memory_space<vmem>>, vector<1x16xf32>,
        %mul3A_298 = arith.constant 128 : i32
        %mul3A_299 = arith.muli %scan3A_97, %mul3A_298 : i32
        %mul3A_300 = arith.constant 16 : i32
        %mul3A_301 = arith.muli %scan3A_134, %mul3A_300 : i32
        %add3A_302 = arith.addi %mul3A_299, %mul3A_301 : i32
        %add3A_303 = arith.constant 8 : i32
        %add3A_304 = arith.addi %add3A_302, %add3A_303 : i32
        %get3A_305 = arith.index_cast %add3A_304 : i32 to index
        %get3A_306 = arith.constant 0 : index
        %get3A_307 = tpu.vector_load %arg10[%get3A_305, %get3A_306] {strides = array<i32>} : memref<5120x16xf32, #tpu.memory_space<vmem>>, vector<1x16xf32>,
        %get3A_308 = vector.shape_cast %get3A_307 : vector<1x16xf32> to vector<16xf32>
        %slice3A_309 = vector.extract_strided_slice %get3A_140 {offsets = [8], sizes = [1], strides = [1]} : vector<16xf32> to vector<1xf32>
        %squeeze3A_310 = vector.extract %slice3A_309[0] : f32 from vector<1xf32>
        %mul3A_311 = vector.broadcast %squeeze3A_310 : f32 to vector<16xf32>
        %mul3A_312 = arith.mulf %get3A_308, %mul3A_311 : vector<16xf32>
        %swap3A_313 = arith.index_cast %add3A_304 : i32 to index
        %swap3A_314 = arith.constant 0 : index
        %swap3A_315 = tpu.vector_load %arg10[%swap3A_313, %swap3A_314] {strides = array<i32>} : memref<5120x16xf32, #tpu.memory_space<vmem>>, vector<1x16xf32>,
        %swap3A_316 = vector.shape_cast %swap3A_315 : vector<1x16xf32> to vector<16xf32>
        %swap3A_317 = vector.shape_cast %mul3A_312 : vector<16xf32> to vector<1x16xf32>
        tpu.vector_store %arg10[%swap3A_313, %swap3A_314], %swap3A_317 {strides = array<i32>} : memref<5120x16xf32, #tpu.memory_space<vmem>>, vector<1x16xf32>,
        %mul3A_318 = arith.constant 128 : i32
        %mul3A_319 = arith.muli %scan3A_97, %mul3A_318 : i32
        %mul3A_320 = arith.constant 16 : i32
        %mul3A_321 = arith.muli %scan3A_134, %mul3A_320 : i32
        %add3A_322 = arith.addi %mul3A_319, %mul3A_321 : i32
        %add3A_323 = arith.constant 9 : i32
        %add3A_324 = arith.addi %add3A_322, %add3A_323 : i32
        %get3A_325 = arith.index_cast %add3A_324 : i32 to index
        %get3A_326 = arith.constant 0 : index
        %get3A_327 = tpu.vector_load %arg10[%get3A_325, %get3A_326] {strides = array<i32>} : memref<5120x16xf32, #tpu.memory_space<vmem>>, vector<1x16xf32>,
        %get3A_328 = vector.shape_cast %get3A_327 : vector<1x16xf32> to vector<16xf32>
        %slice3A_329 = vector.extract_strided_slice %get3A_140 {offsets = [9], sizes = [1], strides = [1]} : vector<16xf32> to vector<1xf32>
        %squeeze3A_330 = vector.extract %slice3A_329[0] : f32 from vector<1xf32>
        %mul3A_331 = vector.broadcast %squeeze3A_330 : f32 to vector<16xf32>
        %mul3A_332 = arith.mulf %get3A_328, %mul3A_331 : vector<16xf32>
        %swap3A_333 = arith.index_cast %add3A_324 : i32 to index
        %swap3A_334 = arith.constant 0 : index
        %swap3A_335 = tpu.vector_load %arg10[%swap3A_333, %swap3A_334] {strides = array<i32>} : memref<5120x16xf32, #tpu.memory_space<vmem>>, vector<1x16xf32>,
        %swap3A_336 = vector.shape_cast %swap3A_335 : vector<1x16xf32> to vector<16xf32>
        %swap3A_337 = vector.shape_cast %mul3A_332 : vector<16xf32> to vector<1x16xf32>
        tpu.vector_store %arg10[%swap3A_333, %swap3A_334], %swap3A_337 {strides = array<i32>} : memref<5120x16xf32, #tpu.memory_space<vmem>>, vector<1x16xf32>,
        %mul3A_338 = arith.constant 128 : i32
        %mul3A_339 = arith.muli %scan3A_97, %mul3A_338 : i32
        %mul3A_340 = arith.constant 16 : i32
        %mul3A_341 = arith.muli %scan3A_134, %mul3A_340 : i32
        %add3A_342 = arith.addi %mul3A_339, %mul3A_341 : i32
        %add3A_343 = arith.constant 10 : i32
        %add3A_344 = arith.addi %add3A_342, %add3A_343 : i32
        %get3A_345 = arith.index_cast %add3A_344 : i32 to index
        %get3A_346 = arith.constant 0 : index
        %get3A_347 = tpu.vector_load %arg10[%get3A_345, %get3A_346] {strides = array<i32>} : memref<5120x16xf32, #tpu.memory_space<vmem>>, vector<1x16xf32>,
        %get3A_348 = vector.shape_cast %get3A_347 : vector<1x16xf32> to vector<16xf32>
        %slice3A_349 = vector.extract_strided_slice %get3A_140 {offsets = [10], sizes = [1], strides = [1]} : vector<16xf32> to vector<1xf32>
        %squeeze3A_350 = vector.extract %slice3A_349[0] : f32 from vector<1xf32>
        %mul3A_351 = vector.broadcast %squeeze3A_350 : f32 to vector<16xf32>
        %mul3A_352 = arith.mulf %get3A_348, %mul3A_351 : vector<16xf32>
        %swap3A_353 = arith.index_cast %add3A_344 : i32 to index
        %swap3A_354 = arith.constant 0 : index
        %swap3A_355 = tpu.vector_load %arg10[%swap3A_353, %swap3A_354] {strides = array<i32>} : memref<5120x16xf32, #tpu.memory_space<vmem>>, vector<1x16xf32>,
        %swap3A_356 = vector.shape_cast %swap3A_355 : vector<1x16xf32> to vector<16xf32>
        %swap3A_357 = vector.shape_cast %mul3A_352 : vector<16xf32> to vector<1x16xf32>
        tpu.vector_store %arg10[%swap3A_353, %swap3A_354], %swap3A_357 {strides = array<i32>} : memref<5120x16xf32, #tpu.memory_space<vmem>>, vector<1x16xf32>,
        %mul3A_358 = arith.constant 128 : i32
        %mul3A_359 = arith.muli %scan3A_97, %mul3A_358 : i32
        %mul3A_360 = arith.constant 16 : i32
        %mul3A_361 = arith.muli %scan3A_134, %mul3A_360 : i32
        %add3A_362 = arith.addi %mul3A_359, %mul3A_361 : i32
        %add3A_363 = arith.constant 11 : i32
        %add3A_364 = arith.addi %add3A_362, %add3A_363 : i32
        %get3A_365 = arith.index_cast %add3A_364 : i32 to index
        %get3A_366 = arith.constant 0 : index
        %get3A_367 = tpu.vector_load %arg10[%get3A_365, %get3A_366] {strides = array<i32>} : memref<5120x16xf32, #tpu.memory_space<vmem>>, vector<1x16xf32>,
        %get3A_368 = vector.shape_cast %get3A_367 : vector<1x16xf32> to vector<16xf32>
        %slice3A_369 = vector.extract_strided_slice %get3A_140 {offsets = [11], sizes = [1], strides = [1]} : vector<16xf32> to vector<1xf32>
        %squeeze3A_370 = vector.extract %slice3A_369[0] : f32 from vector<1xf32>
        %mul3A_371 = vector.broadcast %squeeze3A_370 : f32 to vector<16xf32>
        %mul3A_372 = arith.mulf %get3A_368, %mul3A_371 : vector<16xf32>
        %swap3A_373 = arith.index_cast %add3A_364 : i32 to index
        %swap3A_374 = arith.constant 0 : index
        %swap3A_375 = tpu.vector_load %arg10[%swap3A_373, %swap3A_374] {strides = array<i32>} : memref<5120x16xf32, #tpu.memory_space<vmem>>, vector<1x16xf32>,
        %swap3A_376 = vector.shape_cast %swap3A_375 : vector<1x16xf32> to vector<16xf32>
        %swap3A_377 = vector.shape_cast %mul3A_372 : vector<16xf32> to vector<1x16xf32>
        tpu.vector_store %arg10[%swap3A_373, %swap3A_374], %swap3A_377 {strides = array<i32>} : memref<5120x16xf32, #tpu.memory_space<vmem>>, vector<1x16xf32>,
        %mul3A_378 = arith.constant 128 : i32
        %mul3A_379 = arith.muli %scan3A_97, %mul3A_378 : i32
        %mul3A_380 = arith.constant 16 : i32
        %mul3A_381 = arith.muli %scan3A_134, %mul3A_380 : i32
        %add3A_382 = arith.addi %mul3A_379, %mul3A_381 : i32
        %add3A_383 = arith.constant 12 : i32
        %add3A_384 = arith.addi %add3A_382, %add3A_383 : i32
        %get3A_385 = arith.index_cast %add3A_384 : i32 to index
        %get3A_386 = arith.constant 0 : index
        %get3A_387 = tpu.vector_load %arg10[%get3A_385, %get3A_386] {strides = array<i32>} : memref<5120x16xf32, #tpu.memory_space<vmem>>, vector<1x16xf32>,
        %get3A_388 = vector.shape_cast %get3A_387 : vector<1x16xf32> to vector<16xf32>
        %slice3A_389 = vector.extract_strided_slice %get3A_140 {offsets = [12], sizes = [1], strides = [1]} : vector<16xf32> to vector<1xf32>
        %squeeze3A_390 = vector.extract %slice3A_389[0] : f32 from vector<1xf32>
        %mul3A_391 = vector.broadcast %squeeze3A_390 : f32 to vector<16xf32>
        %mul3A_392 = arith.mulf %get3A_388, %mul3A_391 : vector<16xf32>
        %swap3A_393 = arith.index_cast %add3A_384 : i32 to index
        %swap3A_394 = arith.constant 0 : index
        %swap3A_395 = tpu.vector_load %arg10[%swap3A_393, %swap3A_394] {strides = array<i32>} : memref<5120x16xf32, #tpu.memory_space<vmem>>, vector<1x16xf32>,
        %swap3A_396 = vector.shape_cast %swap3A_395 : vector<1x16xf32> to vector<16xf32>
        %swap3A_397 = vector.shape_cast %mul3A_392 : vector<16xf32> to vector<1x16xf32>
        tpu.vector_store %arg10[%swap3A_393, %swap3A_394], %swap3A_397 {strides = array<i32>} : memref<5120x16xf32, #tpu.memory_space<vmem>>, vector<1x16xf32>,
        %mul3A_398 = arith.constant 128 : i32
        %mul3A_399 = arith.muli %scan3A_97, %mul3A_398 : i32
        %mul3A_400 = arith.constant 16 : i32
        %mul3A_401 = arith.muli %scan3A_134, %mul3A_400 : i32
        %add3A_402 = arith.addi %mul3A_399, %mul3A_401 : i32
        %add3A_403 = arith.constant 13 : i32
        %add3A_404 = arith.addi %add3A_402, %add3A_403 : i32
        %get3A_405 = arith.index_cast %add3A_404 : i32 to index
        %get3A_406 = arith.constant 0 : index
        %get3A_407 = tpu.vector_load %arg10[%get3A_405, %get3A_406] {strides = array<i32>} : memref<5120x16xf32, #tpu.memory_space<vmem>>, vector<1x16xf32>,
        %get3A_408 = vector.shape_cast %get3A_407 : vector<1x16xf32> to vector<16xf32>
        %slice3A_409 = vector.extract_strided_slice %get3A_140 {offsets = [13], sizes = [1], strides = [1]} : vector<16xf32> to vector<1xf32>
        %squeeze3A_410 = vector.extract %slice3A_409[0] : f32 from vector<1xf32>
        %mul3A_411 = vector.broadcast %squeeze3A_410 : f32 to vector<16xf32>
        %mul3A_412 = arith.mulf %get3A_408, %mul3A_411 : vector<16xf32>
        %swap3A_413 = arith.index_cast %add3A_404 : i32 to index
        %swap3A_414 = arith.constant 0 : index
        %swap3A_415 = tpu.vector_load %arg10[%swap3A_413, %swap3A_414] {strides = array<i32>} : memref<5120x16xf32, #tpu.memory_space<vmem>>, vector<1x16xf32>,
        %swap3A_416 = vector.shape_cast %swap3A_415 : vector<1x16xf32> to vector<16xf32>
        %swap3A_417 = vector.shape_cast %mul3A_412 : vector<16xf32> to vector<1x16xf32>
        tpu.vector_store %arg10[%swap3A_413, %swap3A_414], %swap3A_417 {strides = array<i32>} : memref<5120x16xf32, #tpu.memory_space<vmem>>, vector<1x16xf32>,
        %mul3A_418 = arith.constant 128 : i32
        %mul3A_419 = arith.muli %scan3A_97, %mul3A_418 : i32
        %mul3A_420 = arith.constant 16 : i32
        %mul3A_421 = arith.muli %scan3A_134, %mul3A_420 : i32
        %add3A_422 = arith.addi %mul3A_419, %mul3A_421 : i32
        %add3A_423 = arith.constant 14 : i32
        %add3A_424 = arith.addi %add3A_422, %add3A_423 : i32
        %get3A_425 = arith.index_cast %add3A_424 : i32 to index
        %get3A_426 = arith.constant 0 : index
        %get3A_427 = tpu.vector_load %arg10[%get3A_425, %get3A_426] {strides = array<i32>} : memref<5120x16xf32, #tpu.memory_space<vmem>>, vector<1x16xf32>,
        %get3A_428 = vector.shape_cast %get3A_427 : vector<1x16xf32> to vector<16xf32>
        %slice3A_429 = vector.extract_strided_slice %get3A_140 {offsets = [14], sizes = [1], strides = [1]} : vector<16xf32> to vector<1xf32>
        %squeeze3A_430 = vector.extract %slice3A_429[0] : f32 from vector<1xf32>
        %mul3A_431 = vector.broadcast %squeeze3A_430 : f32 to vector<16xf32>
        %mul3A_432 = arith.mulf %get3A_428, %mul3A_431 : vector<16xf32>
        %swap3A_433 = arith.index_cast %add3A_424 : i32 to index
        %swap3A_434 = arith.constant 0 : index
        %swap3A_435 = tpu.vector_load %arg10[%swap3A_433, %swap3A_434] {strides = array<i32>} : memref<5120x16xf32, #tpu.memory_space<vmem>>, vector<1x16xf32>,
        %swap3A_436 = vector.shape_cast %swap3A_435 : vector<1x16xf32> to vector<16xf32>
        %swap3A_437 = vector.shape_cast %mul3A_432 : vector<16xf32> to vector<1x16xf32>
        tpu.vector_store %arg10[%swap3A_433, %swap3A_434], %swap3A_437 {strides = array<i32>} : memref<5120x16xf32, #tpu.memory_space<vmem>>, vector<1x16xf32>,
        %mul3A_438 = arith.constant 128 : i32
        %mul3A_439 = arith.muli %scan3A_97, %mul3A_438 : i32
        %mul3A_440 = arith.constant 16 : i32
        %mul3A_441 = arith.muli %scan3A_134, %mul3A_440 : i32
        %add3A_442 = arith.addi %mul3A_439, %mul3A_441 : i32
        %add3A_443 = arith.constant 15 : i32
        %add3A_444 = arith.addi %add3A_442, %add3A_443 : i32
        %get3A_445 = arith.index_cast %add3A_444 : i32 to index
        %get3A_446 = arith.constant 0 : index
        %get3A_447 = tpu.vector_load %arg10[%get3A_445, %get3A_446] {strides = array<i32>} : memref<5120x16xf32, #tpu.memory_space<vmem>>, vector<1x16xf32>,
        %get3A_448 = vector.shape_cast %get3A_447 : vector<1x16xf32> to vector<16xf32>
        %slice3A_449 = vector.extract_strided_slice %get3A_140 {offsets = [15], sizes = [1], strides = [1]} : vector<16xf32> to vector<1xf32>
        %squeeze3A_450 = vector.extract %slice3A_449[0] : f32 from vector<1xf32>
        %mul3A_451 = vector.broadcast %squeeze3A_450 : f32 to vector<16xf32>
        %mul3A_452 = arith.mulf %get3A_448, %mul3A_451 : vector<16xf32>
        %swap3A_453 = arith.index_cast %add3A_444 : i32 to index
        %swap3A_454 = arith.constant 0 : index
        %swap3A_455 = tpu.vector_load %arg10[%swap3A_453, %swap3A_454] {strides = array<i32>} : memref<5120x16xf32, #tpu.memory_space<vmem>>, vector<1x16xf32>,
        %swap3A_456 = vector.shape_cast %swap3A_455 : vector<1x16xf32> to vector<16xf32>
        %swap3A_457 = vector.shape_cast %mul3A_452 : vector<16xf32> to vector<1x16xf32>
        tpu.vector_store %arg10[%swap3A_453, %swap3A_454], %swap3A_457 {strides = array<i32>} : memref<5120x16xf32, #tpu.memory_space<vmem>>, vector<1x16xf32>,
        %scan3A_458 = arith.constant 0 : i32
        scf.yield %scan3A_458 : i32
      }
      %scan3A_118 = arith.constant 8 : i32
      %mul3A_119 = arith.constant 128 : i32
      %mul3A_120 = arith.muli %scan3A_97, %mul3A_119 : i32
      %dma_start3A_121 = arith.constant 0 : i32
      %dma_start3A_122 = tpu.memref_slice %arg10[%mul3A_120, %dma_start3A_121] : memref<5120x16xf32, #tpu.memory_space<vmem>> -> memref<128x16xf32, #tpu.memory_space<vmem>>
      %dma_start3A_123 = arith.constant 0 : i32
      %dma_start3A_124 = tpu.memref_slice %arg8[%scan3A_97, %dma_start3A_123] : memref<40x128xi32, #tpu.memory_space<vmem>> -> memref<1x128xi32, #tpu.memory_space<vmem>>
      %dma_start3A_125 = tpu.memref_squeeze %dma_start3A_124 : memref<1x128xi32, #tpu.memory_space<vmem>> -> memref<128xi32, #tpu.memory_space<vmem>>
      %dma_start3A_126 = arith.constant 0 : i32
      %dma_start3A_127 = arith.constant 0 : i32
      %dma_start3A_128 = tpu.memref_slice %arg12[%dma_start3A_126, %dma_start3A_127] : memref<10240x16xf32, #tpu.memory_space<vmem_shared>> -> memref<10240x16xf32, #tpu.memory_space<vmem_shared>>
      tpu.enqueue_indirect_dma source(%dma_start3A_122 : memref<128x16xf32, #tpu.memory_space<vmem>>) target(%dma_start3A_128 : memref<10240x16xf32, #tpu.memory_space<vmem_shared>>) offsets(%dma_start3A_125 : memref<128xi32, #tpu.memory_space<vmem>>) semaphore(%arg15 : memref<!tpu.dma_semaphore, #tpu.memory_space<semaphore_mem>>) {add = true}
      %ge3A = arith.constant 6 : i32
      %ge3A_129 = arith.cmpi sge, %scan3A_97, %ge3A : i32
      %convert_element_type3A_130 = arith.extui %ge3A_129 : i1 to i32
      %cond3A_131 = arith.constant 0 : i32
      %cond3A_132 = arith.cmpi ne, %convert_element_type3A_130, %cond3A_131 : i32
      scf.if %cond3A_132 {
        %sub3A = arith.constant 6 : i32
        %sub3A_134 = arith.subi %scan3A_97, %sub3A : i32
        %mul3A_135 = arith.constant 128 : i32
        %mul3A_136 = arith.muli %sub3A_134, %mul3A_135 : i32
        %dma_wait3A_137 = arith.constant 0 : i32
        %dma_wait3A_138 = tpu.memref_slice %arg10[%mul3A_136, %dma_wait3A_137] : memref<5120x16xf32, #tpu.memory_space<vmem>> -> memref<128x16xf32, #tpu.memory_space<vmem>>
        %dma_wait3A_139 = arith.constant 0 : i32
        %dma_wait3A_140 = tpu.memref_slice %arg8[%sub3A_134, %dma_wait3A_139] : memref<40x128xi32, #tpu.memory_space<vmem>> -> memref<1x128xi32, #tpu.memory_space<vmem>>
        %dma_wait3A_141 = tpu.memref_squeeze %dma_wait3A_140 : memref<1x128xi32, #tpu.memory_space<vmem>> -> memref<128xi32, #tpu.memory_space<vmem>>
        %dma_wait3A_142 = arith.constant 0 : i32
        %dma_wait3A_143 = arith.constant 0 : i32
        %dma_wait3A_144 = tpu.memref_slice %arg12[%dma_wait3A_142, %dma_wait3A_143] : memref<10240x16xf32, #tpu.memory_space<vmem_shared>> -> memref<10240x16xf32, #tpu.memory_space<vmem_shared>>
        tpu.wait_indirect_dma semaphore(%arg15 : memref<!tpu.dma_semaphore, #tpu.memory_space<semaphore_mem>>) src(%dma_wait3A_138 : memref<128x16xf32, #tpu.memory_space<vmem>>) dst(%dma_wait3A_144 : memref<10240x16xf32, #tpu.memory_space<vmem_shared>>)
      } else {
      }
      %scan3A_133 = arith.constant 0 : i32
      scf.yield %scan3A_133 : i32
    }
    %scan3A_84 = arith.constant 40 : i32
    %scan3A_85 = arith.constant 0 : i32
    %scan3A_86 = arith.constant 34 : i32
    %scan3A_87 = arith.constant 6 : i32
    %scan3A_88 = arith.addi %scan3A_86, %scan3A_87 : i32
    %scan3A_89 = arith.constant 1 : i32
    %scan3A_90 = scf.for %scan3A_97 = %scan3A_86 to %scan3A_88 step %scan3A_89 iter_args(%scan3A_98 = %scan3A_85) -> (i32)  : i32 {
      %mul3A_99 = arith.constant 128 : i32
      %mul3A_100 = arith.muli %scan3A_97, %mul3A_99 : i32
      %dma_wait3A = arith.constant 0 : i32
      %dma_wait3A_101 = tpu.memref_slice %arg10[%mul3A_100, %dma_wait3A] : memref<5120x16xf32, #tpu.memory_space<vmem>> -> memref<128x16xf32, #tpu.memory_space<vmem>>
      %dma_wait3A_102 = arith.constant 0 : i32
      %dma_wait3A_103 = tpu.memref_slice %arg8[%scan3A_97, %dma_wait3A_102] : memref<40x128xi32, #tpu.memory_space<vmem>> -> memref<1x128xi32, #tpu.memory_space<vmem>>
      %dma_wait3A_104 = tpu.memref_squeeze %dma_wait3A_103 : memref<1x128xi32, #tpu.memory_space<vmem>> -> memref<128xi32, #tpu.memory_space<vmem>>
      %dma_wait3A_105 = arith.constant 0 : i32
      %dma_wait3A_106 = arith.constant 0 : i32
      %dma_wait3A_107 = tpu.memref_slice %arg12[%dma_wait3A_105, %dma_wait3A_106] : memref<10240x16xf32, #tpu.memory_space<vmem_shared>> -> memref<10240x16xf32, #tpu.memory_space<vmem_shared>>
      tpu.wait_indirect_dma semaphore(%arg15 : memref<!tpu.dma_semaphore, #tpu.memory_space<semaphore_mem>>) src(%dma_wait3A_101 : memref<128x16xf32, #tpu.memory_space<vmem>>) dst(%dma_wait3A_107 : memref<10240x16xf32, #tpu.memory_space<vmem_shared>>)
      %scan3A_108 = arith.constant 0 : i32
      scf.yield %scan3A_108 : i32
    }
    %scan3A_91 = arith.constant 6 : i32
    %barrier3A_92 = arith.constant 0 : index
    tpu.barrier barrier_id(%barrier3A_92)
    %mul3A_93 = arith.constant 640 : i32
    %mul3A_94 = arith.muli %arg1, %mul3A_93 : i32
    %mul3A_95 = arith.constant 640 : i32
    %mul3A_96 = arith.muli %arg1, %mul3A_95 : i32
    "tpu.region"() ({
      %run_scoped3A = tpu.sem_alloc : memref<!tpu.dma_semaphore, #tpu.memory_space<semaphore_mem>>
      %dma_start3A_97 = arith.constant 0 : i32
      %dma_start3A_98 = tpu.memref_slice %arg6[%arg0, %mul3A_96, %dma_start3A_97] : memref<2x10240x16xf32, #tpu.memory_space<hbm>> -> memref<1x640x16xf32, #tpu.memory_space<hbm>>
      %dma_start3A_99 = tpu.memref_squeeze %dma_start3A_98 : memref<1x640x16xf32, #tpu.memory_space<hbm>> -> memref<640x16xf32, #tpu.memory_space<hbm>>
      %dma_start3A_100 = arith.constant 0 : i32
      %dma_start3A_101 = tpu.memref_slice %arg12[%mul3A_94, %dma_start3A_100] : memref<10240x16xf32, #tpu.memory_space<vmem_shared>> -> memref<640x16xf32, #tpu.memory_space<vmem_shared>>
      tpu.enqueue_dma source(%dma_start3A_101 : memref<640x16xf32, #tpu.memory_space<vmem_shared>>) target(%dma_start3A_99 : memref<640x16xf32, #tpu.memory_space<hbm>>) target_semaphore(%run_scoped3A : memref<!tpu.dma_semaphore, #tpu.memory_space<semaphore_mem>>)
      %dma_wait3A = arith.constant 0 : i32
      %dma_wait3A_102 = tpu.memref_slice %arg6[%arg0, %mul3A_96, %dma_wait3A] : memref<2x10240x16xf32, #tpu.memory_space<hbm>> -> memref<1x640x16xf32, #tpu.memory_space<hbm>>
      %dma_wait3A_103 = tpu.memref_squeeze %dma_wait3A_102 : memref<1x640x16xf32, #tpu.memory_space<hbm>> -> memref<640x16xf32, #tpu.memory_space<hbm>>
      %dma_wait3A_104 = arith.constant 0 : i32
      %dma_wait3A_105 = tpu.memref_slice %arg12[%mul3A_94, %dma_wait3A_104] : memref<10240x16xf32, #tpu.memory_space<vmem_shared>> -> memref<640x16xf32, #tpu.memory_space<vmem_shared>>
      tpu.wait_dma2 semaphore(%run_scoped3A : memref<!tpu.dma_semaphore, #tpu.memory_space<semaphore_mem>>) src(%dma_wait3A_105 : memref<640x16xf32, #tpu.memory_space<vmem_shared>>) dst(%dma_wait3A_103 : memref<640x16xf32, #tpu.memory_space<hbm>>)
      tpu.yield
    }) : () -> ()
    return
  }
}

module attributes {stable_mosaic.version = 14 : i64} {
  func.func @_tc_mm_body(%arg0: memref<10000x256xf32, #tpu.memory_space<vmem>>, %arg1: memref<256x16xf32, #tpu.memory_space<vmem>>, %arg2: memref<10000x16xf32, #tpu.memory_space<vmem>>) attributes {dimension_semantics = [], scalar_prefetch = 0 : i64, scratch_operands = 0 : i64, tpu.core_type = #tpu.core_type<tc>} {
    %get3A = arith.constant 0 : index
    %get3A_0 = arith.constant 0 : index
    %get3A_1 = vector.load %arg0[%get3A, %get3A_0] : memref<10000x256xf32, #tpu.memory_space<vmem>>, vector<10000x256xf32>
    %get3A_2 = arith.constant 0 : index
    %get3A_3 = arith.constant 0 : index
    %get3A_4 = vector.load %arg1[%get3A_2, %get3A_3] : memref<256x16xf32, #tpu.memory_space<vmem>>, vector<256x16xf32>
    %dot_general3A = arith.constant dense<0.000000e+00> : vector<10000x16xf32>
    %dot_general3A_5 = tpu.matmul %get3A_1, %get3A_4, %dot_general3A {dimension_numbers = #tpu.dot_dimension_numbers<[1], [0], [0], [1], [0, 0, 1, 1], [], []>, transpose_lhs_hint = false} : vector<10000x256xf32>, vector<256x16xf32>, vector<10000x16xf32> -> vector<10000x16xf32>
    %swap3A = arith.constant 0 : index
    %swap3A_6 = arith.constant 0 : index
    %swap3A_7 = vector.load %arg2[%swap3A, %swap3A_6] : memref<10000x16xf32, #tpu.memory_space<vmem>>, vector<10000x16xf32>
    tpu.vector_store %arg2[%swap3A, %swap3A_6], %dot_general3A_5 {strides = array<i32>} : memref<10000x16xf32, #tpu.memory_space<vmem>>, vector<10000x16xf32>,
    return
  }
}

module attributes {stable_mosaic.version = 14 : i64} {
  func.func @_tc1_body(%arg0: memref<10000x16xf32, #tpu.memory_space<vmem>>, %arg1: memref<2x10240x16xf32, #tpu.memory_space<vmem>>, %arg2: memref<10240x16xf32, #tpu.memory_space<vmem>>, %arg3: memref<10240x16xf32, #tpu.memory_space<vmem>>) attributes {dimension_semantics = [], scalar_prefetch = 0 : i64, scratch_operands = 0 : i64, tpu.core_type = #tpu.core_type<tc>} {
    %get3A = arith.constant 0 : index
    %get3A_0 = arith.constant 0 : index
    %get3A_1 = arith.constant 0 : index
    %get3A_2 = vector.load %arg1[%get3A, %get3A_0, %get3A_1] : memref<2x10240x16xf32, #tpu.memory_space<vmem>>, vector<1x10240x16xf32>
    %get3A_3 = vector.shape_cast %get3A_2 : vector<1x10240x16xf32> to vector<10240x16xf32>
    %get3A_4 = arith.constant 1 : index
    %get3A_5 = arith.constant 0 : index
    %get3A_6 = arith.constant 0 : index
    %get3A_7 = vector.load %arg1[%get3A_4, %get3A_5, %get3A_6] : memref<2x10240x16xf32, #tpu.memory_space<vmem>>, vector<1x10240x16xf32>
    %get3A_8 = vector.shape_cast %get3A_7 : vector<1x10240x16xf32> to vector<10240x16xf32>
    %add3A = arith.addf %get3A_3, %get3A_8 : vector<10240x16xf32>
    %add3A_9 = arith.constant 1.000000e+00 : f32
    %add3A_10 = vector.broadcast %add3A_9 : f32 to vector<10240x16xf32>
    %add3A_11 = arith.addf %add3A, %add3A_10 : vector<10240x16xf32>
    %sqrt3A = math.sqrt %add3A_11 : vector<10240x16xf32>
    %div3A = arith.constant 1.000000e+00 : f32
    %div3A_12 = vector.broadcast %div3A : f32 to vector<10240x16xf32>
    %div3A_13 = arith.divf %div3A_12, %sqrt3A : vector<10240x16xf32>
    %slice3A = vector.extract_strided_slice %div3A_13 {offsets = [0, 0], sizes = [10000, 16], strides = [1, 1]} : vector<10240x16xf32> to vector<10000x16xf32>
    %get3A_14 = arith.constant 0 : index
    %get3A_15 = arith.constant 0 : index
    %get3A_16 = vector.load %arg0[%get3A_14, %get3A_15] : memref<10000x16xf32, #tpu.memory_space<vmem>>, vector<10000x16xf32>
    %mul3A = arith.mulf %slice3A, %get3A_16 : vector<10000x16xf32>
    %swap3A = arith.constant 0 : index
    %swap3A_17 = arith.constant 0 : index
    %swap3A_18 = vector.load %arg2[%swap3A, %swap3A_17] : memref<10240x16xf32, #tpu.memory_space<vmem>>, vector<10000x16xf32>
    tpu.vector_store %arg2[%swap3A, %swap3A_17], %mul3A {strides = array<i32>} : memref<10240x16xf32, #tpu.memory_space<vmem>>, vector<10000x16xf32>,
    %broadcast_in_dim3A = arith.constant 0.000000e+00 : f32
    %broadcast_in_dim3A_19 = vector.broadcast %broadcast_in_dim3A : f32 to vector<240x16xf32>
    %swap3A_20 = arith.constant 10000 : index
    %swap3A_21 = arith.constant 0 : index
    %swap3A_22 = vector.load %arg2[%swap3A_20, %swap3A_21] : memref<10240x16xf32, #tpu.memory_space<vmem>>, vector<240x16xf32>
    tpu.vector_store %arg2[%swap3A_20, %swap3A_21], %broadcast_in_dim3A_19 {strides = array<i32>} : memref<10240x16xf32, #tpu.memory_space<vmem>>, vector<240x16xf32>,
    %swap3A_23 = arith.constant 0 : index
    %swap3A_24 = arith.constant 0 : index
    %swap3A_25 = vector.load %arg3[%swap3A_23, %swap3A_24] : memref<10240x16xf32, #tpu.memory_space<vmem>>, vector<10240x16xf32>
    tpu.vector_store %arg3[%swap3A_23, %swap3A_24], %div3A_13 {strides = array<i32>} : memref<10240x16xf32, #tpu.memory_space<vmem>>, vector<10240x16xf32>,
    return
  }
}

module attributes {stable_mosaic.version = 14 : i64} {
  func.func @_tc3_body(%arg0: memref<2x10240x16xf32, #tpu.memory_space<vmem>>, %arg1: memref<10240x16xf32, #tpu.memory_space<vmem>>, %arg2: memref<10240x16xf32, #tpu.memory_space<vmem>>, %arg3: memref<16x2xf32, #tpu.memory_space<vmem>>, %arg4: memref<1x2xf32, #tpu.memory_space<vmem>>, %arg5: memref<10000x2xf32, #tpu.memory_space<vmem>>) attributes {dimension_semantics = [], scalar_prefetch = 0 : i64, scratch_operands = 0 : i64, tpu.core_type = #tpu.core_type<tc>} {
    %get3A = arith.constant 0 : index
    %get3A_0 = arith.constant 0 : index
    %get3A_1 = arith.constant 0 : index
    %get3A_2 = vector.load %arg0[%get3A, %get3A_0, %get3A_1] : memref<2x10240x16xf32, #tpu.memory_space<vmem>>, vector<1x10000x16xf32>
    %get3A_3 = vector.shape_cast %get3A_2 : vector<1x10000x16xf32> to vector<10000x16xf32>
    %get3A_4 = arith.constant 1 : index
    %get3A_5 = arith.constant 0 : index
    %get3A_6 = arith.constant 0 : index
    %get3A_7 = vector.load %arg0[%get3A_4, %get3A_5, %get3A_6] : memref<2x10240x16xf32, #tpu.memory_space<vmem>>, vector<1x10000x16xf32>
    %get3A_8 = vector.shape_cast %get3A_7 : vector<1x10000x16xf32> to vector<10000x16xf32>
    %add3A = arith.addf %get3A_3, %get3A_8 : vector<10000x16xf32>
    %get3A_9 = arith.constant 0 : index
    %get3A_10 = arith.constant 0 : index
    %get3A_11 = vector.load %arg2[%get3A_9, %get3A_10] : memref<10240x16xf32, #tpu.memory_space<vmem>>, vector<10000x16xf32>
    %get3A_12 = arith.constant 0 : index
    %get3A_13 = arith.constant 0 : index
    %get3A_14 = vector.load %arg1[%get3A_12, %get3A_13] : memref<10240x16xf32, #tpu.memory_space<vmem>>, vector<10000x16xf32>
    %add3A_15 = arith.addf %add3A, %get3A_14 : vector<10000x16xf32>
    %mul3A = arith.mulf %get3A_11, %add3A_15 : vector<10000x16xf32>
    %get3A_16 = arith.constant 0 : index
    %get3A_17 = arith.constant 0 : index
    %get3A_18 = vector.load %arg3[%get3A_16, %get3A_17] : memref<16x2xf32, #tpu.memory_space<vmem>>, vector<16x2xf32>
    %dot_general3A = arith.constant dense<0.000000e+00> : vector<10000x2xf32>
    %dot_general3A_19 = tpu.matmul %mul3A, %get3A_18, %dot_general3A {dimension_numbers = #tpu.dot_dimension_numbers<[1], [0], [0], [1], [0, 0, 1, 1], [], []>, transpose_lhs_hint = false} : vector<10000x16xf32>, vector<16x2xf32>, vector<10000x2xf32> -> vector<10000x2xf32>
    %get3A_20 = arith.constant 0 : index
    %get3A_21 = arith.constant 0 : index
    %get3A_22 = vector.load %arg4[%get3A_20, %get3A_21] : memref<1x2xf32, #tpu.memory_space<vmem>>, vector<1x2xf32>
    %add3A_23 = vector.broadcast %get3A_22 : vector<1x2xf32> to vector<10000x2xf32>
    %add3A_24 = arith.addf %dot_general3A_19, %add3A_23 : vector<10000x2xf32>
    %reduce_max3A = arith.constant dense<0xFF800000> : vector<10000xf32>
    %reduce_max3A_25 = vector.multi_reduction <maximumf>, %add3A_24, %reduce_max3A [1] : vector<10000x2xf32> to vector<10000xf32>
    %broadcast_in_dim3A = vector.shape_cast %reduce_max3A_25 : vector<10000xf32> to vector<10000x1xf32>
    %sub3A = vector.broadcast %broadcast_in_dim3A : vector<10000x1xf32> to vector<10000x2xf32>
    %sub3A_26 = arith.subf %add3A_24, %sub3A : vector<10000x2xf32>
    %exp3A = math.exp %sub3A_26 : vector<10000x2xf32>
    %reduce_sum3A = arith.constant dense<0.000000e+00> : vector<10000xf32>
    %reduce_sum3A_27 = vector.multi_reduction <add>, %exp3A, %reduce_sum3A [1] : vector<10000x2xf32> to vector<10000xf32>
    %broadcast_in_dim3A_28 = vector.shape_cast %reduce_sum3A_27 : vector<10000xf32> to vector<10000x1xf32>
    %log3A = math.log %broadcast_in_dim3A_28 : vector<10000x1xf32>
    %add3A_29 = arith.addf %broadcast_in_dim3A, %log3A : vector<10000x1xf32>
    %sub3A_30 = vector.broadcast %add3A_29 : vector<10000x1xf32> to vector<10000x2xf32>
    %sub3A_31 = arith.subf %add3A_24, %sub3A_30 : vector<10000x2xf32>
    %swap3A = arith.constant 0 : index
    %swap3A_32 = arith.constant 0 : index
    %swap3A_33 = vector.load %arg5[%swap3A, %swap3A_32] : memref<10000x2xf32, #tpu.memory_space<vmem>>, vector<10000x2xf32>
    tpu.vector_store %arg5[%swap3A, %swap3A_32], %sub3A_31 {strides = array<i32>} : memref<10000x2xf32, #tpu.memory_space<vmem>>, vector<10000x2xf32>,
    return
  }
}

</mosaic_0001>

<sc_bundles>
// kernel: kernel.11.cloned.1.call-start
scs
__scs_entry_jumppad:
0x0: {  	(pc) =	sbr.rel $0x88, $3  }
0x1: {  	(tag) =	ssettag $0x0;
	lr =	simm.s32 $0x1  }
0x2: {  	[smem:$0x3F9A] =	sst lr;
	_ =	strace $0xD0000000  }
0x3: {  	_ = 	snop  }
0x4: {  	_ = 	snop  }
0x5: {  	_ = 	snop  }
0x6: {  	_ = 	snop  }
0x7: {  	_ = 	snop  }
__scs_overlays_trampoline_lowered:
0x8: {  	[smem:$0x3FA9] =	sst s0  }
0x9: {  	[smem:$0x3FAA] =	sst s1  }
0xa: {  	[smem:$0x3FAB] =	sst s2  }
0xb: {  	[smem:$0x3FAC] =	sst s3  }
0xc: {  	[smem:$0x3FAD] =	sst s4  }
0xd: {  	[smem:$0x3FAE] =	sst s5  }
0xe: {  	[smem:$0x3FAF] =	sst s6  }
0xf: {  	[smem:$0x3FB0] =	sst s7  }
0x10: {  	[smem:$0x3FB1] =	sst s8  }
0x11: {  	[smem:$0x3FB2] =	sst s9;
	s0 =	simm.s32 @!p0 $0x0  }
0x12: {  	s1 =	sld [smem:$0x3F98];
	s0 =	simm.s32 @p0 $0x1  }
0x13: {  	[smem:$0x3FB3] =	sst s0;
	s0 =	simm.s32 @!p1 $0x0  }
0x14: {  	s2 =	sld [smem:$0x3F97];
	s0 =	simm.s32 @p1 $0x1  }
0x15: {  	[smem:$0x3FB4] =	sst s0;
	s0 =	simm.s32 @!p2 $0x0  }
0x16: {  	s3 =	sld [smem:$0x3FDB];
	s0 =	simm.s32 @p2 $0x1  }
0x17: {  	s4 =	simm.s32 $0x1BF5;
	[smem:$0x3FB6] =	sst s0  }
0x18: {  	s0 =	sld [smem:$0x3F99];
	_ =	swait.ge [sflag:s4], $0x0  }
0x19: {  	s7 =	sld [smem:$0x3F9A]  }
0x1a: {  	s8 =	sadd.s32 $0xFFFFE003, lr  }
0x1b: {  	s9 =	sadd.s32 $0xFFFFFEF7, lr;
	s5 =	simm.s32 $0xFFFFFFFF;
	p2 =	slt.u32 s8, $0xFFFFF086  }
0x1c: {  	p1 =	slt.u32 s9, $0xF7A;
	s5 =	simm.s32 @!p2 $0x0  }
0x1d: {  	s5 =	simm.s32 @p1 $0x1;
	p0 =	seq.s32 s7, s2  }
0x1e: {  	s7 =	smul.u32 @!p0 $0xF7A, s2;
	p2 =	seq.s32 @!p0 s5, $0x0  }
0x1f: {  	s9 =	smul.u32 $0xF7A, s1;
	s8 =	simm.s32 @!p0 $0x1BF5;
	p2 =	por !p2, p0  }
0x20: {  	[sflag:s8] =	ssyncset.s32 @!p0 $0xFFFFF086;
	s6 =	sadd.s32 @!p0 s3, s7;
	s7 =	simm.s32 @!p0 $0x108  }
0x21: {  	s3 =	sadd.s32 s3, s9;
	s6 =	sadd.s32 @!p0 $0x88, s6;
	s7 =	simm.s32 @p2 $0x1082  }
0x22: {  	[simem:s7], [sflag:s8] =	dma.local @!p0 [hbm:s6], $0xF7A  }
0x23: {  	s9 =	sor.u32 $0xD0000000, s2;
	s6 =	simm.s32 $0x108;
	_ =	swait.ge @!p0 [sflag:s8], $0x0  }
0x24: {  	s3 =	sadd.s32 $0x88, s3;
	s6 =	simm.s32 @!p1 $0x1082;
	[sflag:s4] =	ssyncset.s32 $0xFFFFF086  }
0x25: {  	[simem:s6], [sflag:s4] =	dma.local [hbm:s3], $0xF7A  }
0x26: {  	[smem:$0x3F9A] =	sst s1;
	(tag) =	ssettag s2;
	_ =	strace s9  }
0x27: {  	s1 =	sld [smem:$0x3FAA]  }
0x28: {  	s2 =	sld [smem:$0x3FAB]  }
0x29: {  	s4 =	sld [smem:$0x3FAD]  }
0x2a: {  	p0 =	seq.s32 s5, $0x0;
	s5 =	sld [smem:$0x3FAE]  }
0x2b: {  	s6 =	sld [smem:$0x3FAF]  }
0x2c: {  	s7 =	sld [smem:$0x3FB0]  }
0x2d: {  	s3 =	simm.s32 $0x108;
	s8 =	sld [smem:$0x3FB1]  }
0x2e: {  	s3 =	simm.s32 @!p0 $0x1082;
	s9 =	sld [smem:$0x3FB2]  }
0x2f: {  	lr =	sadd.s32 s0, s3;
	s0 =	sld [smem:$0x3FA9]  }
0x30: {  	s3 =	sld [smem:$0x3FAC]  }
0x31: {  	[smem:$0x3FB5] =	sst s10  }
0x32: {  	s10 =	sld [smem:$0x3FB3];
	_ =	sdelay $0x3  }
0x33: {  	p0 =	seq.s32 s10, $0x1;
	s10 =	sld [smem:$0x3FB5];
	_ =	sdelay $0x3  }
0x34: {  	[smem:$0x3FB5] =	sst s10  }
0x35: {  	s10 =	sld [smem:$0x3FB4];
	_ =	sdelay $0x3  }
0x36: {  	p1 =	seq.s32 s10, $0x1;
	s10 =	sld [smem:$0x3FB5];
	_ =	sdelay $0x3  }
0x37: {  	[smem:$0x3FB5] =	sst s10  }
0x38: {  	s10 =	sld [smem:$0x3FB6]  }
0x39: {  	_ = 	snop;
	(pc) =	sbr.ind lr, $3  }
0x3a: {  	_ = 	snop  }
0x3b: {  	_ = 	snop  }
0x3c: {  	p2 =	seq.s32 s10, $0x1;
	s10 =	sld [smem:$0x3FB5]  }
0x3d: {  	_ =	shalt  }
0x3e: {  	_ =	shalt  }
0x3f: {  	_ =	shalt  }
0x40: {  	_ =	shalt  }
0x41: {  	_ =	shalt  }
0x42: {  	_ =	shalt  }
0x43: {  	_ =	shalt  }
0x44: {  	_ =	shalt  }
0x45: {  	_ =	shalt  }
0x46: {  	_ =	shalt  }
0x47: {  	_ =	shalt  }
0x48: {  	_ =	shalt  }
0x49: {  	_ =	shalt  }
0x4a: {  	_ =	shalt  }
0x4b: {  	_ =	shalt  }
0x4c: {  	_ =	shalt  }
0x4d: {  	_ =	shalt  }
0x4e: {  	_ =	shalt  }
0x4f: {  	_ =	shalt  }
0x50: {  	_ =	shalt  }
0x51: {  	_ =	shalt  }
0x52: {  	_ =	shalt  }
0x53: {  	_ =	shalt  }
0x54: {  	_ =	shalt  }
0x55: {  	_ =	shalt  }
0x56: {  	_ =	shalt  }
0x57: {  	_ =	shalt  }
0x58: {  	_ =	shalt  }
0x59: {  	_ =	shalt  }
0x5a: {  	_ =	shalt  }
0x5b: {  	_ =	shalt  }
0x5c: {  	_ =	shalt  }
0x5d: {  	_ =	shalt  }
0x5e: {  	_ =	shalt  }
0x5f: {  	_ =	shalt  }
0x60: {  	_ =	shalt  }
0x61: {  	_ =	shalt  }
0x62: {  	_ =	shalt  }
0x63: {  	_ =	shalt  }
0x64: {  	_ =	shalt  }
0x65: {  	_ =	shalt  }
0x66: {  	_ =	shalt  }
0x67: {  	_ =	shalt  }
0x68: {  	_ =	shalt  }
0x69: {  	_ =	shalt  }
0x6a: {  	_ =	shalt  }
0x6b: {  	_ =	shalt  }
0x6c: {  	_ =	shalt  }
0x6d: {  	_ =	shalt  }
0x6e: {  	_ =	shalt  }
0x6f: {  	_ =	shalt  }
0x70: {  	_ =	shalt  }
0x71: {  	_ =	shalt  }
0x72: {  	_ =	shalt  }
0x73: {  	_ =	shalt  }
0x74: {  	_ =	shalt  }
0x75: {  	_ =	shalt  }
0x76: {  	_ =	shalt  }
0x77: {  	_ =	shalt  }
0x78: {  	_ =	shalt  }
0x79: {  	_ =	shalt  }
0x7a: {  	_ =	shalt  }
0x7b: {  	_ =	shalt  }
0x7c: {  	_ =	shalt  }
0x7d: {  	_ =	shalt  }
0x7e: {  	_ =	shalt  }
0x7f: {  	_ =	shalt  }
0x80: {  	_ =	shalt  }
0x81: {  	_ =	shalt  }
0x82: {  	_ =	shalt  }
0x83: {  	_ =	shalt  }
0x84: {  	_ =	shalt  }
0x85: {  	_ =	shalt  }
0x86: {  	_ =	shalt  }
0x87: {  	_ =	shalt  }
.Lfunc_end0:
.L_simem_size_0:
called_computation.1_lowered:
.L_overlay_start_0:
0x88: {  	s2 =	sld [smem:$0x3FD9]  }
0x89: {  	s3 =	sld [smem:$0x3FFE];
	_ =	sdelay $0x1  }
0x8a: {  	s1 =	srdreg.scid  }
0x8b: {  	s0 =	sand.u32 $0x1, s1  }
0x8c: {  	s16 =	sshll.u32 s0, $0xA;
	s2 =	sadd.s32 s3, s2  }
0x8d: {  	s2 =	sadd.s32 s2, s16  }
0x8e: {  	[smem:$0x3FC1] =	sst s2  }
0x8f: {  	_ = 	snop  }
0x90: {  	(tm) =	ssettm $0x1  }
0x91: {  	s17 =	sld [smem:$0x3FFB];
	_ =	sdelay $0x3  }
0x92: {  	_ =	strace s17  }
0x93: {  	s2 =	sld [smem:$0x3FFC];
	_ =	sdelay $0x3  }
0x94: {  	_ =	strace s2  }
0x95: {  	s2 =	sld [smem:$0x3FFD];
	_ =	sdelay $0x3  }
0x96: {  	_ =	strace s2  }
0x97: {  	_ =	strace $0x8FFFFFFF  }
0x98: {  	s18 =	sld [smem:$0x3FDB];
	_ =	sdelay $0x1  }
0x99: {  	s19 =	simm.s32 $_scs_section_size  }
0x9a: {  	s4 =	simm.s32 $_size__tile_overlayer_lowered;
	s5 =	simm.s32 $_tile_overlayer_lowered  }
0x9b: {  	s22 =	simm.s32 $0x1BFF;
	s21 =	sshll.u32 s5, $0x1;
	s2 =	sadd.s32 s19, s18  }
0x9c: {  	s6 =	simm.s32 $0x0;
	s20 =	sshll.u32 s4, $0x1;
	s4 =	sadd.s32 s21, s2  }
0x9d: {  	[timem:s6], [sflag:s22] =	dma.local [hbm:s4], s20  }
0x9e: {  	_ =	swait.ge [sflag:s22], s20  }
0x9f: {  	s3 =	ssub.s32 $0x0, s20;
	[sflag:s22] =	ssyncset.done $0x0  }
0xa0: {  	[sflag:s22] =	ssyncadd.s32 s3;
	_ =	sdelay $0x1  }
0xa1: {  	s23 =	simm.s32 $0x1B8B  }
0xa2: {  	_ =	swait.ge [sflag:s23], $0x1  }
0xa3: {  	[sflag:s23] =	ssyncset.done $0x0  }
0xa4: {  	s25 =	simm.s32 $0x1B8E;
	s24 =	sld [smem:$0x3FFE];
	[sflag:s23] =	ssyncadd.s32 $0xFFFFFFFF  }
0xa5: {  	s26 =	simm.s32 $execute0_lowered;
	[smem:$0x3FD2] =	sst s25  }
0xa6: {  	s4 =	sshll.u32 s26, $0x1;
	_ =	strace $0x80000049;
	[dreg:$0x1] =	wrdreg $0xFFFFFFFF  }
0xa7: {  	s28 =	simm.s32 $_size_execute0_lowered;
	s2 =	sadd.s32 s2, s4;
	[dreg:$0x0] =	wrdreg $0x0  }
0xa8: {  	s4 =	sshll.u32 s28, $0x1;
	[dreg:$0x2] =	wrdreg s2  }
0xa9: {  	[dreg:$0x3] =	wrdreg s4  }
0xaa: {  	[dreg:$0x4] =	wrdreg $0xC0  }
0xab: {  	_ =	task [dreg:s6], $0x5FFFF  }
0xac: {  	[dreg:$0x1] =	wrdreg $0xFFFFFFFF  }
0xad: {  	[dreg:$0x0] =	wrdreg $0x60  }
0xae: {  	[dreg:$0x2] =	wrdreg s24  }
0xaf: {  	[dreg:$0x3] =	wrdreg $0x1A4000  }
0xb0: {  	[dreg:$0x4] =	wrdreg $0x1CC000  }
0xb1: {  	[dreg:$0x5] =	wrdreg $0x9  }
0xb2: {  	_ =	task.clear_ibuf [dreg:s6], $0x6FFFF;
	_ =	strace $0x90000049  }
0xb3: {  	s29 =	simm.s32 $0x9;
	_ =	strace $0x8000004B  }
0xb4: {  	_ =	swait.ge [sflag:s29], $0x1  }
0xb5: {  	[sflag:s29] =	ssyncadd.s32 $0xFFFFFFFF  }
0xb6: {  	_ =	strace $0x9000004B  }
0xb7: {  	_ =	sfence  }
0xb8: {  	s30 =	sld [smem:$0x0];
	_ =	sdelay $0x2  }
0xb9: {  	s31 =	sshll.u32 s1, $0xD;
	s1 =	sshrl.u32 s1, $0x2  }
0xba: {  	s3 =	sand.u32 $0x4000, s31;
	s1 =	sadd.s32 s1, s30  }
0xbb: {  	s0 =	sor.u32 s3, s0;
	s1 =	sshll.u32 s1, $0x11  }
0xbc: {  	s0 =	sor.u32 s1, s0  }
0xbd: {  	s0 =	sadd.s32 $0x8F2B, s0  }
0xbe: {  	[sflag:s0] =	ssyncadd.remote.s32 $0x1  }
0xbf: {  	_ =	sfence.sel $0xFFFF  }
0xc0: {  	[dreg:$0x0] =	wrdreg $0xFFFFFFFF;
	(pc) =	sbr.abs _section_cstart, $3  }
0xc1: {  	[dreg:$0x1] =	wrdreg $0xFFFFFFFF  }
0xc2: {  	_ =	task.clear_ibuf [dreg:s6], $0x2FFFF;
	_ =	strace $0x9FFFFFFF  }
0xc3: {  	(tm) =	ssettm $0x7FFFFFFF  }
tec
execute0_lowered:
.L_overlay_start_1:
0x0: {  	(tag) =	ssettag $0x1  }
0x1: {  	s0 =	srdreg.scid;
	s1 =	rddreg [dreg:$0x0]  }
0x2: {  	s6 =	stileid.u32;
	s2 =	rddreg [dreg:$0x1];
	s13 =	simm.s32 $0x17C00  }
0x3: {  	s14 =	simm.s32 $0x3;
	s16 =	simm.s32 $0x80;
	s19 =	simm.s32 $0x100  }
0x4: {  	s20 =	simm.s32 $0x4C00;
	s21 =	simm.s32 $0x180;
	s22 =	simm.s32 $0x5400  }
0x5: {  	s23 =	simm.s32 $0x200;
	s24 =	simm.s32 $0x5C00;
	s25 =	simm.s32 $0x280  }
0x6: {  	s28 =	simm.s32 $0x1;
	s0 =	sand.u32 $0x1, s0;
	s7 =	smul.u32 $0x2800, s6  }
0x7: {  	s29 =	simm.s32 $0x2;
	s3 =	sshll.u32 s0, $0x4;
	s26 =	smul.u32 $0x28000, s0  }
0x8: {  	s0 =	ssub.s32 $0x2, s0;
	s4 =	sor.u32 s6, s3;
	s3 =	rddreg [dreg:$0x2]  }
0x9: {  	s31 =	sshrl.u32 s7, $0x3;
	s8 =	sshrl.u32 s0, $0x1;
	s5 =	smul.u32 $0x280, s4  }
0xa: {  	s4 =	simm.s32 $0x0;
	s30 =	sadd.s32 s7, s26;
	s6 =	sadd.s32 s31, s1  }
0xb: {  	s0 =	ssub.s32 s0, s8;
	s26 =	simm.s32 $0x6400;
	[smem:$0x7FF] =	sst s4  }
0xc: {  	s6 =	sadd.s32 $0xC000, s6;
	s10 =	sadd.s32 s5, s1;
	s5 =	sshrl.u32 s30, $0x3  }
0xd: {  	s12 =	smax.u32 s0, $0x1;
	_ =	strace $0x8000004A;
	s1 =	sadd.s32 s5, s1  }
0xe: {  	s5 =	sadd.s32 s7, s2;
	s7 =	sadd.s32 s7, s3;
	s8 =	sadd.s32 $0x16000, s10  }
0xf: {  	v0 =	vimm.f32 $0.0e+00;
	s9 =	sadd.s32 $0x7000, s10;
	s10 =	sadd.s32 $0x2000, s10;
	s11 =	sadd.s32 $0x1B000, s1  }
.LBB2_1:
0x10: {  	s0 =	simm.s32 $0x40;
	s1 =	simm.s32 $0x0  }
.LBB2_2:
0x11: {  	p0 =	sne.s32 s0, $0x9FC0;
	[tilespmem:s1+$0x17C00] =	vst v0;
	s1 =	smov.u32 s0;
	s0 =	sadd.s32 $0x40, s0  }
.Ltmp0:
0x12: {  	(pc) =	sbr.rel @p0 .LBB2_2-.Ltmp0, $2  }
0x13: {  	_ =	sdelay $0x2  }
0x14: {  	s1 =	sshra.s32 s1, $0x2  }
0x15: {  	[tilespmem:s1+$0x17C00] =	vst v0  }
0x16: {  	[spmem:s5] =	stream.linear.scatter [tilespmem:s13], [sflag:$0x3], $0x2800, $0x38;
	[tilespmem:$0x1F400] =	vst v63  }
0x17: {  	_ =	swait.ge [sflag:s14], $0x2800  }
0x18: {  	[sflag:s14] =	ssyncset.done $0x0  }
0x19: {  	s30 =	simm.s32 $0x0;
	[sflag:s14] =	ssyncadd.s32 $0xFFFFD800  }
0x1a: {  	[tilespmem:s13], [sflag:$0x3] =	stream.linear.gather [hbm4b:s6+s30], $0x2800, $0x38;
	[tilespmem:$0x1F400] =	vst v63  }
0x1b: {  	_ =	swait.ge [sflag:s14], $0x2800  }
0x1c: {  	[sflag:s14] =	ssyncset.done $0x0  }
0x1d: {  	[sflag:s14] =	ssyncadd.s32 $0xFFFFD800  }
0x1e: {  	[spmem:s7] =	stream.linear.scatter [tilespmem:s13], [sflag:$0x3], $0x2800, $0x38;
	[tilespmem:$0x1F400] =	vst v63  }
0x1f: {  	_ =	swait.ge [sflag:s14], $0x2800  }
0x20: {  	[sflag:s14] =	ssyncset.done $0x0  }
0x21: {  	[sflag:s14] =	ssyncadd.s32 $0xFFFFD800  }
0x22: {  	[tilespmem:s30], [sflag:$0x3] =	stream.linear.gather [hbm4b:s8+s30], $0x1400, $0x38;
	[tilespmem:$0x1F400] =	vst v63  }
0x23: {  	_ =	swait.ge [sflag:s14], $0x1400  }
0x24: {  	[sflag:s14] =	ssyncset.done $0x0  }
0x25: {  	s31 =	simm.s32 $0x2800;
	[sflag:s14] =	ssyncadd.s32 $0xFFFFEC00  }
0x26: {  	[tilespmem:s31], [sflag:$0x3] =	stream.linear.gather [hbm4b:s9+s30], $0x1400, $0x38;
	[tilespmem:$0x1F400] =	vst v63  }
0x27: {  	_ =	swait.ge [sflag:s14], $0x1400  }
0x28: {  	[sflag:s14] =	ssyncset.done $0x0  }
0x29: {  	s0 =	simm.s32 $0x1400;
	[sflag:s14] =	ssyncadd.s32 $0xFFFFEC00  }
0x2a: {  	[tilespmem:s0], [sflag:$0x3] =	stream.linear.gather [hbm4b:s10+s30], $0x1400, $0x38;
	[tilespmem:$0x1F400] =	vst v63  }
0x2b: {  	_ =	swait.ge [sflag:s14], $0x1400  }
0x2c: {  	[sflag:s14] =	ssyncset.done $0x0  }
0x2d: {  	[sflag:s14] =	ssyncadd.s32 $0xFFFFEC00  }
0x2e: {  	s17 =	simm.s32 $0x3C00;
	[bflag:$0x0] =	sbarrier.arrive $0xFFFF  }
0x2f: {  	[tilespmem:s17], [sflag:$0x1] =	stream.indirect.gather [spmem:s3], $0x10, s30, s16, $0xb8;
	[tilespmem:$0x1F400] =	vst v63  }
0x30: {  	s18 =	simm.s32 $0x4400  }
0x31: {  	[tilespmem:s18], [sflag:$0x1] =	stream.indirect.gather [spmem:s3], $0x10, s16, s16, $0xb8;
	[tilespmem:$0x1F400] =	vst v63  }
0x32: {  	_ = 	snop  }
0x33: {  	[tilespmem:s20], [sflag:$0x1] =	stream.indirect.gather [spmem:s3], $0x10, s19, s16, $0xb8;
	[tilespmem:$0x1F400] =	vst v63  }
0x34: {  	_ = 	snop  }
0x35: {  	[tilespmem:s22], [sflag:$0x1] =	stream.indirect.gather [spmem:s3], $0x10, s21, s16, $0xb8;
	[tilespmem:$0x1F400] =	vst v63  }
0x36: {  	_ = 	snop  }
0x37: {  	[tilespmem:s24], [sflag:$0x1] =	stream.indirect.gather [spmem:s3], $0x10, s23, s16, $0xb8;
	[tilespmem:$0x1F400] =	vst v63  }
0x38: {  	s0 =	simm.s32 $0x3C80  }
0x39: {  	[tilespmem:s26], [sflag:$0x1] =	stream.indirect.gather [spmem:s3], $0x10, s25, s16, $0xb8;
	[tilespmem:$0x1F400] =	vst v63  }
.LBB2_4:
0x3a: {  	p0 =	sgt.u32 s30, $0x21  }
0x3b: {  	s1 =	sadd.s32 @!p0 $0x6, s30  }
0x3c: {  	s15 =	sshll.u32 @!p0 s1, $0xB  }
0x3d: {  	s1 =	sshll.u32 @!p0 s1, $0x7;
	s15 =	sand.u32 @!p0 $0x3FFFF800, s15  }
0x3e: {  	v1 =	vmov s31;
	s17 =	simm.s32 @!p0 $0x80;
	s1 =	sand.u32 @!p0 $0x3FFFFF80, s1;
	s15 =	sadd.s32 @!p0 $0x3C00, s15  }
0x3f: {  	[tilespmem:s15], [sflag:$0x1] =	stream.indirect.gather @!p0 [spmem:s3], $0x10, s1, s17, $0xb8;
	[tilespmem:$0x1F400] =	vst v63  }
0x40: {  	_ =	swait.ge [sflag:s28], $0x800  }
0x41: {  	[sflag:s28] =	ssyncset.done $0x0  }
0x42: {  	s18 =	simm.s32 $0x0;
	[sflag:s28] =	ssyncadd.s32 $0xFFFFF800  }
0x43: {  	v2 =	vld.idx.msk [tilespmem:v1+s18+$0x0 ss:$0x1], $0xffff;
	_ =	sdelay $0x1  }
0x44: {  	v3 =	vld [tilespmem:s0+$0xFFFFFF80]  }
0x45: {  	v4 =	vld [tilespmem:s0+$0xFFFFFF90]  }
0x46: {  	v5 =	vld [tilespmem:s0+$0xFFFFFFA0]  }
0x47: {  	v6 =	vld [tilespmem:s0+$0xFFFFFFB0];
	v7 =	vbroadcast v2, $0x0  }
0x48: {  	v10 =	vld [tilespmem:s0+$0xFFFFFFD0];
	v8 =	vbroadcast v2, $0x1  }
0x49: {  	v46 =	vld [tilespmem:s0+$0xFFFFFFE0];
	v11 =	vbroadcast v2, $0x2;
	v3 =	vmul.f32 v7, v3  }
0x4a: {  	v9 =	vld [tilespmem:s0+$0xFFFFFFC0];
	v45 =	vbroadcast v2, $0x3;
	v4 =	vmul.f32 v4, v8  }
0x4b: {  	v49 =	vld [tilespmem:s0+$0x10];
	v47 =	vbroadcast v2, $0x5;
	v5 =	vmul.f32 v5, v11;
	[tilespmem:s0+$0xFFFFFF80] =	vst v3  }
0x4c: {  	v59 =	vld [tilespmem:s0+$0x60];
	v13 =	vbroadcast v2, $0x6;
	v6 =	vmul.f32 v6, v45;
	[tilespmem:s0+$0xFFFFFF90] =	vst v4  }
0x4d: {  	v12 =	vld [tilespmem:s0+$0xFFFFFFF0];
	v7 =	vmul.f32 v10, v47;
	v3 =	vbroadcast v2, $0x4;
	[tilespmem:s0+$0xFFFFFFA0] =	vst v5  }
0x4e: {  	v48 =	vld [tilespmem:s0+$0x0];
	v53 =	vbroadcast v2, $0x9;
	v8 =	vmul.f32 v46, v13;
	[tilespmem:s0+$0xFFFFFFB0] =	vst v6  }
0x4f: {  	v52 =	vld [tilespmem:s0+$0x30];
	v62 =	vbroadcast v2, $0xE;
	[tilespmem:s0+$0xFFFFFFD0] =	vst v7;
	v3 =	vmul.f32 v9, v3  }
0x50: {  	v55 =	vld [tilespmem:s0+$0x50];
	v50 =	vbroadcast v2, $0x7;
	v58 =	vmul.f32 v49, v53;
	[tilespmem:s0+$0xFFFFFFE0] =	vst v8  }
0x51: {  	v51 =	vld [tilespmem:s0+$0x20];
	v63 =	vmul.f32 v59, v62;
	[tilespmem:s0+$0xFFFFFFC0] =	vst v3;
	v3 =	vbroadcast v2, $0x8  }
0x52: {  	v54 =	vld [tilespmem:s0+$0x40];
	v57 =	vbroadcast v2, $0xB;
	v5 =	vmul.f32 v12, v50;
	[tilespmem:s0+$0x10] =	vst v58  }
0x53: {  	v60 =	vld [tilespmem:s0+$0x70];
	v61 =	vbroadcast v2, $0xD;
	[tilespmem:s0+$0x60] =	vst v63;
	v3 =	vmul.f32 v48, v3  }
0x54: {  	v56 =	vbroadcast v2, $0xA;
	v4 =	vmul.f32 v52, v57;
	[tilespmem:s0+$0xFFFFFFF0] =	vst v5  }
0x55: {  	v6 =	vmul.f32 v55, v61;
	[tilespmem:s0+$0x0] =	vst v3;
	v3 =	vbroadcast v2, $0xC  }
0x56: {  	v9 =	vmul.f32 v51, v56;
	[tilespmem:s0+$0x30] =	vst v4;
	v2 =	vbroadcast v2, $0xF  }
0x57: {  	[tilespmem:s0+$0x50] =	vst v6;
	v3 =	vmul.f32 v54, v3  }
0x58: {  	[tilespmem:s0+$0x20] =	vst v9;
	v2 =	vmul.f32 v60, v2  }
0x59: {  	s15 =	sshll.u32 s30, $0x7;
	[tilespmem:s0+$0x40] =	vst v3  }
0x5a: {  	s17 =	simm.s32 $0x80;
	s1 =	smov.u32 s0;
	s18 =	simm.s32 $0x10;
	[tilespmem:s0+$0x70] =	vst v2  }
.LBB2_5:
0x5b: {  	p0 =	sne.s32 s17, $0x1C0;
	v2 =	vld.idx.msk [tilespmem:v1+s18+$0x0 ss:$0x1], $0xffff;
	s1 =	sadd.s32 $0x100, s1  }
0x5c: {  	v3 =	vld [tilespmem:s1+$0xFFFFFFB0]  }
0x5d: {  	v4 =	vld [tilespmem:s1+$0xFFFFFF90]  }
0x5e: {  	v5 =	vld [tilespmem:s1+$0xFFFFFF80]  }
0x5f: {  	v6 =	vld [tilespmem:s1+$0xFFFFFFA0]  }
0x60: {  	v7 =	vld [tilespmem:s1+$0xFFFFFFF0]  }
0x61: {  	v8 =	vbroadcast v2, $0x0;
	v9 =	vbroadcast v2, $0x1;
	v10 =	vld [tilespmem:s1+$0xFFFFFFD0]  }
0x62: {  	v11 =	vbroadcast v2, $0x2;
	v12 =	vbroadcast v2, $0x3;
	v13 =	vld [tilespmem:s1+$0xFFFFFFC0]  }
0x63: {  	v4 =	vmul.f32 v4, v9;
	v5 =	vmul.f32 v8, v5;
	v8 =	vld [tilespmem:s1+$0xFFFFFFE0]  }
0x64: {  	v3 =	vmul.f32 v3, v12;
	v6 =	vmul.f32 v6, v11;
	v9 =	vld [tilespmem:s1+$0x30]  }
0x65: {  	v11 =	vbroadcast v2, $0x5;
	[tilespmem:s1+$0xFFFFFF80] =	vst v5;
	v5 =	vbroadcast v2, $0x4;
	v12 =	vld [tilespmem:s1+$0x10]  }
0x66: {  	v14 =	vbroadcast v2, $0x7;
	[tilespmem:s1+$0xFFFFFF90] =	vst v4;
	v4 =	vbroadcast v2, $0x6;
	v15 =	vld [tilespmem:s1+$0x0]  }
0x67: {  	[tilespmem:s1+$0xFFFFFFA0] =	vst v6;
	v5 =	vmul.f32 v13, v5;
	v6 =	vmul.f32 v10, v11;
	v10 =	vld [tilespmem:s1+$0x20]  }
0x68: {  	[tilespmem:s1+$0xFFFFFFB0] =	vst v3;
	v3 =	vmul.f32 v8, v4;
	v4 =	vmul.f32 v7, v14;
	v7 =	vld [tilespmem:s1+$0x70]  }
0x69: {  	v8 =	vbroadcast v2, $0x9;
	[tilespmem:s1+$0xFFFFFFC0] =	vst v5;
	v5 =	vbroadcast v2, $0x8;
	v11 =	vld [tilespmem:s1+$0x50]  }
0x6a: {  	v13 =	vbroadcast v2, $0xB;
	[tilespmem:s1+$0xFFFFFFD0] =	vst v6;
	v6 =	vbroadcast v2, $0xA;
	v14 =	vld [tilespmem:s1+$0x40]  }
0x6b: {  	[tilespmem:s1+$0xFFFFFFE0] =	vst v3;
	v3 =	vmul.f32 v15, v5;
	v5 =	vmul.f32 v12, v8;
	v8 =	vld [tilespmem:s1+$0x60]  }
0x6c: {  	[tilespmem:s1+$0xFFFFFFF0] =	vst v4;
	v4 =	vmul.f32 v10, v6;
	v6 =	vmul.f32 v9, v13  }
0x6d: {  	v9 =	vbroadcast v2, $0xD;
	[tilespmem:s1+$0x0] =	vst v3;
	v3 =	vbroadcast v2, $0xC  }
0x6e: {  	[tilespmem:s1+$0x10] =	vst v5;
	v5 =	vbroadcast v2, $0xE;
	v2 =	vbroadcast v2, $0xF  }
0x6f: {  	[tilespmem:s1+$0x20] =	vst v4;
	v3 =	vmul.f32 v14, v3;
	v4 =	vmul.f32 v11, v9  }
.Ltmp1:
0x70: {  	[tilespmem:s1+$0x30] =	vst v6;
	v5 =	vmul.f32 v8, v5;
	v2 =	vmul.f32 v7, v2;
	(pc) =	sbr.rel @p0 .LBB2_5-.Ltmp1, $4  }
0x71: {  	[tilespmem:s1+$0x40] =	vst v3  }
0x72: {  	[tilespmem:s1+$0x50] =	vst v4  }
0x73: {  	[tilespmem:s1+$0x60] =	vst v5  }
0x74: {  	s18 =	sshra.s32 s17, $0x2;
	s17 =	sadd.s32 $0x40, s17;
	[tilespmem:s1+$0x70] =	vst v2  }
0x75: {  	_ =	sdelay $0x3  }
0x76: {  	v1 =	vld.idx.msk [tilespmem:v1+s18+$0x0 ss:$0x1], $0xffff  }
0x77: {  	s1 =	sadd.s32 $0x100, s1  }
0x78: {  	v2 =	vld [tilespmem:s1+$0xFFFFFF80]  }
0x79: {  	v3 =	vld [tilespmem:s1+$0xFFFFFF90]  }
0x7a: {  	v4 =	vld [tilespmem:s1+$0xFFFFFFA0]  }
0x7b: {  	v5 =	vld [tilespmem:s1+$0xFFFFFFB0];
	v6 =	vbroadcast v1, $0x0  }
0x7c: {  	v9 =	vld [tilespmem:s1+$0xFFFFFFD0];
	v7 =	vbroadcast v1, $0x1  }
0x7d: {  	v8 =	vld [tilespmem:s1+$0xFFFFFFC0];
	v10 =	vbroadcast v1, $0x2;
	v2 =	vmul.f32 v6, v2  }
0x7e: {  	v49 =	vld [tilespmem:s1+$0xFFFFFFE0];
	v48 =	vbroadcast v1, $0x3;
	v3 =	vmul.f32 v3, v7  }
0x7f: {  	v51 =	vld [tilespmem:s1+$0x10];
	v50 =	vbroadcast v1, $0x5;
	v4 =	vmul.f32 v4, v10;
	[tilespmem:s1+$0xFFFFFF80] =	vst v2  }
0x80: {  	v11 =	vld [tilespmem:s1+$0xFFFFFFF0];
	v5 =	vmul.f32 v5, v48;
	v2 =	vbroadcast v1, $0x4;
	[tilespmem:s1+$0xFFFFFF90] =	vst v3  }
0x81: {  	v12 =	vbroadcast v1, $0x6;
	v6 =	vmul.f32 v9, v50;
	v3 =	vld [tilespmem:s1+$0x0];
	[tilespmem:s1+$0xFFFFFFA0] =	vst v4  }
0x82: {  	v57 =	vld [tilespmem:s1+$0x50];
	v55 =	vbroadcast v1, $0x9;
	[tilespmem:s1+$0xFFFFFFB0] =	vst v5;
	v2 =	vmul.f32 v8, v2  }
0x83: {  	v53 =	vld [tilespmem:s1+$0x20];
	v52 =	vbroadcast v1, $0x7;
	v7 =	vmul.f32 v49, v12;
	[tilespmem:s1+$0xFFFFFFD0] =	vst v6  }
0x84: {  	v54 =	vld [tilespmem:s1+$0x30];
	v59 =	vmul.f32 v51, v55;
	[tilespmem:s1+$0xFFFFFFC0] =	vst v2;
	v2 =	vbroadcast v1, $0x8  }
0x85: {  	v56 =	vld [tilespmem:s1+$0x40];
	v62 =	vbroadcast v1, $0xD;
	v4 =	vmul.f32 v11, v52;
	[tilespmem:s1+$0xFFFFFFE0] =	vst v7  }
0x86: {  	v60 =	vld [tilespmem:s1+$0x60];
	v58 =	vbroadcast v1, $0xA;
	[tilespmem:s1+$0x10] =	vst v59;
	v2 =	vmul.f32 v3, v2  }
0x87: {  	v61 =	vld [tilespmem:s1+$0x70];
	v5 =	vmul.f32 v57, v62;
	[tilespmem:s1+$0xFFFFFFF0] =	vst v4;
	v3 =	vbroadcast v1, $0xB  }
0x88: {  	v8 =	vmul.f32 v53, v58;
	[tilespmem:s1+$0x0] =	vst v2;
	v2 =	vbroadcast v1, $0xC  }
0x89: {  	v63 =	vbroadcast v1, $0xE;
	[tilespmem:s1+$0x50] =	vst v5;
	v3 =	vmul.f32 v54, v3  }
0x8a: {  	[tilespmem:s1+$0x20] =	vst v8;
	v1 =	vbroadcast v1, $0xF;
	v2 =	vmul.f32 v56, v2  }
0x8b: {  	[tilespmem:s1+$0x30] =	vst v3;
	v3 =	vmul.f32 v60, v63  }
0x8c: {  	s17 =	sshll.u32 s30, $0xB;
	p0 =	slt.u32 s30, $0x6;
	s30 =	sadd.s32 $0x1, s30;
	v1 =	vmul.f32 v61, v1;
	[tilespmem:s1+$0x40] =	vst v2  }
0x8d: {  	s15 =	sadd.s32 $0x1400, s15;
	s17 =	sand.u32 $0x3FFFF800, s17;
	p1 =	sne.s32 s30, $0x28;
	[tilespmem:s1+$0x60] =	vst v3  }
.Ltmp2:
0x8e: {  	s18 =	sadd.s32 $0x3C00, s17;
	[tilespmem:s1+$0x70] =	vst v1;
	s1 =	simm.s32 @!p0 $0x2;
	(pc) =	sbr.rel @p1 .LBB2_4-.Ltmp2, $4  }
0x8f: {  	[spmem:s2] =	stream.indirect.scatter.add.f32 [tilespmem:s18], [sflag:$0x2], $0x10, s15, s16, $0xb8;
	[tilespmem:$0x1F400] =	vst v63  }
0x90: {  	_ =	swait.ge @!p0 [sflag:s1], $0x800  }
0x91: {  	[sflag:s1] =	ssyncset.done @!p0 $0x0  }
0x92: {  	s31 =	sadd.s32 $0x80, s31;
	s0 =	sadd.s32 $0x800, s0;
	[sflag:s1] =	ssyncadd.s32 @!p0 $0xFFFFF800  }
0x93: {  	_ =	swait.ge [sflag:s29], $0x800  }
0x94: {  	[sflag:s29] =	ssyncset.done $0x0  }
0x95: {  	[sflag:s29] =	ssyncadd.s32 $0xFFFFF800  }
0x96: {  	_ =	swait.ge [sflag:s29], $0x800  }
0x97: {  	[sflag:s29] =	ssyncset.done $0x0  }
0x98: {  	[sflag:s29] =	ssyncadd.s32 $0xFFFFF800  }
0x99: {  	_ =	swait.ge [sflag:s29], $0x800  }
0x9a: {  	[sflag:s29] =	ssyncset.done $0x0  }
0x9b: {  	[sflag:s29] =	ssyncadd.s32 $0xFFFFF800  }
0x9c: {  	_ =	swait.ge [sflag:s29], $0x800  }
0x9d: {  	[sflag:s29] =	ssyncset.done $0x0  }
0x9e: {  	[sflag:s29] =	ssyncadd.s32 $0xFFFFF800  }
0x9f: {  	_ =	swait.ge [sflag:s29], $0x800  }
0xa0: {  	[sflag:s29] =	ssyncset.done $0x0  }
0xa1: {  	[sflag:s29] =	ssyncadd.s32 $0xFFFFF800  }
0xa2: {  	s0 =	stileid.u32;
	_ =	swait.ge [sflag:s29], $0x800  }
0xa3: {  	s1 =	sshrl.u32 s5, $0x3;
	s4 =	sadd.s32 $0x1, s4;
	[sflag:s29] =	ssyncset.done $0x0  }
0xa4: {  	s0 =	sshll.u32 s0, $0x6;
	p0 =	sne.s32 s4, s12;
	[sflag:s29] =	ssyncadd.s32 $0xFFFFF800  }
.Ltmp3:
0xa5: {  	s0 =	sor.u32 $0x1C03, s0;
	[bflag:$0x0] =	sbarrier.arrive $0xFFFF;
	(pc) =	sbr.rel @p0 .LBB2_1-.Ltmp3, $4  }
0xa6: {  	[hbm:s11], [sflag:s0] =	dma.local [spmem:s1], $0x500  }
0xa7: {  	_ =	swait.ge [sflag:s14], $0x500  }
0xa8: {  	[sflag:s14] =	ssyncset.done $0x0  }
0xa9: {  	[sflag:s14] =	ssyncadd.s32 $0xFFFFFB00  }
0xaa: {  	_ =	sfence.sel $0x180000  }
0xab: {  	[bflag:$0x0] =	sbarrier.arrive $0xFFFF  }
0xac: {  	_ =	strace $0x9000004A  }
0xad: {  	s0 =	stileid.u32;
	[bflag:$0x2] =	sbarrier.arrive $0xFFFF  }
0xae: {  	p0 =	sne.s32 s0, $0x0;
	s0 =	rddreg [dreg:$0x3]  }
0xaf: {  	s0 =	sadd.s32 @!p0 $0x100000, s0  }
0xb0: {  	[sflag:s0] =	ssyncadd.tile.s32 @!p0 $0x1;
	_ =	shalt  }
.Lfunc_end2:
_tile_overlayer_lowered:
.L_overlay_start_2:
0xb1: {  	(tag) =	ssettag $0x2  }
0xb2: {  	s0 =	rddreg [dreg:$0x0];
	s2 =	stileid.u32  }
0xb3: {  	s1 =	rddreg [dreg:$0x1];
	p0 =	sne.s32 s2, $0x0  }
0xb4: {  	s3 =	rddreg [dreg:$0x2];
	[bflag:$0x3] =	sbarrier.arrive $0xFFFF;
	s2 =	simm.s32 @!p0 $0x1C03  }
0xb5: {  	[timem:s3], [sflag:s2] =	dma.local @!p0 [hbm:s0], s1  }
0xb6: {  	s0 =	simm.s32 @!p0 $0x3  }
0xb7: {  	_ =	swait.ge @!p0 [sflag:s0], s1  }
0xb8: {  	s1 =	ssub.s32 @!p0 $0x0, s1;
	[sflag:s0] =	ssyncset.done @!p0 $0x0  }
0xb9: {  	[sflag:s0] =	ssyncadd.s32 @!p0 s1  }
0xba: {  	[bflag:$0x3] =	sbarrier.arrive $0xFFFF  }
0xbb: {  	_ =	shalt  }

// kernel: kernel.14.cloned.1.call-start
scs
__scs_entry_jumppad:
0x0: {  	(pc) =	sbr.rel $0x88, $3  }
0x1: {  	(tag) =	ssettag $0x0;
	lr =	simm.s32 $0x1  }
0x2: {  	[smem:$0x3F9A] =	sst lr;
	_ =	strace $0xD0000000  }
0x3: {  	_ = 	snop  }
0x4: {  	_ = 	snop  }
0x5: {  	_ = 	snop  }
0x6: {  	_ = 	snop  }
0x7: {  	_ = 	snop  }
__scs_overlays_trampoline_lowered:
0x8: {  	[smem:$0x3FA9] =	sst s0  }
0x9: {  	[smem:$0x3FAA] =	sst s1  }
0xa: {  	[smem:$0x3FAB] =	sst s2  }
0xb: {  	[smem:$0x3FAC] =	sst s3  }
0xc: {  	[smem:$0x3FAD] =	sst s4  }
0xd: {  	[smem:$0x3FAE] =	sst s5  }
0xe: {  	[smem:$0x3FAF] =	sst s6  }
0xf: {  	[smem:$0x3FB0] =	sst s7  }
0x10: {  	[smem:$0x3FB1] =	sst s8  }
0x11: {  	[smem:$0x3FB2] =	sst s9;
	s0 =	simm.s32 @!p0 $0x0  }
0x12: {  	s1 =	sld [smem:$0x3F98];
	s0 =	simm.s32 @p0 $0x1  }
0x13: {  	[smem:$0x3FB3] =	sst s0;
	s0 =	simm.s32 @!p1 $0x0  }
0x14: {  	s2 =	sld [smem:$0x3F97];
	s0 =	simm.s32 @p1 $0x1  }
0x15: {  	[smem:$0x3FB4] =	sst s0;
	s0 =	simm.s32 @!p2 $0x0  }
0x16: {  	s3 =	sld [smem:$0x3FDB];
	s0 =	simm.s32 @p2 $0x1  }
0x17: {  	s4 =	simm.s32 $0x1BF5;
	[smem:$0x3FB6] =	sst s0  }
0x18: {  	s0 =	sld [smem:$0x3F99];
	_ =	swait.ge [sflag:s4], $0x0  }
0x19: {  	s7 =	sld [smem:$0x3F9A]  }
0x1a: {  	s8 =	sadd.s32 $0xFFFFE003, lr  }
0x1b: {  	s9 =	sadd.s32 $0xFFFFFEF7, lr;
	s5 =	simm.s32 $0xFFFFFFFF;
	p2 =	slt.u32 s8, $0xFFFFF086  }
0x1c: {  	p1 =	slt.u32 s9, $0xF7A;
	s5 =	simm.s32 @!p2 $0x0  }
0x1d: {  	s5 =	simm.s32 @p1 $0x1;
	p0 =	seq.s32 s7, s2  }
0x1e: {  	s7 =	smul.u32 @!p0 $0xF7A, s2;
	p2 =	seq.s32 @!p0 s5, $0x0  }
0x1f: {  	s9 =	smul.u32 $0xF7A, s1;
	s8 =	simm.s32 @!p0 $0x1BF5;
	p2 =	por !p2, p0  }
0x20: {  	[sflag:s8] =	ssyncset.s32 @!p0 $0xFFFFF086;
	s6 =	sadd.s32 @!p0 s3, s7;
	s7 =	simm.s32 @!p0 $0x108  }
0x21: {  	s3 =	sadd.s32 s3, s9;
	s6 =	sadd.s32 @!p0 $0x88, s6;
	s7 =	simm.s32 @p2 $0x1082  }
0x22: {  	[simem:s7], [sflag:s8] =	dma.local @!p0 [hbm:s6], $0xF7A  }
0x23: {  	s9 =	sor.u32 $0xD0000000, s2;
	s6 =	simm.s32 $0x108;
	_ =	swait.ge @!p0 [sflag:s8], $0x0  }
0x24: {  	s3 =	sadd.s32 $0x88, s3;
	s6 =	simm.s32 @!p1 $0x1082;
	[sflag:s4] =	ssyncset.s32 $0xFFFFF086  }
0x25: {  	[simem:s6], [sflag:s4] =	dma.local [hbm:s3], $0xF7A  }
0x26: {  	[smem:$0x3F9A] =	sst s1;
	(tag) =	ssettag s2;
	_ =	strace s9  }
0x27: {  	s1 =	sld [smem:$0x3FAA]  }
0x28: {  	s2 =	sld [smem:$0x3FAB]  }
0x29: {  	s4 =	sld [smem:$0x3FAD]  }
0x2a: {  	p0 =	seq.s32 s5, $0x0;
	s5 =	sld [smem:$0x3FAE]  }
0x2b: {  	s6 =	sld [smem:$0x3FAF]  }
0x2c: {  	s7 =	sld [smem:$0x3FB0]  }
0x2d: {  	s3 =	simm.s32 $0x108;
	s8 =	sld [smem:$0x3FB1]  }
0x2e: {  	s3 =	simm.s32 @!p0 $0x1082;
	s9 =	sld [smem:$0x3FB2]  }
0x2f: {  	lr =	sadd.s32 s0, s3;
	s0 =	sld [smem:$0x3FA9]  }
0x30: {  	s3 =	sld [smem:$0x3FAC]  }
0x31: {  	[smem:$0x3FB5] =	sst s10  }
0x32: {  	s10 =	sld [smem:$0x3FB3];
	_ =	sdelay $0x3  }
0x33: {  	p0 =	seq.s32 s10, $0x1;
	s10 =	sld [smem:$0x3FB5];
	_ =	sdelay $0x3  }
0x34: {  	[smem:$0x3FB5] =	sst s10  }
0x35: {  	s10 =	sld [smem:$0x3FB4];
	_ =	sdelay $0x3  }
0x36: {  	p1 =	seq.s32 s10, $0x1;
	s10 =	sld [smem:$0x3FB5];
	_ =	sdelay $0x3  }
0x37: {  	[smem:$0x3FB5] =	sst s10  }
0x38: {  	s10 =	sld [smem:$0x3FB6]  }
0x39: {  	_ = 	snop;
	(pc) =	sbr.ind lr, $3  }
0x3a: {  	_ = 	snop  }
0x3b: {  	_ = 	snop  }
0x3c: {  	p2 =	seq.s32 s10, $0x1;
	s10 =	sld [smem:$0x3FB5]  }
0x3d: {  	_ =	shalt  }
0x3e: {  	_ =	shalt  }
0x3f: {  	_ =	shalt  }
0x40: {  	_ =	shalt  }
0x41: {  	_ =	shalt  }
0x42: {  	_ =	shalt  }
0x43: {  	_ =	shalt  }
0x44: {  	_ =	shalt  }
0x45: {  	_ =	shalt  }
0x46: {  	_ =	shalt  }
0x47: {  	_ =	shalt  }
0x48: {  	_ =	shalt  }
0x49: {  	_ =	shalt  }
0x4a: {  	_ =	shalt  }
0x4b: {  	_ =	shalt  }
0x4c: {  	_ =	shalt  }
0x4d: {  	_ =	shalt  }
0x4e: {  	_ =	shalt  }
0x4f: {  	_ =	shalt  }
0x50: {  	_ =	shalt  }
0x51: {  	_ =	shalt  }
0x52: {  	_ =	shalt  }
0x53: {  	_ =	shalt  }
0x54: {  	_ =	shalt  }
0x55: {  	_ =	shalt  }
0x56: {  	_ =	shalt  }
0x57: {  	_ =	shalt  }
0x58: {  	_ =	shalt  }
0x59: {  	_ =	shalt  }
0x5a: {  	_ =	shalt  }
0x5b: {  	_ =	shalt  }
0x5c: {  	_ =	shalt  }
0x5d: {  	_ =	shalt  }
0x5e: {  	_ =	shalt  }
0x5f: {  	_ =	shalt  }
0x60: {  	_ =	shalt  }
0x61: {  	_ =	shalt  }
0x62: {  	_ =	shalt  }
0x63: {  	_ =	shalt  }
0x64: {  	_ =	shalt  }
0x65: {  	_ =	shalt  }
0x66: {  	_ =	shalt  }
0x67: {  	_ =	shalt  }
0x68: {  	_ =	shalt  }
0x69: {  	_ =	shalt  }
0x6a: {  	_ =	shalt  }
0x6b: {  	_ =	shalt  }
0x6c: {  	_ =	shalt  }
0x6d: {  	_ =	shalt  }
0x6e: {  	_ =	shalt  }
0x6f: {  	_ =	shalt  }
0x70: {  	_ =	shalt  }
0x71: {  	_ =	shalt  }
0x72: {  	_ =	shalt  }
0x73: {  	_ =	shalt  }
0x74: {  	_ =	shalt  }
0x75: {  	_ =	shalt  }
0x76: {  	_ =	shalt  }
0x77: {  	_ =	shalt  }
0x78: {  	_ =	shalt  }
0x79: {  	_ =	shalt  }
0x7a: {  	_ =	shalt  }
0x7b: {  	_ =	shalt  }
0x7c: {  	_ =	shalt  }
0x7d: {  	_ =	shalt  }
0x7e: {  	_ =	shalt  }
0x7f: {  	_ =	shalt  }
0x80: {  	_ =	shalt  }
0x81: {  	_ =	shalt  }
0x82: {  	_ =	shalt  }
0x83: {  	_ =	shalt  }
0x84: {  	_ =	shalt  }
0x85: {  	_ =	shalt  }
0x86: {  	_ =	shalt  }
0x87: {  	_ =	shalt  }
.Lfunc_end0:
.L_simem_size_0:
called_computation.2_lowered:
.L_overlay_start_0:
0x88: {  	s2 =	sld [smem:$0x3FD9]  }
0x89: {  	s3 =	sld [smem:$0x3FFE];
	_ =	sdelay $0x1  }
0x8a: {  	s1 =	srdreg.scid  }
0x8b: {  	s0 =	sand.u32 $0x1, s1  }
0x8c: {  	s17 =	sshll.u32 s0, $0xA;
	s2 =	sadd.s32 s3, s2  }
0x8d: {  	s2 =	sadd.s32 s2, s17  }
0x8e: {  	[smem:$0x3FC1] =	sst s2  }
0x8f: {  	_ = 	snop  }
0x90: {  	s2 =	sld [smem:$0x3FC5];
	(tm) =	ssettm $0x1  }
0x91: {  	s18 =	sld [smem:$0x3FFB];
	_ =	sdelay $0x3  }
0x92: {  	_ =	strace s18  }
0x93: {  	s3 =	sld [smem:$0x3FFC];
	_ =	sdelay $0x3  }
0x94: {  	_ =	strace s3  }
0x95: {  	s3 =	sld [smem:$0x3FFD];
	_ =	sdelay $0x3  }
0x96: {  	_ =	strace s3  }
0x97: {  	_ =	strace $0x8FFFFFFF  }
0x98: {  	s19 =	sld [smem:$0x3FDB];
	_ =	sdelay $0x1  }
0x99: {  	s4 =	simm.s32 $_scs_section_size  }
0x9a: {  	s5 =	simm.s32 $_size__tile_overlayer_lowered;
	s6 =	simm.s32 $_tile_overlayer_lowered  }
0x9b: {  	s22 =	simm.s32 $0x1BFF;
	s21 =	sshll.u32 s6, $0x1;
	s3 =	sadd.s32 s4, s19  }
0x9c: {  	s7 =	simm.s32 $0x0;
	s20 =	sshll.u32 s5, $0x1;
	s5 =	sadd.s32 s21, s3  }
0x9d: {  	[timem:s7], [sflag:s22] =	dma.local [hbm:s5], s20  }
0x9e: {  	_ =	swait.ge [sflag:s22], s20  }
0x9f: {  	s4 =	ssub.s32 $0x0, s20;
	[sflag:s22] =	ssyncset.done $0x0  }
0xa0: {  	[sflag:s22] =	ssyncadd.s32 s4;
	_ =	sdelay $0x1  }
0xa1: {  	s23 =	simm.s32 $0x1B8B  }
0xa2: {  	_ =	swait.ge [sflag:s23], $0x1  }
0xa3: {  	[sflag:s23] =	ssyncset.done $0x0  }
0xa4: {  	s25 =	simm.s32 $0x1B8E;
	s24 =	sld [smem:$0x3FFE];
	[sflag:s23] =	ssyncadd.s32 $0xFFFFFFFF  }
0xa5: {  	s26 =	simm.s32 $execute0_lowered;
	[smem:$0x3FD2] =	sst s25  }
0xa6: {  	s5 =	sshll.u32 s26, $0x1;
	_ =	strace $0x8000004C;
	[dreg:$0x1] =	wrdreg $0xFFFFFFFF  }
0xa7: {  	s28 =	simm.s32 $_size_execute0_lowered;
	s3 =	sadd.s32 s3, s5;
	[dreg:$0x0] =	wrdreg $0x0  }
0xa8: {  	s5 =	sshll.u32 s28, $0x1;
	[dreg:$0x2] =	wrdreg s3  }
0xa9: {  	[dreg:$0x3] =	wrdreg s5  }
0xaa: {  	[dreg:$0x4] =	wrdreg $0xC0  }
0xab: {  	_ =	task [dreg:s7], $0x5FFFF  }
0xac: {  	[dreg:$0x1] =	wrdreg $0xFFFFFFFF  }
0xad: {  	[dreg:$0x0] =	wrdreg $0x60  }
0xae: {  	[dreg:$0x2] =	wrdreg s24  }
0xaf: {  	[dreg:$0x3] =	wrdreg s2  }
0xb0: {  	[dreg:$0x4] =	wrdreg $0x10C100  }
0xb1: {  	[dreg:$0x5] =	wrdreg $0x134100  }
0xb2: {  	[dreg:$0x6] =	wrdreg $0x9  }
0xb3: {  	_ =	task.clear_ibuf [dreg:s7], $0x7FFFF;
	_ =	strace $0x9000004C  }
0xb4: {  	s29 =	simm.s32 $0x9;
	_ =	strace $0x8000004E  }
0xb5: {  	_ =	swait.ge [sflag:s29], $0x1  }
0xb6: {  	[sflag:s29] =	ssyncadd.s32 $0xFFFFFFFF  }
0xb7: {  	_ =	strace $0x9000004E  }
0xb8: {  	_ =	sfence  }
0xb9: {  	s30 =	sld [smem:$0x0];
	_ =	sdelay $0x2  }
0xba: {  	s31 =	sshll.u32 s1, $0xD;
	s1 =	sshrl.u32 s1, $0x2  }
0xbb: {  	s3 =	sand.u32 $0x4000, s31;
	s1 =	sadd.s32 s1, s30  }
0xbc: {  	s0 =	sor.u32 s3, s0;
	s1 =	sshll.u32 s1, $0x11  }
0xbd: {  	s0 =	sor.u32 s1, s0  }
0xbe: {  	s0 =	sadd.s32 $0x8F2B, s0  }
0xbf: {  	[sflag:s0] =	ssyncadd.remote.s32 $0x1  }
0xc0: {  	_ =	sfence.sel $0xFFFF  }
0xc1: {  	[dreg:$0x0] =	wrdreg $0xFFFFFFFF;
	(pc) =	sbr.abs _section_cstart, $3  }
0xc2: {  	[dreg:$0x1] =	wrdreg $0xFFFFFFFF  }
0xc3: {  	_ =	task.clear_ibuf [dreg:s7], $0x2FFFF;
	_ =	strace $0x9FFFFFFF  }
0xc4: {  	(tm) =	ssettm $0x7FFFFFFF  }
0xc5: {  	_ =	shalt  }
tec
execute0_lowered:
.L_overlay_start_1:
0x0: {  	(tag) =	ssettag $0x1  }
0x1: {  	s0 =	srdreg.scid;
	s1 =	rddreg [dreg:$0x0]  }
0x2: {  	s6 =	stileid.u32;
	s3 =	rddreg [dreg:$0x2]  }
0x3: {  	s4 =	rddreg [dreg:$0x3];
	s5 =	simm.s32 $0x0;
	s18 =	simm.s32 $0x3  }
0x4: {  	s20 =	simm.s32 $0xE400;
	s21 =	simm.s32 $0x4;
	s22 =	simm.s32 $0xEC00  }
0x5: {  	s23 =	simm.s32 $0xF400;
	s24 =	simm.s32 $0xFC00;
	s25 =	simm.s32 $0x10400  }
0x6: {  	s28 =	simm.s32 $0x80;
	s30 =	simm.s32 $0x1;
	s31 =	simm.s32 $0x2  }
0x7: {  	s0 =	sand.u32 $0x1, s0;
	[smem:$0x7FF] =	sst s5;
	s7 =	sadd.s32 $0x1B000, s1  }
0x8: {  	s8 =	sadd.s32 $0xC000, s1;
	s2 =	sshll.u32 s0, $0x4;
	s9 =	smul.u32 $0x28000, s0  }
0x9: {  	s11 =	ssub.s32 $0x2, s0;
	s2 =	sor.u32 s6, s2;
	s6 =	smul.u32 $0x2800, s6  }
0xa: {  	_ =	strace $0x8000004D;
	p0 =	sne.s32 s0, $0x0;
	s12 =	sshrl.u32 s11, $0x1  }
0xb: {  	s2 =	smul.u32 $0x280, s2;
	s26 =	ssub.s32 s11, s12;
	s10 =	sadd.s32 s6, s9  }
0xc: {  	s9 =	sadd.s32 $0x11000, s1;
	s11 =	sadd.s32 s6, s3;
	s10 =	sshrl.u32 s10, $0x3  }
0xd: {  	s16 =	smax.u32 s26, $0x1;
	s2 =	sadd.s32 s2, s1;
	s15 =	sadd.s32 s10, s1  }
0xe: {  	s10 =	sadd.s32 $0x2F000, s1;
	s29 =	sadd.s32 $0x16000, s2;
	s13 =	sadd.s32 $0x7000, s2  }
0xf: {  	v0 =	vimm.f32 $0.0e+00;
	s14 =	sadd.s32 $0x2000, s2;
	[dreg:$0x5] =	wrdreg s29;
	s15 =	sadd.s32 $0x25000, s15  }
.LBB2_1:
0x10: {  	s0 =	simm.s32 $0x40;
	s1 =	simm.s32 $0x0  }
.LBB2_2:
0x11: {  	p1 =	sne.s32 s0, $0x9FC0;
	[tilespmem:s1+$0xBC00] =	vst v0;
	s1 =	smov.u32 s0;
	s0 =	sadd.s32 $0x40, s0  }
.Ltmp0:
0x12: {  	(pc) =	sbr.rel @p1 .LBB2_2-.Ltmp0, $2  }
0x13: {  	_ =	sdelay $0x2  }
0x14: {  	s1 =	sshra.s32 s1, $0x2  }
0x15: {  	[tilespmem:s1+$0xBC00] =	vst v0;
	s0 =	simm.s32 $0xBC00  }
0x16: {  	[spmem:s11] =	stream.linear.scatter [tilespmem:s0], [sflag:$0x3], $0x2800, $0x38;
	[tilespmem:$0x15C10] =	vst v63  }
0x17: {  	_ =	swait.ge [sflag:s18], $0x2800  }
0x18: {  	[sflag:s18] =	ssyncset.done $0x0  }
0x19: {  	[sflag:s18] =	ssyncadd.s32 $0xFFFFD800  }
0x1a: {  	s2 =	simm.s32 $0x10C00;
	s0 =	simm.s32 $0x0;
	s29 =	rddreg [dreg:$0x1]  }
0x1b: {  	[tilespmem:s2], [sflag:$0x3] =	stream.linear.gather [hbm4b:s29+s0], $0x10, $0x38;
	[tilespmem:$0x15C10] =	vst v63  }
0x1c: {  	_ =	swait.ge [sflag:s18], $0x10  }
0x1d: {  	[sflag:s18] =	ssyncset.done $0x0  }
0x1e: {  	s1 =	simm.s32 $0x0;
	[sflag:s18] =	ssyncadd.s32 $0xFFFFFFF0  }
.LBB2_4:
0x1f: {  	s2 =	sshll.u32 s1, $0xB  }
0x20: {  	s17 =	sadd.s32 s6, s2  }
0x21: {  	s2 =	sshrl.u32 s17, $0x3  }
0x22: {  	s12 =	sadd.s32 s7, s2  }
0x23: {  	[tilespmem:s20], [sflag:$0x4] =	stream.linear.gather [hbm4b:s12+s0], $0x800, $0x38;
	[tilespmem:$0x15C10] =	vst v63  }
0x24: {  	_ =	swait.ge [sflag:s21], $0x800  }
0x25: {  	[sflag:s21] =	ssyncset.done $0x0  }
0x26: {  	s12 =	sadd.s32 $0x5000, s12;
	[sflag:s21] =	ssyncadd.s32 $0xFFFFF800  }
0x27: {  	[tilespmem:s22], [sflag:$0x4] =	stream.linear.gather [hbm4b:s12+s0], $0x800, $0x38;
	[tilespmem:$0x15C10] =	vst v63  }
0x28: {  	_ =	swait.ge [sflag:s21], $0x800  }
0x29: {  	[sflag:s21] =	ssyncset.done $0x0  }
0x2a: {  	s19 =	sadd.s32 s8, s2;
	[sflag:s21] =	ssyncadd.s32 $0xFFFFF800  }
0x2b: {  	[tilespmem:s23], [sflag:$0x4] =	stream.linear.gather [hbm4b:s19+s0], $0x800, $0x38;
	[tilespmem:$0x15C10] =	vst v63  }
0x2c: {  	_ =	swait.ge [sflag:s21], $0x800  }
0x2d: {  	[sflag:s21] =	ssyncset.done $0x0  }
0x2e: {  	s26 =	sadd.s32 s9, s2;
	[sflag:s21] =	ssyncadd.s32 $0xFFFFF800  }
0x2f: {  	[tilespmem:s24], [sflag:$0x4] =	stream.linear.gather [hbm4b:s26+s0], $0x800, $0x38;
	[tilespmem:$0x15C10] =	vst v63  }
0x30: {  	_ =	swait.ge [sflag:s21], $0x800  }
0x31: {  	[sflag:s21] =	ssyncset.done $0x0  }
0x32: {  	s19 =	simm.s32 $0x0;
	[sflag:s21] =	ssyncadd.s32 $0xFFFFF800  }
0x33: {  	v1 =	vld [tilespmem:s19+$0xE400]  }
0x34: {  	v2 =	vld [tilespmem:s19+$0xEC00];
	_ =	sdelay $0x1  }
0x35: {  	v3 =	vld [tilespmem:s19+$0xF400]  }
0x36: {  	s26 =	simm.s32 $0x10;
	v6 =	vld [tilespmem:s19+$0xFC00]  }
0x37: {  	v4 =	vld [tilespmem:s26+$0xE400]  }
0x38: {  	v5 =	vld [tilespmem:s26+$0xEC00];
	v2 =	vadd.f32 v2, v1  }
0x39: {  	v1 =	vld [tilespmem:$0x10C00]  }
0x3a: {  	v7 =	vld [tilespmem:s26+$0xF400];
	v2 =	vadd.f32 v3, v2;
	_ =	sdelay $0x1  }
0x3b: {  	v3 =	vmul.f32 v2, v6  }
0x3c: {  	v4 =	vadd.f32 v5, v4;
	v2 =	vld [tilespmem:s26+$0xFC00]  }
0x3d: {  	s29 =	simm.s32 $0x20;
	v5 =	vadd.f32 v3, v1  }
0x3e: {  	v8 =	vadd.f32 v7, v4;
	v4 =	vld [tilespmem:s29+$0xEC00]  }
0x3f: {  	v3 =	vld [tilespmem:s29+$0xE400];
	v7 =	vmax.f32 v5, $0.0e+00  }
0x40: {  	v7 =	vmul.f32 v7, v6  }
0x41: {  	s12 =	simm.s32 $0xC0;
	v5 =	vld [tilespmem:s29+$0xF400];
	v6 =	vmul.f32 v8, v2  }
.LBB2_5:
0x42: {  	v8 =	vld [tilespmem:s29+$0xFC00];
	[tilespmem:s19+$0x10400] =	vst v7;
	s19 =	smov.u32 s26  }
0x43: {  	s26 =	smov.u32 s29;
	s29 =	sshra.s32 s12, $0x2;
	p1 =	sne.s32 s12, $0x1FC0  }
.Ltmp1:
0x44: {  	s12 =	sadd.s32 $0x40, s12;
	v7 =	vadd.f32 v4, v3;
	v3 =	vld [tilespmem:s29+$0xE400];
	v6 =	vadd.f32 v6, v1;
	(pc) =	sbr.rel @p1 .LBB2_5-.Ltmp1, $4  }
0x45: {  	v4 =	vld [tilespmem:s29+$0xEC00]  }
0x46: {  	v9 =	vadd.f32 v5, v7;
	v6 =	vmax.f32 v6, $0.0e+00  }
0x47: {  	v5 =	vld [tilespmem:s29+$0xF400];
	v7 =	vmul.f32 v6, v2  }
0x48: {  	v6 =	vmul.f32 v9, v8;
	v2 =	vmov v8  }
0x49: {  	v8 =	vld [tilespmem:s29+$0xFC00]  }
0x4a: {  	v3 =	vadd.f32 v4, v3;
	_ =	sdelay $0x1  }
0x4b: {  	v3 =	vadd.f32 v5, v3;
	_ =	sdelay $0x1  }
0x4c: {  	v3 =	vmul.f32 v3, v8  }
0x4d: {  	v63 =	vadd.f32 v6, v1  }
0x4e: {  	v1 =	vadd.f32 v3, v1  }
0x4f: {  	v3 =	vmax.f32 v63, $0.0e+00  }
0x50: {  	v2 =	vmul.f32 v3, v2;
	v1 =	vmax.f32 v1, $0.0e+00  }
0x51: {  	[tilespmem:s19+$0x10400] =	vst v7;
	v1 =	vmul.f32 v1, v8  }
0x52: {  	[tilespmem:s26+$0x10400] =	vst v2  }
0x53: {  	s12 =	sadd.s32 s17, s4;
	[tilespmem:s29+$0x10400] =	vst v1  }
0x54: {  	[spmem:s12] =	stream.linear.scatter [tilespmem:s25], [sflag:$0x4], $0x800, $0x38;
	[tilespmem:$0x15C10] =	vst v63  }
0x55: {  	s2 =	sadd.s32 @!p0 s10, s2;
	_ =	swait.ge [sflag:s21], $0x800  }
0x56: {  	s17 =	simm.s32 @!p0 $0x10400;
	s1 =	sadd.s32 $0x1, s1;
	[sflag:s21] =	ssyncset.done $0x0  }
0x57: {  	p1 =	sne.s32 s1, $0x5;
	s12 =	simm.s32 @!p0 $0x0;
	[sflag:s21] =	ssyncadd.s32 $0xFFFFF800  }
0x58: {  	[hbm4b:s2+s12] =	stream.linear.scatter @!p0 [tilespmem:s17], [sflag:$0x3], $0x800, $0x38;
	[tilespmem:$0x15C10] =	vst v63  }
.Ltmp2:
0x59: {  	_ = 	snop;
	(pc) =	sbr.rel @p1 .LBB2_4-.Ltmp2, $4  }
0x5a: {  	s2 =	simm.s32 @!p0 $0x3  }
0x5b: {  	_ =	swait.ge @!p0 [sflag:s2], $0x800  }
0x5c: {  	[sflag:s2] =	ssyncset.done @!p0 $0x0  }
0x5d: {  	[sflag:s2] =	ssyncadd.s32 @!p0 $0xFFFFF800  }
0x5e: {  	s2 =	simm.s32 $0x0;
	s0 =	rddreg [dreg:$0x5]  }
0x5f: {  	[tilespmem:s2], [sflag:$0x3] =	stream.linear.gather [hbm4b:s0+s2], $0x1400, $0x38;
	[tilespmem:$0x15C10] =	vst v63  }
0x60: {  	_ =	swait.ge [sflag:s18], $0x1400  }
0x61: {  	[sflag:s18] =	ssyncset.done $0x0  }
0x62: {  	s1 =	simm.s32 $0x2800;
	[sflag:s18] =	ssyncadd.s32 $0xFFFFEC00  }
0x63: {  	[tilespmem:s1], [sflag:$0x3] =	stream.linear.gather [hbm4b:s13+s2], $0x1400, $0x38;
	[tilespmem:$0x15C10] =	vst v63  }
0x64: {  	_ =	swait.ge [sflag:s18], $0x1400  }
0x65: {  	[sflag:s18] =	ssyncset.done $0x0  }
0x66: {  	s29 =	simm.s32 $0x1400;
	[sflag:s18] =	ssyncadd.s32 $0xFFFFEC00  }
0x67: {  	[tilespmem:s29], [sflag:$0x3] =	stream.linear.gather [hbm4b:s14+s2], $0x1400, $0x38;
	[tilespmem:$0x15C10] =	vst v63  }
0x68: {  	_ =	swait.ge [sflag:s18], $0x1400  }
0x69: {  	[sflag:s18] =	ssyncset.done $0x0  }
0x6a: {  	[sflag:s18] =	ssyncadd.s32 $0xFFFFEC00  }
0x6b: {  	s12 =	simm.s32 $0x3C00;
	[bflag:$0x0] =	sbarrier.arrive $0xFFFF  }
0x6c: {  	[tilespmem:s12], [sflag:$0x1] =	stream.indirect.gather [spmem:s4], $0x10, s2, s28, $0xb8;
	[tilespmem:$0x15C10] =	vst v63  }
0x6d: {  	s17 =	simm.s32 $0x4400  }
0x6e: {  	[tilespmem:s17], [sflag:$0x1] =	stream.indirect.gather [spmem:s4], $0x10, s28, s28, $0xb8;
	[tilespmem:$0x15C10] =	vst v63  }
0x6f: {  	s19 =	simm.s32 $0x100;
	s12 =	simm.s32 $0x4C00  }
0x70: {  	[tilespmem:s12], [sflag:$0x1] =	stream.indirect.gather [spmem:s4], $0x10, s19, s28, $0xb8;
	[tilespmem:$0x15C10] =	vst v63  }
0x71: {  	s26 =	simm.s32 $0x180;
	s29 =	simm.s32 $0x5400  }
0x72: {  	[tilespmem:s29], [sflag:$0x1] =	stream.indirect.gather [spmem:s4], $0x10, s26, s28, $0xb8;
	[tilespmem:$0x15C10] =	vst v63  }
0x73: {  	s17 =	simm.s32 $0x200;
	s19 =	simm.s32 $0x5C00  }
0x74: {  	[tilespmem:s19], [sflag:$0x1] =	stream.indirect.gather [spmem:s4], $0x10, s17, s28, $0xb8;
	[tilespmem:$0x15C10] =	vst v63  }
0x75: {  	s26 =	simm.s32 $0x280;
	s29 =	simm.s32 $0x6400;
	s17 =	simm.s32 $0x0  }
0x76: {  	[tilespmem:s29], [sflag:$0x1] =	stream.indirect.gather [spmem:s4], $0x10, s26, s28, $0xb8;
	[tilespmem:$0x15C10] =	vst v63  }
.LBB2_8:
0x77: {  	p1 =	sgt.u32 s17, $0x21  }
0x78: {  	s0 =	sadd.s32 @!p1 $0x6, s17  }
0x79: {  	s12 =	sshll.u32 @!p1 s0, $0xB  }
0x7a: {  	s0 =	sshll.u32 @!p1 s0, $0x7;
	s12 =	sand.u32 @!p1 $0x7800, s12  }
0x7b: {  	v1 =	vmov s1;
	s19 =	simm.s32 @!p1 $0x80;
	s0 =	sand.u32 @!p1 $0x3FFFFF80, s0;
	s12 =	sadd.s32 @!p1 $0x3C00, s12  }
0x7c: {  	[tilespmem:s12], [sflag:$0x1] =	stream.indirect.gather @!p1 [spmem:s4], $0x10, s0, s19, $0xb8;
	[tilespmem:$0x15C10] =	vst v63  }
0x7d: {  	_ =	swait.ge [sflag:s30], $0x800  }
0x7e: {  	[sflag:s30] =	ssyncset.done $0x0  }
0x7f: {  	s26 =	simm.s32 $0x0;
	s19 =	sand.u32 $0xF, s2;
	[sflag:s30] =	ssyncadd.s32 $0xFFFFF800  }
0x80: {  	s0 =	sshll.u32 s19, $0xB;
	v2 =	vld.idx.msk [tilespmem:v1+s26+$0x0 ss:$0x1], $0xffff  }
0x81: {  	s26 =	sadd.s32 $0x3C80, s0  }
0x82: {  	v3 =	vld [tilespmem:s26+$0xFFFFFF80]  }
0x83: {  	v4 =	vld [tilespmem:s26+$0xFFFFFF90]  }
0x84: {  	v5 =	vld [tilespmem:s26+$0xFFFFFFA0]  }
0x85: {  	v6 =	vld [tilespmem:s26+$0xFFFFFFB0];
	v7 =	vbroadcast v2, $0x0  }
0x86: {  	v10 =	vld [tilespmem:s26+$0xFFFFFFD0];
	v8 =	vbroadcast v2, $0x1  }
0x87: {  	v46 =	vld [tilespmem:s26+$0xFFFFFFE0];
	v11 =	vbroadcast v2, $0x2;
	v3 =	vmul.f32 v7, v3  }
0x88: {  	v9 =	vld [tilespmem:s26+$0xFFFFFFC0];
	v45 =	vbroadcast v2, $0x3;
	v4 =	vmul.f32 v4, v8  }
0x89: {  	v49 =	vld [tilespmem:s26+$0x10];
	v47 =	vbroadcast v2, $0x5;
	v5 =	vmul.f32 v5, v11;
	[tilespmem:s26+$0xFFFFFF80] =	vst v3  }
0x8a: {  	v59 =	vld [tilespmem:s26+$0x60];
	v13 =	vbroadcast v2, $0x6;
	v6 =	vmul.f32 v6, v45;
	[tilespmem:s26+$0xFFFFFF90] =	vst v4  }
0x8b: {  	v12 =	vld [tilespmem:s26+$0xFFFFFFF0];
	v7 =	vmul.f32 v10, v47;
	v3 =	vbroadcast v2, $0x4;
	[tilespmem:s26+$0xFFFFFFA0] =	vst v5  }
0x8c: {  	v48 =	vld [tilespmem:s26+$0x0];
	v53 =	vbroadcast v2, $0x9;
	v8 =	vmul.f32 v46, v13;
	[tilespmem:s26+$0xFFFFFFB0] =	vst v6  }
0x8d: {  	v52 =	vld [tilespmem:s26+$0x30];
	v62 =	vbroadcast v2, $0xE;
	[tilespmem:s26+$0xFFFFFFD0] =	vst v7;
	v3 =	vmul.f32 v9, v3  }
0x8e: {  	v55 =	vld [tilespmem:s26+$0x50];
	v50 =	vbroadcast v2, $0x7;
	v58 =	vmul.f32 v49, v53;
	[tilespmem:s26+$0xFFFFFFE0] =	vst v8  }
0x8f: {  	v51 =	vld [tilespmem:s26+$0x20];
	v63 =	vmul.f32 v59, v62;
	[tilespmem:s26+$0xFFFFFFC0] =	vst v3;
	v3 =	vbroadcast v2, $0x8  }
0x90: {  	v54 =	vld [tilespmem:s26+$0x40];
	v57 =	vbroadcast v2, $0xB;
	v5 =	vmul.f32 v12, v50;
	[tilespmem:s26+$0x10] =	vst v58  }
0x91: {  	v60 =	vld [tilespmem:s26+$0x70];
	v61 =	vbroadcast v2, $0xD;
	[tilespmem:s26+$0x60] =	vst v63;
	v3 =	vmul.f32 v48, v3  }
0x92: {  	v56 =	vbroadcast v2, $0xA;
	v4 =	vmul.f32 v52, v57;
	[tilespmem:s26+$0xFFFFFFF0] =	vst v5  }
0x93: {  	v6 =	vmul.f32 v55, v61;
	[tilespmem:s26+$0x0] =	vst v3;
	v3 =	vbroadcast v2, $0xC  }
0x94: {  	v9 =	vmul.f32 v51, v56;
	[tilespmem:s26+$0x30] =	vst v4;
	v2 =	vbroadcast v2, $0xF  }
0x95: {  	[tilespmem:s26+$0x50] =	vst v6;
	v3 =	vmul.f32 v54, v3  }
0x96: {  	[tilespmem:s26+$0x20] =	vst v9;
	v2 =	vmul.f32 v60, v2  }
0x97: {  	s29 =	simm.s32 $0x80;
	s19 =	sshll.u32 s17, $0x7;
	[tilespmem:s26+$0x40] =	vst v3  }
0x98: {  	s12 =	simm.s32 $0x10;
	s19 =	sand.u32 $0x780, s19;
	s0 =	sshll.u32 s17, $0x9;
	[tilespmem:s26+$0x70] =	vst v2  }
.LBB2_9:
0x99: {  	p1 =	sne.s32 s29, $0x1C0;
	v2 =	vld.idx.msk [tilespmem:v1+s12+$0x0 ss:$0x1], $0xffff;
	s26 =	sadd.s32 $0x100, s26  }
0x9a: {  	v3 =	vld [tilespmem:s26+$0xFFFFFFB0]  }
0x9b: {  	v4 =	vld [tilespmem:s26+$0xFFFFFF90]  }
0x9c: {  	v5 =	vld [tilespmem:s26+$0xFFFFFF80]  }
0x9d: {  	v6 =	vld [tilespmem:s26+$0xFFFFFFA0]  }
0x9e: {  	v7 =	vld [tilespmem:s26+$0xFFFFFFF0]  }
0x9f: {  	v8 =	vbroadcast v2, $0x0;
	v9 =	vbroadcast v2, $0x1;
	v10 =	vld [tilespmem:s26+$0xFFFFFFD0]  }
0xa0: {  	v11 =	vbroadcast v2, $0x2;
	v12 =	vbroadcast v2, $0x3;
	v13 =	vld [tilespmem:s26+$0xFFFFFFC0]  }
0xa1: {  	v4 =	vmul.f32 v4, v9;
	v5 =	vmul.f32 v8, v5;
	v8 =	vld [tilespmem:s26+$0xFFFFFFE0]  }
0xa2: {  	v3 =	vmul.f32 v3, v12;
	v6 =	vmul.f32 v6, v11;
	v9 =	vld [tilespmem:s26+$0x30]  }
0xa3: {  	v11 =	vbroadcast v2, $0x5;
	[tilespmem:s26+$0xFFFFFF80] =	vst v5;
	v5 =	vbroadcast v2, $0x4;
	v12 =	vld [tilespmem:s26+$0x10]  }
0xa4: {  	v14 =	vbroadcast v2, $0x7;
	[tilespmem:s26+$0xFFFFFF90] =	vst v4;
	v4 =	vbroadcast v2, $0x6;
	v15 =	vld [tilespmem:s26+$0x0]  }
0xa5: {  	[tilespmem:s26+$0xFFFFFFA0] =	vst v6;
	v5 =	vmul.f32 v13, v5;
	v6 =	vmul.f32 v10, v11;
	v10 =	vld [tilespmem:s26+$0x20]  }
0xa6: {  	[tilespmem:s26+$0xFFFFFFB0] =	vst v3;
	v3 =	vmul.f32 v8, v4;
	v4 =	vmul.f32 v7, v14;
	v7 =	vld [tilespmem:s26+$0x70]  }
0xa7: {  	v8 =	vbroadcast v2, $0x9;
	[tilespmem:s26+$0xFFFFFFC0] =	vst v5;
	v5 =	vbroadcast v2, $0x8;
	v11 =	vld [tilespmem:s26+$0x50]  }
0xa8: {  	v13 =	vbroadcast v2, $0xB;
	[tilespmem:s26+$0xFFFFFFD0] =	vst v6;
	v6 =	vbroadcast v2, $0xA;
	v14 =	vld [tilespmem:s26+$0x40]  }
0xa9: {  	[tilespmem:s26+$0xFFFFFFE0] =	vst v3;
	v3 =	vmul.f32 v15, v5;
	v5 =	vmul.f32 v12, v8;
	v8 =	vld [tilespmem:s26+$0x60]  }
0xaa: {  	[tilespmem:s26+$0xFFFFFFF0] =	vst v4;
	v4 =	vmul.f32 v10, v6;
	v6 =	vmul.f32 v9, v13  }
0xab: {  	v9 =	vbroadcast v2, $0xD;
	[tilespmem:s26+$0x0] =	vst v3;
	v3 =	vbroadcast v2, $0xC  }
0xac: {  	[tilespmem:s26+$0x10] =	vst v5;
	v5 =	vbroadcast v2, $0xE;
	v2 =	vbroadcast v2, $0xF  }
0xad: {  	[tilespmem:s26+$0x20] =	vst v4;
	v3 =	vmul.f32 v14, v3;
	v4 =	vmul.f32 v11, v9  }
.Ltmp3:
0xae: {  	[tilespmem:s26+$0x30] =	vst v6;
	v5 =	vmul.f32 v8, v5;
	v2 =	vmul.f32 v7, v2;
	(pc) =	sbr.rel @p1 .LBB2_9-.Ltmp3, $4  }
0xaf: {  	[tilespmem:s26+$0x40] =	vst v3  }
0xb0: {  	[tilespmem:s26+$0x50] =	vst v4  }
0xb1: {  	[tilespmem:s26+$0x60] =	vst v5  }
0xb2: {  	s12 =	sshra.s32 s29, $0x2;
	s29 =	sadd.s32 $0x40, s29;
	[tilespmem:s26+$0x70] =	vst v2  }
0xb3: {  	_ =	sdelay $0x3  }
0xb4: {  	v1 =	vld.idx.msk [tilespmem:v1+s12+$0x0 ss:$0x1], $0xffff  }
0xb5: {  	s26 =	sadd.s32 $0x100, s26  }
0xb6: {  	v2 =	vld [tilespmem:s26+$0xFFFFFF80]  }
0xb7: {  	v3 =	vld [tilespmem:s26+$0xFFFFFF90]  }
0xb8: {  	v4 =	vld [tilespmem:s26+$0xFFFFFFA0]  }
0xb9: {  	v5 =	vld [tilespmem:s26+$0xFFFFFFB0];
	v6 =	vbroadcast v1, $0x0  }
0xba: {  	v9 =	vld [tilespmem:s26+$0xFFFFFFD0];
	v7 =	vbroadcast v1, $0x1  }
0xbb: {  	v8 =	vld [tilespmem:s26+$0xFFFFFFC0];
	v10 =	vbroadcast v1, $0x2;
	v2 =	vmul.f32 v6, v2  }
0xbc: {  	v49 =	vld [tilespmem:s26+$0xFFFFFFE0];
	v48 =	vbroadcast v1, $0x3;
	v3 =	vmul.f32 v3, v7  }
0xbd: {  	v51 =	vld [tilespmem:s26+$0x10];
	v50 =	vbroadcast v1, $0x5;
	v4 =	vmul.f32 v4, v10;
	[tilespmem:s26+$0xFFFFFF80] =	vst v2  }
0xbe: {  	v11 =	vld [tilespmem:s26+$0xFFFFFFF0];
	v5 =	vmul.f32 v5, v48;
	v2 =	vbroadcast v1, $0x4;
	[tilespmem:s26+$0xFFFFFF90] =	vst v3  }
0xbf: {  	v12 =	vbroadcast v1, $0x6;
	v6 =	vmul.f32 v9, v50;
	v3 =	vld [tilespmem:s26+$0x0];
	[tilespmem:s26+$0xFFFFFFA0] =	vst v4  }
0xc0: {  	v57 =	vld [tilespmem:s26+$0x50];
	v55 =	vbroadcast v1, $0x9;
	[tilespmem:s26+$0xFFFFFFB0] =	vst v5;
	v2 =	vmul.f32 v8, v2  }
0xc1: {  	v53 =	vld [tilespmem:s26+$0x20];
	v52 =	vbroadcast v1, $0x7;
	v7 =	vmul.f32 v49, v12;
	[tilespmem:s26+$0xFFFFFFD0] =	vst v6  }
0xc2: {  	v54 =	vld [tilespmem:s26+$0x30];
	v59 =	vmul.f32 v51, v55;
	[tilespmem:s26+$0xFFFFFFC0] =	vst v2;
	v2 =	vbroadcast v1, $0x8  }
0xc3: {  	v56 =	vld [tilespmem:s26+$0x40];
	v62 =	vbroadcast v1, $0xD;
	v4 =	vmul.f32 v11, v52;
	[tilespmem:s26+$0xFFFFFFE0] =	vst v7  }
0xc4: {  	v60 =	vld [tilespmem:s26+$0x60];
	v58 =	vbroadcast v1, $0xA;
	[tilespmem:s26+$0x10] =	vst v59;
	v2 =	vmul.f32 v3, v2  }
0xc5: {  	v61 =	vld [tilespmem:s26+$0x70];
	v5 =	vmul.f32 v57, v62;
	[tilespmem:s26+$0xFFFFFFF0] =	vst v4;
	v3 =	vbroadcast v1, $0xB  }
0xc6: {  	v8 =	vmul.f32 v53, v58;
	[tilespmem:s26+$0x0] =	vst v2;
	v2 =	vbroadcast v1, $0xC  }
0xc7: {  	v63 =	vbroadcast v1, $0xE;
	[tilespmem:s26+$0x50] =	vst v5;
	v3 =	vmul.f32 v54, v3  }
0xc8: {  	[tilespmem:s26+$0x20] =	vst v8;
	v1 =	vbroadcast v1, $0xF;
	v2 =	vmul.f32 v56, v2  }
0xc9: {  	[tilespmem:s26+$0x30] =	vst v3;
	v3 =	vmul.f32 v60, v63  }
0xca: {  	s29 =	sshll.u32 s19, $0x4;
	v1 =	vmul.f32 v61, v1;
	[tilespmem:s26+$0x40] =	vst v2  }
0xcb: {  	s0 =	sshrl.u32 s0, $0x2;
	p1 =	slt.u32 s17, $0x6;
	s17 =	sadd.s32 $0x1, s17;
	[tilespmem:s26+$0x60] =	vst v3  }
0xcc: {  	s12 =	sadd.s32 $0x3C00, s29;
	s0 =	sadd.s32 $0x1400, s0;
	p2 =	sne.s32 s17, $0x28;
	[tilespmem:s26+$0x70] =	vst v1  }
0xcd: {  	[spmem:s3] =	stream.indirect.scatter.add.f32 [tilespmem:s12], [sflag:$0x2], $0x10, s0, s28, $0xb8;
	[tilespmem:$0x15C10] =	vst v63  }
.Ltmp4:
0xce: {  	_ = 	snop;
	(pc) =	sbr.rel @p2 .LBB2_8-.Ltmp4, $4  }
0xcf: {  	s0 =	simm.s32 @!p1 $0x2  }
0xd0: {  	_ =	swait.ge @!p1 [sflag:s0], $0x800  }
0xd1: {  	[sflag:s0] =	ssyncset.done @!p1 $0x0  }
0xd2: {  	s1 =	sadd.s32 $0x80, s1;
	s2 =	sadd.s32 $0x1, s2;
	[sflag:s0] =	ssyncadd.s32 @!p1 $0xFFFFF800  }
0xd3: {  	_ =	swait.ge [sflag:s31], $0x800  }
0xd4: {  	[sflag:s31] =	ssyncset.done $0x0  }
0xd5: {  	[sflag:s31] =	ssyncadd.s32 $0xFFFFF800  }
0xd6: {  	_ =	swait.ge [sflag:s31], $0x800  }
0xd7: {  	[sflag:s31] =	ssyncset.done $0x0  }
0xd8: {  	[sflag:s31] =	ssyncadd.s32 $0xFFFFF800  }
0xd9: {  	_ =	swait.ge [sflag:s31], $0x800  }
0xda: {  	[sflag:s31] =	ssyncset.done $0x0  }
0xdb: {  	[sflag:s31] =	ssyncadd.s32 $0xFFFFF800  }
0xdc: {  	_ =	swait.ge [sflag:s31], $0x800  }
0xdd: {  	[sflag:s31] =	ssyncset.done $0x0  }
0xde: {  	[sflag:s31] =	ssyncadd.s32 $0xFFFFF800  }
0xdf: {  	_ =	swait.ge [sflag:s31], $0x800  }
0xe0: {  	[sflag:s31] =	ssyncset.done $0x0  }
0xe1: {  	[sflag:s31] =	ssyncadd.s32 $0xFFFFF800  }
0xe2: {  	s0 =	stileid.u32;
	_ =	swait.ge [sflag:s31], $0x800  }
0xe3: {  	s1 =	sshrl.u32 s11, $0x3;
	s5 =	sadd.s32 $0x1, s5;
	[sflag:s31] =	ssyncset.done $0x0  }
0xe4: {  	s0 =	sshll.u32 s0, $0x6;
	p1 =	sne.s32 s5, s16;
	[sflag:s31] =	ssyncadd.s32 $0xFFFFF800  }
.Ltmp5:
0xe5: {  	s0 =	sor.u32 $0x1C03, s0;
	[bflag:$0x0] =	sbarrier.arrive $0xFFFF;
	(pc) =	sbr.rel @p1 .LBB2_1-.Ltmp5, $4  }
0xe6: {  	[hbm:s15], [sflag:s0] =	dma.local [spmem:s1], $0x500  }
0xe7: {  	_ =	swait.ge [sflag:s18], $0x500  }
0xe8: {  	[sflag:s18] =	ssyncset.done $0x0  }
0xe9: {  	[sflag:s18] =	ssyncadd.s32 $0xFFFFFB00  }
0xea: {  	_ =	sfence.sel $0x180000  }
0xeb: {  	[bflag:$0x0] =	sbarrier.arrive $0xFFFF  }
0xec: {  	_ =	strace $0x9000004D  }
0xed: {  	s0 =	stileid.u32;
	[bflag:$0x2] =	sbarrier.arrive $0xFFFF  }
0xee: {  	p0 =	sne.s32 s0, $0x0;
	s0 =	rddreg [dreg:$0x4]  }
0xef: {  	s0 =	sadd.s32 @!p0 $0x100000, s0  }
0xf0: {  	[sflag:s0] =	ssyncadd.tile.s32 @!p0 $0x1;
	_ =	shalt  }
.Lfunc_end2:
_tile_overlayer_lowered:
.L_overlay_start_2:
0xf1: {  	(tag) =	ssettag $0x2  }
0xf2: {  	s0 =	rddreg [dreg:$0x0];
	s2 =	stileid.u32  }
0xf3: {  	s1 =	rddreg [dreg:$0x1];
	p0 =	sne.s32 s2, $0x0  }
0xf4: {  	s3 =	rddreg [dreg:$0x2];
	[bflag:$0x3] =	sbarrier.arrive $0xFFFF;
	s2 =	simm.s32 @!p0 $0x1C03  }
0xf5: {  	[timem:s3], [sflag:s2] =	dma.local @!p0 [hbm:s0], s1  }
0xf6: {  	s0 =	simm.s32 @!p0 $0x3  }
0xf7: {  	_ =	swait.ge @!p0 [sflag:s0], s1  }
0xf8: {  	s1 =	ssub.s32 @!p0 $0x0, s1;
	[sflag:s0] =	ssyncset.done @!p0 $0x0  }
0xf9: {  	[sflag:s0] =	ssyncadd.s32 @!p0 s1  }
0xfa: {  	[bflag:$0x3] =	sbarrier.arrive $0xFFFF  }
0xfb: {  	_ =	shalt  }

// kernel: kernel.8.cloned.1.call-start
scs
__scs_entry_jumppad:
0x0: {  	(pc) =	sbr.rel $0x88, $3  }
0x1: {  	(tag) =	ssettag $0x0;
	lr =	simm.s32 $0x1  }
0x2: {  	[smem:$0x3F9A] =	sst lr;
	_ =	strace $0xD0000000  }
0x3: {  	_ = 	snop  }
0x4: {  	_ = 	snop  }
0x5: {  	_ = 	snop  }
0x6: {  	_ = 	snop  }
0x7: {  	_ = 	snop  }
__scs_overlays_trampoline_lowered:
0x8: {  	[smem:$0x3FA9] =	sst s0  }
0x9: {  	[smem:$0x3FAA] =	sst s1  }
0xa: {  	[smem:$0x3FAB] =	sst s2  }
0xb: {  	[smem:$0x3FAC] =	sst s3  }
0xc: {  	[smem:$0x3FAD] =	sst s4  }
0xd: {  	[smem:$0x3FAE] =	sst s5  }
0xe: {  	[smem:$0x3FAF] =	sst s6  }
0xf: {  	[smem:$0x3FB0] =	sst s7  }
0x10: {  	[smem:$0x3FB1] =	sst s8  }
0x11: {  	[smem:$0x3FB2] =	sst s9;
	s0 =	simm.s32 @!p0 $0x0  }
0x12: {  	s1 =	sld [smem:$0x3F98];
	s0 =	simm.s32 @p0 $0x1  }
0x13: {  	[smem:$0x3FB3] =	sst s0;
	s0 =	simm.s32 @!p1 $0x0  }
0x14: {  	s2 =	sld [smem:$0x3F97];
	s0 =	simm.s32 @p1 $0x1  }
0x15: {  	[smem:$0x3FB4] =	sst s0;
	s0 =	simm.s32 @!p2 $0x0  }
0x16: {  	s3 =	sld [smem:$0x3FDB];
	s0 =	simm.s32 @p2 $0x1  }
0x17: {  	s4 =	simm.s32 $0x1BF5;
	[smem:$0x3FB6] =	sst s0  }
0x18: {  	s0 =	sld [smem:$0x3F99];
	_ =	swait.ge [sflag:s4], $0x0  }
0x19: {  	s7 =	sld [smem:$0x3F9A]  }
0x1a: {  	s8 =	sadd.s32 $0xFFFFE003, lr  }
0x1b: {  	s9 =	sadd.s32 $0xFFFFFEF7, lr;
	s5 =	simm.s32 $0xFFFFFFFF;
	p2 =	slt.u32 s8, $0xFFFFF086  }
0x1c: {  	p1 =	slt.u32 s9, $0xF7A;
	s5 =	simm.s32 @!p2 $0x0  }
0x1d: {  	s5 =	simm.s32 @p1 $0x1;
	p0 =	seq.s32 s7, s2  }
0x1e: {  	s7 =	smul.u32 @!p0 $0xF7A, s2;
	p2 =	seq.s32 @!p0 s5, $0x0  }
0x1f: {  	s9 =	smul.u32 $0xF7A, s1;
	s8 =	simm.s32 @!p0 $0x1BF5;
	p2 =	por !p2, p0  }
0x20: {  	[sflag:s8] =	ssyncset.s32 @!p0 $0xFFFFF086;
	s6 =	sadd.s32 @!p0 s3, s7;
	s7 =	simm.s32 @!p0 $0x108  }
0x21: {  	s3 =	sadd.s32 s3, s9;
	s6 =	sadd.s32 @!p0 $0x88, s6;
	s7 =	simm.s32 @p2 $0x1082  }
0x22: {  	[simem:s7], [sflag:s8] =	dma.local @!p0 [hbm:s6], $0xF7A  }
0x23: {  	s9 =	sor.u32 $0xD0000000, s2;
	s6 =	simm.s32 $0x108;
	_ =	swait.ge @!p0 [sflag:s8], $0x0  }
0x24: {  	s3 =	sadd.s32 $0x88, s3;
	s6 =	simm.s32 @!p1 $0x1082;
	[sflag:s4] =	ssyncset.s32 $0xFFFFF086  }
0x25: {  	[simem:s6], [sflag:s4] =	dma.local [hbm:s3], $0xF7A  }
0x26: {  	[smem:$0x3F9A] =	sst s1;
	(tag) =	ssettag s2;
	_ =	strace s9  }
0x27: {  	s1 =	sld [smem:$0x3FAA]  }
0x28: {  	s2 =	sld [smem:$0x3FAB]  }
0x29: {  	s4 =	sld [smem:$0x3FAD]  }
0x2a: {  	p0 =	seq.s32 s5, $0x0;
	s5 =	sld [smem:$0x3FAE]  }
0x2b: {  	s6 =	sld [smem:$0x3FAF]  }
0x2c: {  	s7 =	sld [smem:$0x3FB0]  }
0x2d: {  	s3 =	simm.s32 $0x108;
	s8 =	sld [smem:$0x3FB1]  }
0x2e: {  	s3 =	simm.s32 @!p0 $0x1082;
	s9 =	sld [smem:$0x3FB2]  }
0x2f: {  	lr =	sadd.s32 s0, s3;
	s0 =	sld [smem:$0x3FA9]  }
0x30: {  	s3 =	sld [smem:$0x3FAC]  }
0x31: {  	[smem:$0x3FB5] =	sst s10  }
0x32: {  	s10 =	sld [smem:$0x3FB3];
	_ =	sdelay $0x3  }
0x33: {  	p0 =	seq.s32 s10, $0x1;
	s10 =	sld [smem:$0x3FB5];
	_ =	sdelay $0x3  }
0x34: {  	[smem:$0x3FB5] =	sst s10  }
0x35: {  	s10 =	sld [smem:$0x3FB4];
	_ =	sdelay $0x3  }
0x36: {  	p1 =	seq.s32 s10, $0x1;
	s10 =	sld [smem:$0x3FB5];
	_ =	sdelay $0x3  }
0x37: {  	[smem:$0x3FB5] =	sst s10  }
0x38: {  	s10 =	sld [smem:$0x3FB6]  }
0x39: {  	_ = 	snop;
	(pc) =	sbr.ind lr, $3  }
0x3a: {  	_ = 	snop  }
0x3b: {  	_ = 	snop  }
0x3c: {  	p2 =	seq.s32 s10, $0x1;
	s10 =	sld [smem:$0x3FB5]  }
0x3d: {  	_ =	shalt  }
0x3e: {  	_ =	shalt  }
0x3f: {  	_ =	shalt  }
0x40: {  	_ =	shalt  }
0x41: {  	_ =	shalt  }
0x42: {  	_ =	shalt  }
0x43: {  	_ =	shalt  }
0x44: {  	_ =	shalt  }
0x45: {  	_ =	shalt  }
0x46: {  	_ =	shalt  }
0x47: {  	_ =	shalt  }
0x48: {  	_ =	shalt  }
0x49: {  	_ =	shalt  }
0x4a: {  	_ =	shalt  }
0x4b: {  	_ =	shalt  }
0x4c: {  	_ =	shalt  }
0x4d: {  	_ =	shalt  }
0x4e: {  	_ =	shalt  }
0x4f: {  	_ =	shalt  }
0x50: {  	_ =	shalt  }
0x51: {  	_ =	shalt  }
0x52: {  	_ =	shalt  }
0x53: {  	_ =	shalt  }
0x54: {  	_ =	shalt  }
0x55: {  	_ =	shalt  }
0x56: {  	_ =	shalt  }
0x57: {  	_ =	shalt  }
0x58: {  	_ =	shalt  }
0x59: {  	_ =	shalt  }
0x5a: {  	_ =	shalt  }
0x5b: {  	_ =	shalt  }
0x5c: {  	_ =	shalt  }
0x5d: {  	_ =	shalt  }
0x5e: {  	_ =	shalt  }
0x5f: {  	_ =	shalt  }
0x60: {  	_ =	shalt  }
0x61: {  	_ =	shalt  }
0x62: {  	_ =	shalt  }
0x63: {  	_ =	shalt  }
0x64: {  	_ =	shalt  }
0x65: {  	_ =	shalt  }
0x66: {  	_ =	shalt  }
0x67: {  	_ =	shalt  }
0x68: {  	_ =	shalt  }
0x69: {  	_ =	shalt  }
0x6a: {  	_ =	shalt  }
0x6b: {  	_ =	shalt  }
0x6c: {  	_ =	shalt  }
0x6d: {  	_ =	shalt  }
0x6e: {  	_ =	shalt  }
0x6f: {  	_ =	shalt  }
0x70: {  	_ =	shalt  }
0x71: {  	_ =	shalt  }
0x72: {  	_ =	shalt  }
0x73: {  	_ =	shalt  }
0x74: {  	_ =	shalt  }
0x75: {  	_ =	shalt  }
0x76: {  	_ =	shalt  }
0x77: {  	_ =	shalt  }
0x78: {  	_ =	shalt  }
0x79: {  	_ =	shalt  }
0x7a: {  	_ =	shalt  }
0x7b: {  	_ =	shalt  }
0x7c: {  	_ =	shalt  }
0x7d: {  	_ =	shalt  }
0x7e: {  	_ =	shalt  }
0x7f: {  	_ =	shalt  }
0x80: {  	_ =	shalt  }
0x81: {  	_ =	shalt  }
0x82: {  	_ =	shalt  }
0x83: {  	_ =	shalt  }
0x84: {  	_ =	shalt  }
0x85: {  	_ =	shalt  }
0x86: {  	_ =	shalt  }
0x87: {  	_ =	shalt  }
.Lfunc_end0:
.L_simem_size_0:
called_computation_lowered:
.L_overlay_start_0:
0x88: {  	s2 =	sld [smem:$0x3FD9]  }
0x89: {  	s3 =	sld [smem:$0x3FFE];
	_ =	sdelay $0x1  }
0x8a: {  	s1 =	srdreg.scid  }
0x8b: {  	s0 =	sand.u32 $0x1, s1  }
0x8c: {  	s16 =	sshll.u32 s0, $0xA;
	s2 =	sadd.s32 s3, s2  }
0x8d: {  	s2 =	sadd.s32 s2, s16  }
0x8e: {  	[smem:$0x3FC1] =	sst s2  }
0x8f: {  	_ = 	snop  }
0x90: {  	(tm) =	ssettm $0x1  }
0x91: {  	s17 =	sld [smem:$0x3FFB];
	_ =	sdelay $0x3  }
0x92: {  	_ =	strace s17  }
0x93: {  	s2 =	sld [smem:$0x3FFC];
	_ =	sdelay $0x3  }
0x94: {  	_ =	strace s2  }
0x95: {  	s2 =	sld [smem:$0x3FFD];
	_ =	sdelay $0x3  }
0x96: {  	_ =	strace s2  }
0x97: {  	_ =	strace $0x8FFFFFFF  }
0x98: {  	s18 =	sld [smem:$0x3FDB];
	_ =	sdelay $0x1  }
0x99: {  	s19 =	simm.s32 $_scs_section_size  }
0x9a: {  	s4 =	simm.s32 $_size__tile_overlayer_lowered;
	s5 =	simm.s32 $_tile_overlayer_lowered  }
0x9b: {  	s22 =	simm.s32 $0x1BFF;
	s21 =	sshll.u32 s5, $0x1;
	s2 =	sadd.s32 s19, s18  }
0x9c: {  	s6 =	simm.s32 $0x0;
	s20 =	sshll.u32 s4, $0x1;
	s4 =	sadd.s32 s21, s2  }
0x9d: {  	[timem:s6], [sflag:s22] =	dma.local [hbm:s4], s20  }
0x9e: {  	_ =	swait.ge [sflag:s22], s20  }
0x9f: {  	s3 =	ssub.s32 $0x0, s20;
	[sflag:s22] =	ssyncset.done $0x0  }
0xa0: {  	[sflag:s22] =	ssyncadd.s32 s3;
	_ =	sdelay $0x1  }
0xa1: {  	s23 =	simm.s32 $0x1B8B  }
0xa2: {  	_ =	swait.ge [sflag:s23], $0x1  }
0xa3: {  	[sflag:s23] =	ssyncset.done $0x0  }
0xa4: {  	s25 =	simm.s32 $0x1B8E;
	s24 =	sld [smem:$0x3FFE];
	[sflag:s23] =	ssyncadd.s32 $0xFFFFFFFF  }
0xa5: {  	s26 =	simm.s32 $execute0_lowered;
	[smem:$0x3FD2] =	sst s25  }
0xa6: {  	s4 =	sshll.u32 s26, $0x1;
	_ =	strace $0x80000046;
	[dreg:$0x1] =	wrdreg $0xFFFFFFFF  }
0xa7: {  	s28 =	simm.s32 $_size_execute0_lowered;
	s2 =	sadd.s32 s2, s4;
	[dreg:$0x0] =	wrdreg $0x0  }
0xa8: {  	s4 =	sshll.u32 s28, $0x1;
	[dreg:$0x2] =	wrdreg s2  }
0xa9: {  	[dreg:$0x3] =	wrdreg s4  }
0xaa: {  	[dreg:$0x4] =	wrdreg $0xC0  }
0xab: {  	_ =	task [dreg:s6], $0x5FFFF  }
0xac: {  	[dreg:$0x1] =	wrdreg $0xFFFFFFFF  }
0xad: {  	[dreg:$0x0] =	wrdreg $0x60  }
0xae: {  	[dreg:$0x2] =	wrdreg s24  }
0xaf: {  	[dreg:$0x3] =	wrdreg $0x52800  }
0xb0: {  	[dreg:$0x4] =	wrdreg $0x9  }
0xb1: {  	_ =	task.clear_ibuf [dreg:s6], $0x5FFFF;
	_ =	strace $0x90000046  }
0xb2: {  	s29 =	simm.s32 $0x9;
	_ =	strace $0x80000048  }
0xb3: {  	_ =	swait.ge [sflag:s29], $0x1  }
0xb4: {  	[sflag:s29] =	ssyncadd.s32 $0xFFFFFFFF  }
0xb5: {  	_ =	strace $0x90000048  }
0xb6: {  	_ =	sfence  }
0xb7: {  	s30 =	sld [smem:$0x0];
	_ =	sdelay $0x2  }
0xb8: {  	s31 =	sshll.u32 s1, $0xD;
	s1 =	sshrl.u32 s1, $0x2  }
0xb9: {  	s3 =	sand.u32 $0x4000, s31;
	s1 =	sadd.s32 s1, s30  }
0xba: {  	s0 =	sor.u32 s3, s0;
	s1 =	sshll.u32 s1, $0x11  }
0xbb: {  	s0 =	sor.u32 s1, s0  }
0xbc: {  	s0 =	sadd.s32 $0x8F2B, s0  }
0xbd: {  	[sflag:s0] =	ssyncadd.remote.s32 $0x1  }
0xbe: {  	_ =	sfence.sel $0xFFFF  }
0xbf: {  	[dreg:$0x0] =	wrdreg $0xFFFFFFFF;
	(pc) =	sbr.abs _section_cstart, $3  }
0xc0: {  	[dreg:$0x1] =	wrdreg $0xFFFFFFFF  }
0xc1: {  	_ =	task.clear_ibuf [dreg:s6], $0x2FFFF;
	_ =	strace $0x9FFFFFFF  }
0xc2: {  	(tm) =	ssettm $0x7FFFFFFF  }
0xc3: {  	_ =	shalt  }
tec
execute0_lowered:
.L_overlay_start_1:
0x0: {  	(tag) =	ssettag $0x1  }
0x1: {  	s4 =	rddreg [dreg:$0x0]  }
0x2: {  	s1 =	rddreg [dreg:$0x1]  }
0x3: {  	s2 =	srdreg.scid;
	s0 =	rddreg [dreg:$0x2];
	s3 =	simm.s32 $0x0  }
0x4: {  	s10 =	simm.s32 $0x2;
	s11 =	simm.s32 $0x1400;
	s12 =	simm.s32 $0x80  }
0x5: {  	s13 =	simm.s32 $0x1480;
	s14 =	simm.s32 $0x100;
	s15 =	simm.s32 $0x1500  }
0x6: {  	s16 =	simm.s32 $0x180;
	s17 =	simm.s32 $0x1580;
	s18 =	simm.s32 $0x200  }
0x7: {  	s19 =	simm.s32 $0x1600;
	s20 =	simm.s32 $0x280;
	s21 =	simm.s32 $0x1680  }
0x8: {  	s22 =	simm.s32 $0x1;
	s23 =	simm.s32 $0x2A80;
	s5 =	sand.u32 $0x1, s2  }
0x9: {  	s24 =	simm.s32 $0x0;
	s2 =	stileid.u32;
	s7 =	smul.u32 $0x28000, s5  }
0xa: {  	[smem:$0x7FF] =	sst s3;
	s6 =	sshll.u32 s5, $0x4;
	s8 =	smul.u32 $0x2800, s2  }
0xb: {  	s5 =	ssub.s32 $0x2, s5;
	s30 =	smul.u32 $0xA00, s2;
	s6 =	sor.u32 s2, s6  }
0xc: {  	_ =	strace $0x80000047;
	s9 =	sshrl.u32 s5, $0x1;
	s6 =	smul.u32 $0x280, s6  }
0xd: {  	s7 =	sadd.s32 s8, s7;
	s9 =	ssub.s32 s5, s9;
	s31 =	sshrl.u32 s30, $0x2  }
0xe: {  	s7 =	sshrl.u32 s7, $0x3;
	s8 =	smax.u32 s9, $0x1;
	s9 =	simm.s32 $0x2800  }
0xf: {  	s6 =	sadd.s32 s6, s4;
	s7 =	sadd.s32 s7, s4;
	s4 =	sadd.s32 s31, s1  }
0x10: {  	v0 =	vimm.f32 $0.0e+00;
	s5 =	sadd.s32 $0x2000, s6;
	s6 =	sadd.s32 $0x7000, s6;
	s7 =	sadd.s32 $0xC000, s7  }
.LBB2_1:
0x11: {  	[tilespmem:$0x2800] =	vst v0  }
0x12: {  	[tilespmem:$0x2810] =	vst v0  }
0x13: {  	[tilespmem:$0x2820] =	vst v0  }
0x14: {  	[tilespmem:$0x2830] =	vst v0  }
0x15: {  	[tilespmem:$0x2840] =	vst v0  }
0x16: {  	[tilespmem:$0x2850] =	vst v0  }
0x17: {  	[tilespmem:$0x2860] =	vst v0  }
0x18: {  	[tilespmem:$0x2870] =	vst v0  }
0x19: {  	[tilespmem:$0x2880] =	vst v0  }
0x1a: {  	[tilespmem:$0x2890] =	vst v0  }
0x1b: {  	[tilespmem:$0x28A0] =	vst v0  }
0x1c: {  	[tilespmem:$0x28B0] =	vst v0  }
0x1d: {  	[tilespmem:$0x28C0] =	vst v0  }
0x1e: {  	[tilespmem:$0x28D0] =	vst v0  }
0x1f: {  	[tilespmem:$0x28E0] =	vst v0  }
0x20: {  	[tilespmem:$0x28F0] =	vst v0  }
0x21: {  	[tilespmem:$0x2900] =	vst v0  }
0x22: {  	[tilespmem:$0x2910] =	vst v0  }
0x23: {  	[tilespmem:$0x2920] =	vst v0  }
0x24: {  	[tilespmem:$0x2930] =	vst v0  }
0x25: {  	[tilespmem:$0x2940] =	vst v0  }
0x26: {  	[tilespmem:$0x2950] =	vst v0  }
0x27: {  	[tilespmem:$0x2960] =	vst v0  }
0x28: {  	[tilespmem:$0x2970] =	vst v0  }
0x29: {  	[tilespmem:$0x2980] =	vst v0  }
0x2a: {  	[tilespmem:$0x2990] =	vst v0  }
0x2b: {  	[tilespmem:$0x29A0] =	vst v0  }
0x2c: {  	[tilespmem:$0x29B0] =	vst v0  }
0x2d: {  	[tilespmem:$0x29C0] =	vst v0  }
0x2e: {  	[tilespmem:$0x29D0] =	vst v0  }
0x2f: {  	[tilespmem:$0x29E0] =	vst v0  }
0x30: {  	[tilespmem:$0x29F0] =	vst v0  }
0x31: {  	[tilespmem:$0x2A00] =	vst v0  }
0x32: {  	[tilespmem:$0x2A10] =	vst v0  }
0x33: {  	[tilespmem:$0x2A20] =	vst v0  }
0x34: {  	[tilespmem:$0x2A30] =	vst v0  }
0x35: {  	[tilespmem:$0x2A40] =	vst v0  }
0x36: {  	[tilespmem:$0x2A50] =	vst v0  }
0x37: {  	[tilespmem:$0x2A60] =	vst v0  }
0x38: {  	[tilespmem:$0x2A70] =	vst v0  }
0x39: {  	[spmem:s4] =	stream.linear.scatter [tilespmem:s9], [sflag:$0x2], $0x280, $0x38;
	[tilespmem:$0x5500] =	vst v63  }
0x3a: {  	_ =	swait.ge [sflag:s10], $0x280  }
0x3b: {  	[sflag:s10] =	ssyncset.done $0x0  }
0x3c: {  	[sflag:s10] =	ssyncadd.s32 $0xFFFFFD80  }
0x3d: {  	[tilespmem:s3], [sflag:$0x2] =	stream.linear.gather [hbm4b:s5+s3], $0x1400, $0x38;
	[tilespmem:$0x5500] =	vst v63  }
0x3e: {  	_ =	swait.ge [sflag:s10], $0x1400  }
0x3f: {  	[sflag:s10] =	ssyncset.done $0x0  }
0x40: {  	[sflag:s10] =	ssyncadd.s32 $0xFFFFEC00  }
0x41: {  	[tilespmem:s11], [sflag:$0x2] =	stream.linear.gather [hbm4b:s6+s3], $0x1400, $0x38;
	[tilespmem:$0x5500] =	vst v63  }
0x42: {  	_ =	swait.ge [sflag:s10], $0x1400  }
0x43: {  	[sflag:s10] =	ssyncset.done $0x0  }
0x44: {  	[sflag:s10] =	ssyncadd.s32 $0xFFFFEC00  }
0x45: {  	[bflag:$0x0] =	sbarrier.arrive $0xFFFF  }
0x46: {  	[spmem:s1] =	stream.indirect.scatter.add.f32 [tilespmem:s11], [sflag:$0x1], $0x1, s3, s12, $0xb8;
	[tilespmem:$0x5500] =	vst v63  }
0x47: {  	_ = 	snop  }
0x48: {  	[spmem:s1] =	stream.indirect.scatter.add.f32 [tilespmem:s13], [sflag:$0x1], $0x1, s12, s12, $0xb8;
	[tilespmem:$0x5500] =	vst v63  }
0x49: {  	_ = 	snop  }
0x4a: {  	[spmem:s1] =	stream.indirect.scatter.add.f32 [tilespmem:s15], [sflag:$0x1], $0x1, s14, s12, $0xb8;
	[tilespmem:$0x5500] =	vst v63  }
0x4b: {  	_ = 	snop  }
0x4c: {  	[spmem:s1] =	stream.indirect.scatter.add.f32 [tilespmem:s17], [sflag:$0x1], $0x1, s16, s12, $0xb8;
	[tilespmem:$0x5500] =	vst v63  }
0x4d: {  	_ = 	snop  }
0x4e: {  	[spmem:s1] =	stream.indirect.scatter.add.f32 [tilespmem:s19], [sflag:$0x1], $0x1, s18, s12, $0xb8;
	[tilespmem:$0x5500] =	vst v63  }
0x4f: {  	p0 =	por $0x0, $0x0  }
0x50: {  	[spmem:s1] =	stream.indirect.scatter.add.f32 [tilespmem:s21], [sflag:$0x1], $0x1, s20, s12, $0xb8;
	[tilespmem:$0x5500] =	vst v63  }
0x51: {  	s25 =	simm.s32 $0x300;
	s26 =	simm.s32 $0x1700;
	s28 =	simm.s32 @!p0 $0x80  }
0x52: {  	[spmem:s1] =	stream.indirect.scatter.add.f32 @!p0 [tilespmem:s26], [sflag:$0x1], $0x1, s25, s28, $0xb8;
	[tilespmem:$0x5500] =	vst v63  }
0x53: {  	_ =	swait.ge [sflag:s22], $0x80  }
0x54: {  	s26 =	simm.s32 $0x1;
	s28 =	simm.s32 $0x1780;
	[sflag:s22] =	ssyncset.done $0x0  }
.LBB2_2:
0x55: {  	s29 =	smov.u32 s26;
	s26 =	sadd.s32 $0x1, s26  }
0x56: {  	[sflag:s22] =	ssyncadd.s32 $0xFFFFFF80;
	s25 =	sadd.s32 $0x80, s25;
	p1 =	sne.s32 s26, $0x28  }
.Ltmp0:
0x57: {  	p0 =	sgt.u32 s29, $0x21;
	(pc) =	sbr.rel @p1 .LBB2_2-.Ltmp0, $4  }
0x58: {  	s29 =	simm.s32 @!p0 $0x80  }
0x59: {  	[spmem:s1] =	stream.indirect.scatter.add.f32 @!p0 [tilespmem:s28], [sflag:$0x1], $0x1, s25, s29, $0xb8;
	[tilespmem:$0x5500] =	vst v63  }
0x5a: {  	_ =	swait.ge [sflag:s22], $0x80  }
0x5b: {  	s28 =	sadd.s32 $0x80, s28;
	[sflag:s22] =	ssyncset.done $0x0  }
0x5c: {  	[sflag:s22] =	ssyncadd.s32 $0xFFFFFF80  }
0x5d: {  	[bflag:$0x0] =	sbarrier.arrive $0xFFFF  }
0x5e: {  	[tilespmem:s9], [sflag:$0x2] =	stream.linear.gather [spmem:s4], $0x280, $0x38;
	[tilespmem:$0x5500] =	vst v63  }
0x5f: {  	_ =	swait.ge [sflag:s10], $0x280  }
0x60: {  	[sflag:s10] =	ssyncset.done $0x0  }
0x61: {  	s25 =	simm.s32 $0x0;
	[sflag:s10] =	ssyncadd.s32 $0xFFFFFD80  }
0x62: {  	v1 =	vld [tilespmem:s25+$0x2800];
	_ =	sdelay $0x4  }
0x63: {  	v2 =	vbroadcast v1, $0x0  }
0x64: {  	s25 =	simm.s32 $0x2B00;
	v3 =	vbroadcast v1, $0x1  }
0x65: {  	v4 =	vbroadcast v1, $0x2;
	[tilespmem:s25+$0xFFFFFF80] =	vst v2  }
0x66: {  	v60 =	vbroadcast v1, $0x5;
	[tilespmem:s25+$0xFFFFFF90] =	vst v3  }
0x67: {  	v61 =	vbroadcast v1, $0x8;
	[tilespmem:s25+$0xFFFFFFA0] =	vst v4  }
0x68: {  	v62 =	vbroadcast v1, $0xB;
	[tilespmem:s25+$0xFFFFFFD0] =	vst v60  }
0x69: {  	v63 =	vbroadcast v1, $0xE;
	[tilespmem:s25+$0x0] =	vst v61  }
0x6a: {  	v2 =	vbroadcast v1, $0x3;
	[tilespmem:s25+$0x30] =	vst v62  }
0x6b: {  	v3 =	vbroadcast v1, $0x4;
	[tilespmem:s25+$0x60] =	vst v63  }
0x6c: {  	[tilespmem:s25+$0xFFFFFFB0] =	vst v2;
	v2 =	vbroadcast v1, $0x6  }
0x6d: {  	[tilespmem:s25+$0xFFFFFFC0] =	vst v3;
	v3 =	vbroadcast v1, $0x7  }
0x6e: {  	[tilespmem:s25+$0xFFFFFFE0] =	vst v2;
	v2 =	vbroadcast v1, $0x9  }
0x6f: {  	[tilespmem:s25+$0xFFFFFFF0] =	vst v3;
	v3 =	vbroadcast v1, $0xA  }
0x70: {  	[tilespmem:s25+$0x10] =	vst v2;
	v2 =	vbroadcast v1, $0xC  }
0x71: {  	[tilespmem:s25+$0x20] =	vst v3;
	v3 =	vbroadcast v1, $0xD  }
0x72: {  	v1 =	vbroadcast v1, $0xF;
	[tilespmem:s25+$0x40] =	vst v2  }
0x73: {  	[tilespmem:s25+$0x50] =	vst v3  }
0x74: {  	s28 =	simm.s32 $0x10;
	s26 =	simm.s32 $0x80;
	[tilespmem:s25+$0x70] =	vst v1  }
.LBB2_4:
0x75: {  	p0 =	sne.s32 s26, $0x9C0;
	v1 =	vld [tilespmem:s28+$0x2800];
	_ =	sdelay $0x4  }
0x76: {  	v2 =	vbroadcast v1, $0x0;
	v3 =	vbroadcast v1, $0x1  }
0x77: {  	s25 =	sadd.s32 $0x100, s25;
	v4 =	vbroadcast v1, $0x2;
	v5 =	vbroadcast v1, $0x3  }
0x78: {  	v6 =	vbroadcast v1, $0x5;
	[tilespmem:s25+$0xFFFFFF80] =	vst v2;
	v2 =	vbroadcast v1, $0x4  }
0x79: {  	v7 =	vbroadcast v1, $0x7;
	[tilespmem:s25+$0xFFFFFF90] =	vst v3;
	v3 =	vbroadcast v1, $0x6  }
0x7a: {  	v8 =	vbroadcast v1, $0x9;
	[tilespmem:s25+$0xFFFFFFA0] =	vst v4;
	v4 =	vbroadcast v1, $0x8  }
0x7b: {  	v9 =	vbroadcast v1, $0xB;
	[tilespmem:s25+$0xFFFFFFB0] =	vst v5;
	v5 =	vbroadcast v1, $0xA  }
0x7c: {  	v10 =	vbroadcast v1, $0xD;
	[tilespmem:s25+$0xFFFFFFC0] =	vst v2;
	v2 =	vbroadcast v1, $0xC  }
0x7d: {  	[tilespmem:s25+$0xFFFFFFD0] =	vst v6;
	v6 =	vbroadcast v1, $0xE;
	v1 =	vbroadcast v1, $0xF  }
0x7e: {  	[tilespmem:s25+$0xFFFFFFE0] =	vst v3  }
0x7f: {  	[tilespmem:s25+$0xFFFFFFF0] =	vst v7  }
0x80: {  	[tilespmem:s25+$0x0] =	vst v4  }
0x81: {  	[tilespmem:s25+$0x10] =	vst v8  }
0x82: {  	[tilespmem:s25+$0x20] =	vst v5  }
.Ltmp1:
0x83: {  	[tilespmem:s25+$0x30] =	vst v9;
	(pc) =	sbr.rel @p0 .LBB2_4-.Ltmp1, $4  }
0x84: {  	[tilespmem:s25+$0x40] =	vst v2  }
0x85: {  	[tilespmem:s25+$0x50] =	vst v10  }
0x86: {  	[tilespmem:s25+$0x60] =	vst v6  }
0x87: {  	s28 =	sshra.s32 s26, $0x2;
	s26 =	sadd.s32 $0x40, s26;
	[tilespmem:s25+$0x70] =	vst v1  }
0x88: {  	v1 =	vld [tilespmem:s28+$0x2800];
	_ =	sdelay $0x4  }
0x89: {  	v2 =	vbroadcast v1, $0x0  }
0x8a: {  	s25 =	sadd.s32 $0x100, s25;
	v3 =	vbroadcast v1, $0x1  }
0x8b: {  	v4 =	vbroadcast v1, $0x2;
	[tilespmem:s25+$0xFFFFFF80] =	vst v2  }
0x8c: {  	v60 =	vbroadcast v1, $0x5;
	[tilespmem:s25+$0xFFFFFF90] =	vst v3  }
0x8d: {  	v61 =	vbroadcast v1, $0x8;
	[tilespmem:s25+$0xFFFFFFA0] =	vst v4  }
0x8e: {  	v62 =	vbroadcast v1, $0xB;
	[tilespmem:s25+$0xFFFFFFD0] =	vst v60  }
0x8f: {  	v63 =	vbroadcast v1, $0xE;
	[tilespmem:s25+$0x0] =	vst v61  }
0x90: {  	v2 =	vbroadcast v1, $0x3;
	[tilespmem:s25+$0x30] =	vst v62  }
0x91: {  	v3 =	vbroadcast v1, $0x4;
	[tilespmem:s25+$0x60] =	vst v63  }
0x92: {  	[tilespmem:s25+$0xFFFFFFB0] =	vst v2;
	v2 =	vbroadcast v1, $0x6  }
0x93: {  	[tilespmem:s25+$0xFFFFFFC0] =	vst v3;
	v3 =	vbroadcast v1, $0x7  }
0x94: {  	[tilespmem:s25+$0xFFFFFFE0] =	vst v2;
	v2 =	vbroadcast v1, $0x9  }
0x95: {  	[tilespmem:s25+$0xFFFFFFF0] =	vst v3;
	v3 =	vbroadcast v1, $0xA  }
0x96: {  	[tilespmem:s25+$0x10] =	vst v2;
	v2 =	vbroadcast v1, $0xC  }
0x97: {  	[tilespmem:s25+$0x20] =	vst v3;
	v3 =	vbroadcast v1, $0xD  }
0x98: {  	s24 =	sadd.s32 $0x1, s24;
	v1 =	vbroadcast v1, $0xF;
	[tilespmem:s25+$0x40] =	vst v2  }
0x99: {  	p0 =	sne.s32 s24, s8;
	[tilespmem:s25+$0x50] =	vst v3  }
.Ltmp2:
0x9a: {  	[tilespmem:s25+$0x70] =	vst v1;
	(pc) =	sbr.rel @p0 .LBB2_1-.Ltmp2, $4  }
0x9b: {  	[hbm4b:s7+s3] =	stream.linear.scatter [tilespmem:s23], [sflag:$0x2], $0x2800, $0x38;
	[tilespmem:$0x5500] =	vst v63  }
0x9c: {  	_ =	swait.ge [sflag:s10], $0x2800  }
0x9d: {  	[sflag:s10] =	ssyncset.done $0x0  }
0x9e: {  	[sflag:s10] =	ssyncadd.s32 $0xFFFFD800  }
0x9f: {  	_ =	sfence.sel $0x180000  }
0xa0: {  	[bflag:$0x0] =	sbarrier.arrive $0xFFFF  }
0xa1: {  	p0 =	sne.s32 s2, $0x0;
	_ =	strace $0x90000047  }
0xa2: {  	s0 =	sadd.s32 @!p0 $0x100000, s0;
	[bflag:$0x2] =	sbarrier.arrive $0xFFFF  }
0xa3: {  	[sflag:s0] =	ssyncadd.tile.s32 @!p0 $0x1;
	_ =	shalt  }
.Lfunc_end2:
_tile_overlayer_lowered:
.L_overlay_start_2:
0xa4: {  	(tag) =	ssettag $0x2  }
0xa5: {  	s0 =	rddreg [dreg:$0x0];
	s2 =	stileid.u32  }
0xa6: {  	s1 =	rddreg [dreg:$0x1];
	p0 =	sne.s32 s2, $0x0  }
0xa7: {  	s3 =	rddreg [dreg:$0x2];
	[bflag:$0x3] =	sbarrier.arrive $0xFFFF;
	s2 =	simm.s32 @!p0 $0x1C02  }
0xa8: {  	[timem:s3], [sflag:s2] =	dma.local @!p0 [hbm:s0], s1  }
0xa9: {  	s0 =	simm.s32 @!p0 $0x2  }
0xaa: {  	_ =	swait.ge @!p0 [sflag:s0], s1  }
0xab: {  	s1 =	ssub.s32 @!p0 $0x0, s1;
	[sflag:s0] =	ssyncset.done @!p0 $0x0  }
0xac: {  	[sflag:s0] =	ssyncadd.s32 @!p0 s1  }
0xad: {  	[bflag:$0x3] =	sbarrier.arrive $0xFFFF  }
0xae: {  	_ =	shalt  }

</sc_bundles>
